<compile_context>
chip_gen: v7x
topology: tpu7x:2x2x1
jax: 0.10.2.dev20260603
libtpu: 0.0.44.dev20260713+nightly
codegen_flags: <defaults>
</compile_context>

<pallas_src>
import functools

import jax
import jax.numpy as jnp
from jax import lax
from jax.experimental import pallas as pl
from jax.experimental.pallas import tpu as pltpu
from jax.experimental.pallas import tpu_sc as plsc

_FT_MAIN = 2048
_BAND = 64
_LANES = 16
_NBUF = 8


def _build_ft_gather(n_feat):
    mesh = plsc.VectorSubcoreMesh(core_axis_name="c", subcore_axis_name="s")
    psq_per_worker = 8
    psq_workers = n_feat // psq_per_worker

    @functools.partial(
        pl.kernel,
        mesh=mesh,
        compiler_params=pltpu.CompilerParams(needs_layout_passes=False),
        out_type=(
            jax.ShapeDtypeStruct((_FT_MAIN,), jnp.float32),
            jax.ShapeDtypeStruct((_FT_MAIN,), jnp.float32),
            jax.ShapeDtypeStruct((n_feat, 128), jnp.float32),
        ),
        scratch_types=[
            pltpu.VMEM((n_feat,), jnp.int32),
            pltpu.VMEM((n_feat,), jnp.int32),
            pltpu.VMEM((n_feat,), jnp.int32),
            pltpu.VMEM((n_feat,), jnp.float32),
            pltpu.VMEM((n_feat,), jnp.float32),
            pltpu.VMEM((_NBUF, _BAND, 128), jnp.float32),
            pltpu.VMEM((_BAND,), jnp.float32),
            pltpu.VMEM((_BAND,), jnp.float32),
            pltpu.VMEM((psq_per_worker, 128), jnp.float32),
            [pltpu.SemaphoreType.DMA] * _NBUF,
            pltpu.SemaphoreType.DMA,
        ],
    )
    def ft_gather(t_hbm, idx_w_hbm, idx_b_hbm, out_w, out_b, out_psq,
                  idx_v, base_v, lane_v, wgt_w_v, wgt_b_v, buf_v,
                  acc_w_v, acc_b_v, prow_v, sems, psem):
        c = lax.axis_index("c")
        s = lax.axis_index("s")
        wid = c * 16 + s
        c0 = pl.multiple_of(wid * _BAND, _BAND)
        psq_last_row = t_hbm.shape[0] - 1

        pltpu.sync_copy(idx_w_hbm, idx_v.at[pl.ds(0, n_feat // 2)])
        pltpu.sync_copy(idx_b_hbm, idx_v.at[pl.ds(n_feat // 2, n_feat // 2)])
        n_ch = n_feat // _LANES
        for k in range(n_ch):
            sl = pl.ds(k * _LANES, _LANES)
            ch = idx_v[sl]
            safe = jnp.maximum(ch, 0)
            maskf = jnp.where(ch >= 0, 1.0, 0.0).astype(jnp.float32)
            zerof = jnp.zeros((_LANES,), jnp.float32)
            base_v[sl] = safe & ~jnp.int32(127)
            lane_v[sl] = safe & jnp.int32(127)
            wgt_w_v[sl] = maskf if k < n_ch // 2 else zerof
            wgt_b_v[sl] = zerof if k < n_ch // 2 else maskf

        def _fetch_scalar(ref, j):
            return plsc.load_gather(ref, [jnp.full((_LANES,), j, jnp.int32)])[0]

        def _window_copy(j, slot):
            base_j = pl.multiple_of(_fetch_scalar(base_v, j), 128)
            pltpu.async_copy(
                t_hbm.at[pl.ds(c0, _BAND), pl.ds(base_j, 128)],
                buf_v.at[slot], sems[slot])

        zero = jnp.zeros((_LANES,), jnp.float32)
        for k in range(_BAND // _LANES):
            acc_w_v[pl.ds(k * _LANES, _LANES)] = zero
            acc_b_v[pl.ds(k * _LANES, _LANES)] = zero

        is_psq = s < psq_workers // 2
        pbase = (c * (psq_workers // 2) + s) * psq_per_worker

        @pl.when(is_psq)
        def _psq_start():
            for i in range(psq_per_worker):
                pb = pl.multiple_of(_fetch_scalar(base_v, pbase + i), 128)
                pltpu.async_copy(
                    t_hbm.at[pl.ds(psq_last_row, 1), pl.ds(pb, 128)],
                    prow_v.at[pl.ds(i, 1)], psem)

        for t in range(_NBUF):
            _window_copy(t, t)

        def _outer(i, _):
            j0 = i * _NBUF
            for t in range(_NBUF):
                j = j0 + t
                pltpu.make_async_copy(
                    t_hbm.at[pl.ds(c0, _BAND), pl.ds(0, 128)],
                    buf_v.at[t], sems[t]).wait()
                lane_j = _fetch_scalar(lane_v, j)
                cols = jnp.full((_LANES,), lane_j, jnp.int32)
                wgt_w_j = _fetch_scalar(wgt_w_v, j)
                wgt_b_j = _fetch_scalar(wgt_b_v, j)
                for k in range(_BAND // _LANES):
                    rows = lax.iota(jnp.int32, _LANES) + (k * _LANES)
                    vals = plsc.load_gather(buf_v.at[t], [rows, cols])
                    sl = pl.ds(k * _LANES, _LANES)
                    acc_w_v[sl] = acc_w_v[sl] + vals * wgt_w_j
                    acc_b_v[sl] = acc_b_v[sl] + vals * wgt_b_j

                @pl.when(j + _NBUF < n_feat)
                def _refill():
                    _window_copy(j + _NBUF, t)
            return _

        lax.fori_loop(0, n_feat // _NBUF, _outer, None)
        pltpu.sync_copy(acc_w_v, out_w.at[pl.ds(c0, _BAND)])
        pltpu.sync_copy(acc_b_v, out_b.at[pl.ds(c0, _BAND)])

        @pl.when(is_psq)
        def _psq_finish():
            for i in range(psq_per_worker):
                pltpu.make_async_copy(
                    t_hbm.at[pl.ds(psq_last_row, 1), pl.ds(0, 128)],
                    prow_v.at[pl.ds(i, 1)], psem).wait()
            pltpu.sync_copy(
                prow_v, out_psq.at[pl.ds(pbase, psq_per_worker)])

    return ft_gather


def _tail_body(sw_ref, sb_ref, prow_ref, sel_ref, ftb_ref, stm_ref,
               l1w_ref, l1b_ref, l2w_ref, l2b_ref, ow_ref, ob_ref, out_ref):
    d = _FT_MAIN
    stm = stm_ref[0, 0]
    w = sw_ref[...] + ftb_ref[:, :d]
    b = sb_ref[...] + ftb_ref[:, :d]
    acc = stm * jnp.concatenate([w, b], axis=1) \
        + (1.0 - stm) * jnp.concatenate([b, w], axis=1)
    l1 = jnp.clip(acc, 0.0, 1.0)
    h1 = lax.dot_general(l1, l1w_ref[...], (((1,), (1,)), ((), ())),
                         preferred_element_type=jnp.float32) + l1b_ref[...]
    h2 = lax.dot_general(h1, l2w_ref[...], (((1,), (1,)), ((), ())),
                         preferred_element_type=jnp.float32) + l2b_ref[...]
    h2 = jnp.clip(h2, 0.0, 1.0)
    out = jnp.sum(h2 * ow_ref[...], axis=1, keepdims=True) + ob_ref[...]
    psqt_diff = jnp.sum(prow_ref[...] * sel_ref[...])
    out_ref[...] = out + psqt_diff * (stm - 0.5)


def kernel(white_features, black_features, stm, piece_counts,
           ft_W, ft_b, l1_W, l1_b, l2_W, l2_b, out_W, out_b):
    del piece_counts
    in_dim, d_cols = ft_W.shape
    bsz, f = white_features.shape
    n_feat = 2 * f

    t_tab = ft_W.T

    widx = white_features.reshape(-1).astype(jnp.int32)
    bidx = black_features.reshape(-1).astype(jnp.int32)
    idx_all = jnp.concatenate([widx, bidx])
    safe_idx = jnp.maximum(idx_all, 0)
    mask = (idx_all >= 0).astype(jnp.float32)
    lane = safe_idx % 128

    sign = jnp.where(jnp.arange(n_feat) < f, 1.0, -1.0) * mask
    col_sel = (jnp.arange(128, dtype=jnp.int32)[None, :]
               == lane[:, None]).astype(jnp.float32) * sign[:, None]

    ft_gather = _build_ft_gather(n_feat)
    sum_w, sum_b, prows = ft_gather(t_tab, widx, bidx)

    vmem = pl.BlockSpec(memory_space=pltpu.VMEM)
    smem = pl.BlockSpec(memory_space=pltpu.SMEM)
    out = pl.pallas_call(
        _tail_body,
        out_shape=jax.ShapeDtypeStruct((1, 1), jnp.float32),
        in_specs=[vmem, vmem, vmem, vmem, vmem, smem,
                  vmem, vmem, vmem, vmem, vmem, vmem],
        out_specs=vmem,
    )(
        sum_w.reshape(1, -1), sum_b.reshape(1, -1), prows, col_sel,
        ft_b.reshape(1, -1), stm.reshape(1, 1),
        l1_W, l1_b.reshape(1, -1), l2_W, l2_b.reshape(1, -1),
        out_W, out_b.reshape(1, 1),
    )
    return out.reshape(bsz)

# --- scband reference (transcript-rebuilt; emitter-appended) ---
"""Pipeline reference for scband-nnue-16441134809368 (READ-ONLY COPY).

The authoritative reference and input builder live on the scoring server;
editing this copy changes nothing except your own understanding.
"""

import jax, jax.numpy as jnp
import numpy as np

INPUT_DIM = 22528
FT_DIM = 2048
HIDDEN = 32
BUCKETS = 1
B = 1
F = 32


def setup_inputs(seed: int = 0) -> dict:
    key = jax.random.key(seed)
    ks = jax.random.split(key, 10)
    sigma = (1.0 / INPUT_DIM) ** 0.5
    ft_W = jax.random.uniform(ks[0], (INPUT_DIM, FT_DIM + BUCKETS), jnp.float32, -sigma, sigma)
    ft_b = jax.random.uniform(ks[1], (FT_DIM + BUCKETS,), jnp.float32, -sigma, sigma)

    def lin(kw, kb, out_f, in_f):
        bound = (1.0 / in_f) ** 0.5
        W = jax.random.uniform(kw, (out_f, in_f), jnp.float32, -bound, bound)
        b = jax.random.uniform(kb, (out_f,), jnp.float32, -bound, bound)
        return W, b

    l1_W, l1_b = lin(ks[2], ks[3], HIDDEN * BUCKETS, 2 * FT_DIM)
    l2_W, l2_b = lin(ks[4], ks[5], HIDDEN * BUCKETS, HIDDEN)
    out_W, out_b = lin(ks[6], ks[7], 1 * BUCKETS, HIDDEN)
    white_features = jax.random.randint(ks[8], (B, F), 0, INPUT_DIM)
    black_features = jax.random.randint(ks[9], (B, F), 0, INPUT_DIM)
    stm = jnp.ones((B,), dtype=jnp.float32)
    piece_counts = jnp.ones((B,), dtype=jnp.int32)
    return {
        'white_features': white_features,
        'black_features': black_features,
        'stm': stm,
        'piece_counts': piece_counts,
        'ft_W': ft_W, 'ft_b': ft_b,
        'l1_W': l1_W, 'l1_b': l1_b,
        'l2_W': l2_W, 'l2_b': l2_b,
        'out_W': out_W, 'out_b': out_b,
    }


def reference(white_features, black_features, stm, piece_counts,
              ft_W, ft_b, l1_W, l1_b, l2_W, l2_b, out_W, out_b):
    # FeatureTransformerSlice: masked embedding-sum (feature_values defaults to ones)
    def ft(idx):
        mask = (idx >= 0).astype(jnp.float32)  # [B, F]
        emb = jnp.take(ft_W, jnp.maximum(idx, 0), axis=0)  # [B, F, D]
        return jnp.sum(emb * mask[..., None], axis=1) + ft_b  # [B, D]

    wp = ft(white_features)
    bp = ft(black_features)
    w, wpsqt = wp[:, :wp.shape[1] - BUCKETS], wp[:, wp.shape[1] - BUCKETS:]
    b, bpsqt = bp[:, :bp.shape[1] - BUCKETS], bp[:, bp.shape[1] - BUCKETS:]
    accumulator = stm * jnp.concatenate([w, b], axis=1) + (1 - stm) * jnp.concatenate([b, w], axis=1)
    l1_ = jnp.clip(accumulator, 0.0, 1.0)
    l1_out = (l1_ @ l1_W.T + l1_b).reshape(-1, BUCKETS)  # [B*hidden, buckets]
    bucket_idx = (piece_counts - 1) // 4  # [B], value 0
    l1_selected = l1_out[jnp.arange(l1_out.shape[0]), bucket_idx]  # broadcast -> (hidden,)
    l2_ = jnp.clip(l1_selected @ l2_W.T + l2_b, 0.0, 1.0)
    output = (l2_ @ out_W.T + out_b).reshape(-1, BUCKETS)  # (1, 1)
    output_selected = output[jnp.arange(output.shape[0]), bucket_idx]
    wpsqt_selected = wpsqt[jnp.arange(wpsqt.shape[0]), bucket_idx]
    bpsqt_selected = bpsqt[jnp.arange(bpsqt.shape[0]), bucket_idx]
    psqt = (wpsqt_selected - bpsqt_selected) * (stm - 0.5)
    return output_selected + psqt

if __name__ == "__main__":
    import jax
    _d = setup_inputs()
    print(jax.jit(kernel)(*tuple(_d.values())))

</pallas_src>

<mosaic_0001>
#map = affine_map<(d0, d1) -> (0, 0)>
#map1 = affine_map<(d0, d1) -> (0)>
module attributes {stable_mosaic.version = 14 : i64} {
  func.func @ft_gather(%arg0: i32, %arg1: i32, %arg2: memref<2049x22528xf32, #tpu.memory_space<hbm>>, %arg3: memref<32xi32, #tpu.memory_space<hbm>>, %arg4: memref<32xi32, #tpu.memory_space<hbm>>, %arg5: memref<2048xf32, #tpu.memory_space<hbm>>, %arg6: memref<2048xf32, #tpu.memory_space<hbm>>, %arg7: memref<64x128xf32, #tpu.memory_space<hbm>>, %arg8: memref<64xi32, #tpu.memory_space<vmem>>, %arg9: memref<64xi32, #tpu.memory_space<vmem>>, %arg10: memref<64xi32, #tpu.memory_space<vmem>>, %arg11: memref<64xf32, #tpu.memory_space<vmem>>, %arg12: memref<64xf32, #tpu.memory_space<vmem>>, %arg13: memref<8x64x128xf32, #tpu.memory_space<vmem>>, %arg14: memref<64xf32, #tpu.memory_space<vmem>>, %arg15: memref<64xf32, #tpu.memory_space<vmem>>, %arg16: memref<8x128xf32, #tpu.memory_space<vmem>>, %arg17: memref<!tpu.dma_semaphore, #tpu.memory_space<semaphore_mem>>, %arg18: memref<!tpu.dma_semaphore, #tpu.memory_space<semaphore_mem>>, %arg19: memref<!tpu.dma_semaphore, #tpu.memory_space<semaphore_mem>>, %arg20: memref<!tpu.dma_semaphore, #tpu.memory_space<semaphore_mem>>, %arg21: memref<!tpu.dma_semaphore, #tpu.memory_space<semaphore_mem>>, %arg22: memref<!tpu.dma_semaphore, #tpu.memory_space<semaphore_mem>>, %arg23: memref<!tpu.dma_semaphore, #tpu.memory_space<semaphore_mem>>, %arg24: memref<!tpu.dma_semaphore, #tpu.memory_space<semaphore_mem>>, %arg25: memref<!tpu.dma_semaphore, #tpu.memory_space<semaphore_mem>>) attributes {dimension_semantics = [#tpu.dimension_semantics<core_parallel>, #tpu.dimension_semantics<subcore_parallel>], iteration_bounds = array<i64: 2, 16>, scalar_prefetch = 0 : i64, scratch_operands = 18 : i64, tpu.core_type = #tpu.core_type<sc_vector_subcore>, window_params = [{transform_indices = #map}, {transform_indices = #map1}, {transform_indices = #map1}, {transform_indices = #map1}, {transform_indices = #map1}, {transform_indices = #map}]} {
    %mul3A = arith.constant 16 : i32
    %mul3A_0 = arith.muli %arg0, %mul3A : i32
    %add3A = arith.addi %mul3A_0, %arg1 : i32
    %mul3A_1 = arith.constant 64 : i32
    %mul3A_2 = arith.muli %add3A, %mul3A_1 : i32
    %multiple_of3A = tpu.assume_multiple %mul3A_2, 64 : i32
    "tpu.region"() ({
      %run_scoped3A = tpu.sem_alloc : memref<!tpu.dma_semaphore, #tpu.memory_space<semaphore_mem>>
      %dma_start3A_282 = arith.constant 0 : i32
      %dma_start3A_283 = tpu.memref_slice %arg8[%dma_start3A_282] : memref<64xi32, #tpu.memory_space<vmem>> -> memref<32xi32, #tpu.memory_space<vmem>>
      %dma_start3A_284 = arith.constant 0 : i32
      %dma_start3A_285 = tpu.memref_slice %arg8[%dma_start3A_284] : memref<64xi32, #tpu.memory_space<vmem>> -> memref<32xi32, #tpu.memory_space<vmem>>
      tpu.enqueue_dma source(%arg3 : memref<32xi32, #tpu.memory_space<hbm>>) target(%dma_start3A_285 : memref<32xi32, #tpu.memory_space<vmem>>) target_semaphore(%run_scoped3A : memref<!tpu.dma_semaphore, #tpu.memory_space<semaphore_mem>>)
      %dma_wait3A = arith.constant 0 : i32
      %dma_wait3A_286 = tpu.memref_slice %arg8[%dma_wait3A] : memref<64xi32, #tpu.memory_space<vmem>> -> memref<32xi32, #tpu.memory_space<vmem>>
      %dma_wait3A_287 = arith.constant 0 : i32
      %dma_wait3A_288 = tpu.memref_slice %arg8[%dma_wait3A_287] : memref<64xi32, #tpu.memory_space<vmem>> -> memref<32xi32, #tpu.memory_space<vmem>>
      tpu.wait_dma2 semaphore(%run_scoped3A : memref<!tpu.dma_semaphore, #tpu.memory_space<semaphore_mem>>) src(%arg3 : memref<32xi32, #tpu.memory_space<hbm>>) dst(%dma_wait3A_288 : memref<32xi32, #tpu.memory_space<vmem>>)
      tpu.yield
    }) : () -> ()
    "tpu.region"() ({
      %run_scoped3A = tpu.sem_alloc : memref<!tpu.dma_semaphore, #tpu.memory_space<semaphore_mem>>
      %dma_start3A_282 = arith.constant 32 : i32
      %dma_start3A_283 = tpu.memref_slice %arg8[%dma_start3A_282] : memref<64xi32, #tpu.memory_space<vmem>> -> memref<32xi32, #tpu.memory_space<vmem>>
      %dma_start3A_284 = arith.constant 32 : i32
      %dma_start3A_285 = tpu.memref_slice %arg8[%dma_start3A_284] : memref<64xi32, #tpu.memory_space<vmem>> -> memref<32xi32, #tpu.memory_space<vmem>>
      tpu.enqueue_dma source(%arg4 : memref<32xi32, #tpu.memory_space<hbm>>) target(%dma_start3A_285 : memref<32xi32, #tpu.memory_space<vmem>>) target_semaphore(%run_scoped3A : memref<!tpu.dma_semaphore, #tpu.memory_space<semaphore_mem>>)
      %dma_wait3A = arith.constant 32 : i32
      %dma_wait3A_286 = tpu.memref_slice %arg8[%dma_wait3A] : memref<64xi32, #tpu.memory_space<vmem>> -> memref<32xi32, #tpu.memory_space<vmem>>
      %dma_wait3A_287 = arith.constant 32 : i32
      %dma_wait3A_288 = tpu.memref_slice %arg8[%dma_wait3A_287] : memref<64xi32, #tpu.memory_space<vmem>> -> memref<32xi32, #tpu.memory_space<vmem>>
      tpu.wait_dma2 semaphore(%run_scoped3A : memref<!tpu.dma_semaphore, #tpu.memory_space<semaphore_mem>>) src(%arg4 : memref<32xi32, #tpu.memory_space<hbm>>) dst(%dma_wait3A_288 : memref<32xi32, #tpu.memory_space<vmem>>)
      tpu.yield
    }) : () -> ()
    %get3A = arith.constant 0 : index
    %get3A_3 = tpu.vector_load %arg8[%get3A] {strides = array<i32>} : memref<64xi32, #tpu.memory_space<vmem>>, vector<16xi32>,
    %max3A = arith.constant 0 : i32
    %max3A_4 = vector.broadcast %max3A : i32 to vector<16xi32>
    %max3A_5 = arith.maxsi %get3A_3, %max3A_4 : vector<16xi32>
    %ge3A = arith.constant 0 : i32
    %ge3A_6 = vector.broadcast %ge3A : i32 to vector<16xi32>
    %ge3A_7 = arith.cmpi sge, %get3A_3, %ge3A_6 : vector<16xi32>
    %jit3A = arith.constant 1.000000e+00 : f32
    %jit3A_8 = arith.constant 0.000000e+00 : f32
    %broadcast_in_dim3A = vector.broadcast %jit3A : f32 to vector<16xf32>
    %broadcast_in_dim3A_9 = vector.broadcast %jit3A_8 : f32 to vector<16xf32>
    %select_n3A = arith.select %ge3A_7, %broadcast_in_dim3A, %broadcast_in_dim3A_9 : vector<16xi1>, vector<16xf32>
    %broadcast_in_dim3A_10 = arith.constant 0.000000e+00 : f32
    %broadcast_in_dim3A_11 = vector.broadcast %broadcast_in_dim3A_10 : f32 to vector<16xf32>
    %not3A = arith.constant 127 : i32
    %not3A_12 = arith.constant -1 : i32
    %not3A_13 = arith.xori %not3A, %not3A_12 : i32
    %and3A = vector.broadcast %not3A_13 : i32 to vector<16xi32>
    %and3A_14 = arith.andi %max3A_5, %and3A : vector<16xi32>
    %swap3A = arith.constant 0 : index
    %swap3A_15 = tpu.vector_load %arg9[%swap3A] {strides = array<i32>} : memref<64xi32, #tpu.memory_space<vmem>>, vector<16xi32>,
    tpu.vector_store %arg9[%swap3A], %and3A_14 {strides = array<i32>} : memref<64xi32, #tpu.memory_space<vmem>>, vector<16xi32>,
    %and3A_16 = arith.constant 127 : i32
    %and3A_17 = vector.broadcast %and3A_16 : i32 to vector<16xi32>
    %and3A_18 = arith.andi %max3A_5, %and3A_17 : vector<16xi32>
    %swap3A_19 = arith.constant 0 : index
    %swap3A_20 = tpu.vector_load %arg10[%swap3A_19] {strides = array<i32>} : memref<64xi32, #tpu.memory_space<vmem>>, vector<16xi32>,
    tpu.vector_store %arg10[%swap3A_19], %and3A_18 {strides = array<i32>} : memref<64xi32, #tpu.memory_space<vmem>>, vector<16xi32>,
    %swap3A_21 = arith.constant 0 : index
    %swap3A_22 = tpu.vector_load %arg11[%swap3A_21] {strides = array<i32>} : memref<64xf32, #tpu.memory_space<vmem>>, vector<16xf32>,
    tpu.vector_store %arg11[%swap3A_21], %select_n3A {strides = array<i32>} : memref<64xf32, #tpu.memory_space<vmem>>, vector<16xf32>,
    %swap3A_23 = arith.constant 0 : index
    %swap3A_24 = tpu.vector_load %arg12[%swap3A_23] {strides = array<i32>} : memref<64xf32, #tpu.memory_space<vmem>>, vector<16xf32>,
    tpu.vector_store %arg12[%swap3A_23], %broadcast_in_dim3A_11 {strides = array<i32>} : memref<64xf32, #tpu.memory_space<vmem>>, vector<16xf32>,
    %get3A_25 = arith.constant 16 : index
    %get3A_26 = tpu.vector_load %arg8[%get3A_25] {strides = array<i32>} : memref<64xi32, #tpu.memory_space<vmem>>, vector<16xi32>,
    %max3A_27 = arith.constant 0 : i32
    %max3A_28 = vector.broadcast %max3A_27 : i32 to vector<16xi32>
    %max3A_29 = arith.maxsi %get3A_26, %max3A_28 : vector<16xi32>
    %ge3A_30 = arith.constant 0 : i32
    %ge3A_31 = vector.broadcast %ge3A_30 : i32 to vector<16xi32>
    %ge3A_32 = arith.cmpi sge, %get3A_26, %ge3A_31 : vector<16xi32>
    %jit3A_33 = arith.constant 1.000000e+00 : f32
    %jit3A_34 = arith.constant 0.000000e+00 : f32
    %broadcast_in_dim3A_35 = vector.broadcast %jit3A_33 : f32 to vector<16xf32>
    %broadcast_in_dim3A_36 = vector.broadcast %jit3A_34 : f32 to vector<16xf32>
    %select_n3A_37 = arith.select %ge3A_32, %broadcast_in_dim3A_35, %broadcast_in_dim3A_36 : vector<16xi1>, vector<16xf32>
    %broadcast_in_dim3A_38 = arith.constant 0.000000e+00 : f32
    %broadcast_in_dim3A_39 = vector.broadcast %broadcast_in_dim3A_38 : f32 to vector<16xf32>
    %not3A_40 = arith.constant 127 : i32
    %not3A_41 = arith.constant -1 : i32
    %not3A_42 = arith.xori %not3A_40, %not3A_41 : i32
    %and3A_43 = vector.broadcast %not3A_42 : i32 to vector<16xi32>
    %and3A_44 = arith.andi %max3A_29, %and3A_43 : vector<16xi32>
    %swap3A_45 = arith.constant 16 : index
    %swap3A_46 = tpu.vector_load %arg9[%swap3A_45] {strides = array<i32>} : memref<64xi32, #tpu.memory_space<vmem>>, vector<16xi32>,
    tpu.vector_store %arg9[%swap3A_45], %and3A_44 {strides = array<i32>} : memref<64xi32, #tpu.memory_space<vmem>>, vector<16xi32>,
    %and3A_47 = arith.constant 127 : i32
    %and3A_48 = vector.broadcast %and3A_47 : i32 to vector<16xi32>
    %and3A_49 = arith.andi %max3A_29, %and3A_48 : vector<16xi32>
    %swap3A_50 = arith.constant 16 : index
    %swap3A_51 = tpu.vector_load %arg10[%swap3A_50] {strides = array<i32>} : memref<64xi32, #tpu.memory_space<vmem>>, vector<16xi32>,
    tpu.vector_store %arg10[%swap3A_50], %and3A_49 {strides = array<i32>} : memref<64xi32, #tpu.memory_space<vmem>>, vector<16xi32>,
    %swap3A_52 = arith.constant 16 : index
    %swap3A_53 = tpu.vector_load %arg11[%swap3A_52] {strides = array<i32>} : memref<64xf32, #tpu.memory_space<vmem>>, vector<16xf32>,
    tpu.vector_store %arg11[%swap3A_52], %select_n3A_37 {strides = array<i32>} : memref<64xf32, #tpu.memory_space<vmem>>, vector<16xf32>,
    %swap3A_54 = arith.constant 16 : index
    %swap3A_55 = tpu.vector_load %arg12[%swap3A_54] {strides = array<i32>} : memref<64xf32, #tpu.memory_space<vmem>>, vector<16xf32>,
    tpu.vector_store %arg12[%swap3A_54], %broadcast_in_dim3A_39 {strides = array<i32>} : memref<64xf32, #tpu.memory_space<vmem>>, vector<16xf32>,
    %get3A_56 = arith.constant 32 : index
    %get3A_57 = tpu.vector_load %arg8[%get3A_56] {strides = array<i32>} : memref<64xi32, #tpu.memory_space<vmem>>, vector<16xi32>,
    %max3A_58 = arith.constant 0 : i32
    %max3A_59 = vector.broadcast %max3A_58 : i32 to vector<16xi32>
    %max3A_60 = arith.maxsi %get3A_57, %max3A_59 : vector<16xi32>
    %ge3A_61 = arith.constant 0 : i32
    %ge3A_62 = vector.broadcast %ge3A_61 : i32 to vector<16xi32>
    %ge3A_63 = arith.cmpi sge, %get3A_57, %ge3A_62 : vector<16xi32>
    %jit3A_64 = arith.constant 1.000000e+00 : f32
    %jit3A_65 = arith.constant 0.000000e+00 : f32
    %broadcast_in_dim3A_66 = vector.broadcast %jit3A_64 : f32 to vector<16xf32>
    %broadcast_in_dim3A_67 = vector.broadcast %jit3A_65 : f32 to vector<16xf32>
    %select_n3A_68 = arith.select %ge3A_63, %broadcast_in_dim3A_66, %broadcast_in_dim3A_67 : vector<16xi1>, vector<16xf32>
    %broadcast_in_dim3A_69 = arith.constant 0.000000e+00 : f32
    %broadcast_in_dim3A_70 = vector.broadcast %broadcast_in_dim3A_69 : f32 to vector<16xf32>
    %not3A_71 = arith.constant 127 : i32
    %not3A_72 = arith.constant -1 : i32
    %not3A_73 = arith.xori %not3A_71, %not3A_72 : i32
    %and3A_74 = vector.broadcast %not3A_73 : i32 to vector<16xi32>
    %and3A_75 = arith.andi %max3A_60, %and3A_74 : vector<16xi32>
    %swap3A_76 = arith.constant 32 : index
    %swap3A_77 = tpu.vector_load %arg9[%swap3A_76] {strides = array<i32>} : memref<64xi32, #tpu.memory_space<vmem>>, vector<16xi32>,
    tpu.vector_store %arg9[%swap3A_76], %and3A_75 {strides = array<i32>} : memref<64xi32, #tpu.memory_space<vmem>>, vector<16xi32>,
    %and3A_78 = arith.constant 127 : i32
    %and3A_79 = vector.broadcast %and3A_78 : i32 to vector<16xi32>
    %and3A_80 = arith.andi %max3A_60, %and3A_79 : vector<16xi32>
    %swap3A_81 = arith.constant 32 : index
    %swap3A_82 = tpu.vector_load %arg10[%swap3A_81] {strides = array<i32>} : memref<64xi32, #tpu.memory_space<vmem>>, vector<16xi32>,
    tpu.vector_store %arg10[%swap3A_81], %and3A_80 {strides = array<i32>} : memref<64xi32, #tpu.memory_space<vmem>>, vector<16xi32>,
    %swap3A_83 = arith.constant 32 : index
    %swap3A_84 = tpu.vector_load %arg11[%swap3A_83] {strides = array<i32>} : memref<64xf32, #tpu.memory_space<vmem>>, vector<16xf32>,
    tpu.vector_store %arg11[%swap3A_83], %broadcast_in_dim3A_70 {strides = array<i32>} : memref<64xf32, #tpu.memory_space<vmem>>, vector<16xf32>,
    %swap3A_85 = arith.constant 32 : index
    %swap3A_86 = tpu.vector_load %arg12[%swap3A_85] {strides = array<i32>} : memref<64xf32, #tpu.memory_space<vmem>>, vector<16xf32>,
    tpu.vector_store %arg12[%swap3A_85], %select_n3A_68 {strides = array<i32>} : memref<64xf32, #tpu.memory_space<vmem>>, vector<16xf32>,
    %get3A_87 = arith.constant 48 : index
    %get3A_88 = tpu.vector_load %arg8[%get3A_87] {strides = array<i32>} : memref<64xi32, #tpu.memory_space<vmem>>, vector<16xi32>,
    %max3A_89 = arith.constant 0 : i32
    %max3A_90 = vector.broadcast %max3A_89 : i32 to vector<16xi32>
    %max3A_91 = arith.maxsi %get3A_88, %max3A_90 : vector<16xi32>
    %ge3A_92 = arith.constant 0 : i32
    %ge3A_93 = vector.broadcast %ge3A_92 : i32 to vector<16xi32>
    %ge3A_94 = arith.cmpi sge, %get3A_88, %ge3A_93 : vector<16xi32>
    %jit3A_95 = arith.constant 1.000000e+00 : f32
    %jit3A_96 = arith.constant 0.000000e+00 : f32
    %broadcast_in_dim3A_97 = vector.broadcast %jit3A_95 : f32 to vector<16xf32>
    %broadcast_in_dim3A_98 = vector.broadcast %jit3A_96 : f32 to vector<16xf32>
    %select_n3A_99 = arith.select %ge3A_94, %broadcast_in_dim3A_97, %broadcast_in_dim3A_98 : vector<16xi1>, vector<16xf32>
    %broadcast_in_dim3A_100 = arith.constant 0.000000e+00 : f32
    %broadcast_in_dim3A_101 = vector.broadcast %broadcast_in_dim3A_100 : f32 to vector<16xf32>
    %not3A_102 = arith.constant 127 : i32
    %not3A_103 = arith.constant -1 : i32
    %not3A_104 = arith.xori %not3A_102, %not3A_103 : i32
    %and3A_105 = vector.broadcast %not3A_104 : i32 to vector<16xi32>
    %and3A_106 = arith.andi %max3A_91, %and3A_105 : vector<16xi32>
    %swap3A_107 = arith.constant 48 : index
    %swap3A_108 = tpu.vector_load %arg9[%swap3A_107] {strides = array<i32>} : memref<64xi32, #tpu.memory_space<vmem>>, vector<16xi32>,
    tpu.vector_store %arg9[%swap3A_107], %and3A_106 {strides = array<i32>} : memref<64xi32, #tpu.memory_space<vmem>>, vector<16xi32>,
    %and3A_109 = arith.constant 127 : i32
    %and3A_110 = vector.broadcast %and3A_109 : i32 to vector<16xi32>
    %and3A_111 = arith.andi %max3A_91, %and3A_110 : vector<16xi32>
    %swap3A_112 = arith.constant 48 : index
    %swap3A_113 = tpu.vector_load %arg10[%swap3A_112] {strides = array<i32>} : memref<64xi32, #tpu.memory_space<vmem>>, vector<16xi32>,
    tpu.vector_store %arg10[%swap3A_112], %and3A_111 {strides = array<i32>} : memref<64xi32, #tpu.memory_space<vmem>>, vector<16xi32>,
    %swap3A_114 = arith.constant 48 : index
    %swap3A_115 = tpu.vector_load %arg11[%swap3A_114] {strides = array<i32>} : memref<64xf32, #tpu.memory_space<vmem>>, vector<16xf32>,
    tpu.vector_store %arg11[%swap3A_114], %broadcast_in_dim3A_101 {strides = array<i32>} : memref<64xf32, #tpu.memory_space<vmem>>, vector<16xf32>,
    %swap3A_116 = arith.constant 48 : index
    %swap3A_117 = tpu.vector_load %arg12[%swap3A_116] {strides = array<i32>} : memref<64xf32, #tpu.memory_space<vmem>>, vector<16xf32>,
    tpu.vector_store %arg12[%swap3A_116], %select_n3A_99 {strides = array<i32>} : memref<64xf32, #tpu.memory_space<vmem>>, vector<16xf32>,
    %broadcast_in_dim3A_118 = arith.constant 0.000000e+00 : f32
    %broadcast_in_dim3A_119 = vector.broadcast %broadcast_in_dim3A_118 : f32 to vector<16xf32>
    %swap3A_120 = arith.constant 0 : index
    %swap3A_121 = tpu.vector_load %arg14[%swap3A_120] {strides = array<i32>} : memref<64xf32, #tpu.memory_space<vmem>>, vector<16xf32>,
    tpu.vector_store %arg14[%swap3A_120], %broadcast_in_dim3A_119 {strides = array<i32>} : memref<64xf32, #tpu.memory_space<vmem>>, vector<16xf32>,
    %swap3A_122 = arith.constant 0 : index
    %swap3A_123 = tpu.vector_load %arg15[%swap3A_122] {strides = array<i32>} : memref<64xf32, #tpu.memory_space<vmem>>, vector<16xf32>,
    tpu.vector_store %arg15[%swap3A_122], %broadcast_in_dim3A_119 {strides = array<i32>} : memref<64xf32, #tpu.memory_space<vmem>>, vector<16xf32>,
    %swap3A_124 = arith.constant 16 : index
    %swap3A_125 = tpu.vector_load %arg14[%swap3A_124] {strides = array<i32>} : memref<64xf32, #tpu.memory_space<vmem>>, vector<16xf32>,
    tpu.vector_store %arg14[%swap3A_124], %broadcast_in_dim3A_119 {strides = array<i32>} : memref<64xf32, #tpu.memory_space<vmem>>, vector<16xf32>,
    %swap3A_126 = arith.constant 16 : index
    %swap3A_127 = tpu.vector_load %arg15[%swap3A_126] {strides = array<i32>} : memref<64xf32, #tpu.memory_space<vmem>>, vector<16xf32>,
    tpu.vector_store %arg15[%swap3A_126], %broadcast_in_dim3A_119 {strides = array<i32>} : memref<64xf32, #tpu.memory_space<vmem>>, vector<16xf32>,
    %swap3A_128 = arith.constant 32 : index
    %swap3A_129 = tpu.vector_load %arg14[%swap3A_128] {strides = array<i32>} : memref<64xf32, #tpu.memory_space<vmem>>, vector<16xf32>,
    tpu.vector_store %arg14[%swap3A_128], %broadcast_in_dim3A_119 {strides = array<i32>} : memref<64xf32, #tpu.memory_space<vmem>>, vector<16xf32>,
    %swap3A_130 = arith.constant 32 : index
    %swap3A_131 = tpu.vector_load %arg15[%swap3A_130] {strides = array<i32>} : memref<64xf32, #tpu.memory_space<vmem>>, vector<16xf32>,
    tpu.vector_store %arg15[%swap3A_130], %broadcast_in_dim3A_119 {strides = array<i32>} : memref<64xf32, #tpu.memory_space<vmem>>, vector<16xf32>,
    %swap3A_132 = arith.constant 48 : index
    %swap3A_133 = tpu.vector_load %arg14[%swap3A_132] {strides = array<i32>} : memref<64xf32, #tpu.memory_space<vmem>>, vector<16xf32>,
    tpu.vector_store %arg14[%swap3A_132], %broadcast_in_dim3A_119 {strides = array<i32>} : memref<64xf32, #tpu.memory_space<vmem>>, vector<16xf32>,
    %swap3A_134 = arith.constant 48 : index
    %swap3A_135 = tpu.vector_load %arg15[%swap3A_134] {strides = array<i32>} : memref<64xf32, #tpu.memory_space<vmem>>, vector<16xf32>,
    tpu.vector_store %arg15[%swap3A_134], %broadcast_in_dim3A_119 {strides = array<i32>} : memref<64xf32, #tpu.memory_space<vmem>>, vector<16xf32>,
    %lt3A = arith.constant 4 : i32
    %lt3A_136 = arith.cmpi slt, %arg1, %lt3A : i32
    %mul3A_137 = arith.constant 4 : i32
    %mul3A_138 = arith.muli %arg0, %mul3A_137 : i32
    %add3A_139 = arith.addi %mul3A_138, %arg1 : i32
    %mul3A_140 = arith.constant 8 : i32
    %mul3A_141 = arith.muli %add3A_139, %mul3A_140 : i32
    %convert_element_type3A = arith.extui %lt3A_136 : i1 to i32
    %cond3A = arith.constant 0 : i32
    %cond3A_142 = arith.cmpi ne, %convert_element_type3A, %cond3A : i32
    scf.if %cond3A_142 {
      %add3A_282 = arith.constant 0 : i32
      %add3A_283 = arith.addi %mul3A_141, %add3A_282 : i32
      %broadcast_in_dim3A_284 = vector.broadcast %add3A_283 : i32 to vector<16xi32>
      %gather3A_285 = tpu.vector_load_idx %arg9[%broadcast_in_dim3A_284] : memref<64xi32, #tpu.memory_space<vmem>>[vector<16xi32>], vector<16xi32>,
      %slice3A_286 = vector.extract_strided_slice %gather3A_285 {offsets = [0], sizes = [1], strides = [1]} : vector<16xi32> to vector<1xi32>
      %squeeze3A_287 = vector.extract %slice3A_286[0] : i32 from vector<1xi32>
      %multiple_of3A_288 = tpu.assume_multiple %squeeze3A_287, 128 : i32
      %dma_start3A_289 = arith.constant 0 : i32
      %dma_start3A_290 = arith.constant 0 : i32
      %dma_start3A_291 = tpu.memref_slice %arg16[%dma_start3A_289, %dma_start3A_290] : memref<8x128xf32, #tpu.memory_space<vmem>> -> memref<1x128xf32, #tpu.memory_space<vmem>>
      %dma_start3A_292 = arith.constant 2048 : i32
      %dma_start3A_293 = tpu.memref_slice %arg2[%dma_start3A_292, %multiple_of3A_288] : memref<2049x22528xf32, #tpu.memory_space<hbm>> -> memref<1x128xf32, #tpu.memory_space<hbm>>
      %dma_start3A_294 = arith.constant 0 : i32
      %dma_start3A_295 = arith.constant 0 : i32
      %dma_start3A_296 = tpu.memref_slice %arg16[%dma_start3A_294, %dma_start3A_295] : memref<8x128xf32, #tpu.memory_space<vmem>> -> memref<1x128xf32, #tpu.memory_space<vmem>>
      %dma_start3A_297 = arith.constant 2048 : i32
      %dma_start3A_298 = tpu.memref_slice %arg2[%dma_start3A_297, %multiple_of3A_288] : memref<2049x22528xf32, #tpu.memory_space<hbm>> -> memref<1x128xf32, #tpu.memory_space<hbm>>
      tpu.enqueue_dma source(%dma_start3A_298 : memref<1x128xf32, #tpu.memory_space<hbm>>) target(%dma_start3A_296 : memref<1x128xf32, #tpu.memory_space<vmem>>) target_semaphore(%arg25 : memref<!tpu.dma_semaphore, #tpu.memory_space<semaphore_mem>>)
      %add3A_299 = arith.constant 1 : i32
      %add3A_300 = arith.addi %mul3A_141, %add3A_299 : i32
      %broadcast_in_dim3A_301 = vector.broadcast %add3A_300 : i32 to vector<16xi32>
      %gather3A_302 = tpu.vector_load_idx %arg9[%broadcast_in_dim3A_301] : memref<64xi32, #tpu.memory_space<vmem>>[vector<16xi32>], vector<16xi32>,
      %slice3A_303 = vector.extract_strided_slice %gather3A_302 {offsets = [0], sizes = [1], strides = [1]} : vector<16xi32> to vector<1xi32>
      %squeeze3A_304 = vector.extract %slice3A_303[0] : i32 from vector<1xi32>
      %multiple_of3A_305 = tpu.assume_multiple %squeeze3A_304, 128 : i32
      %dma_start3A_306 = arith.constant 1 : i32
      %dma_start3A_307 = arith.constant 0 : i32
      %dma_start3A_308 = tpu.memref_slice %arg16[%dma_start3A_306, %dma_start3A_307] : memref<8x128xf32, #tpu.memory_space<vmem>> -> memref<1x128xf32, #tpu.memory_space<vmem>>
      %dma_start3A_309 = arith.constant 2048 : i32
      %dma_start3A_310 = tpu.memref_slice %arg2[%dma_start3A_309, %multiple_of3A_305] : memref<2049x22528xf32, #tpu.memory_space<hbm>> -> memref<1x128xf32, #tpu.memory_space<hbm>>
      %dma_start3A_311 = arith.constant 1 : i32
      %dma_start3A_312 = arith.constant 0 : i32
      %dma_start3A_313 = tpu.memref_slice %arg16[%dma_start3A_311, %dma_start3A_312] : memref<8x128xf32, #tpu.memory_space<vmem>> -> memref<1x128xf32, #tpu.memory_space<vmem>>
      %dma_start3A_314 = arith.constant 2048 : i32
      %dma_start3A_315 = tpu.memref_slice %arg2[%dma_start3A_314, %multiple_of3A_305] : memref<2049x22528xf32, #tpu.memory_space<hbm>> -> memref<1x128xf32, #tpu.memory_space<hbm>>
      tpu.enqueue_dma source(%dma_start3A_315 : memref<1x128xf32, #tpu.memory_space<hbm>>) target(%dma_start3A_313 : memref<1x128xf32, #tpu.memory_space<vmem>>) target_semaphore(%arg25 : memref<!tpu.dma_semaphore, #tpu.memory_space<semaphore_mem>>)
      %add3A_316 = arith.constant 2 : i32
      %add3A_317 = arith.addi %mul3A_141, %add3A_316 : i32
      %broadcast_in_dim3A_318 = vector.broadcast %add3A_317 : i32 to vector<16xi32>
      %gather3A_319 = tpu.vector_load_idx %arg9[%broadcast_in_dim3A_318] : memref<64xi32, #tpu.memory_space<vmem>>[vector<16xi32>], vector<16xi32>,
      %slice3A_320 = vector.extract_strided_slice %gather3A_319 {offsets = [0], sizes = [1], strides = [1]} : vector<16xi32> to vector<1xi32>
      %squeeze3A_321 = vector.extract %slice3A_320[0] : i32 from vector<1xi32>
      %multiple_of3A_322 = tpu.assume_multiple %squeeze3A_321, 128 : i32
      %dma_start3A_323 = arith.constant 2 : i32
      %dma_start3A_324 = arith.constant 0 : i32
      %dma_start3A_325 = tpu.memref_slice %arg16[%dma_start3A_323, %dma_start3A_324] : memref<8x128xf32, #tpu.memory_space<vmem>> -> memref<1x128xf32, #tpu.memory_space<vmem>>
      %dma_start3A_326 = arith.constant 2048 : i32
      %dma_start3A_327 = tpu.memref_slice %arg2[%dma_start3A_326, %multiple_of3A_322] : memref<2049x22528xf32, #tpu.memory_space<hbm>> -> memref<1x128xf32, #tpu.memory_space<hbm>>
      %dma_start3A_328 = arith.constant 2 : i32
      %dma_start3A_329 = arith.constant 0 : i32
      %dma_start3A_330 = tpu.memref_slice %arg16[%dma_start3A_328, %dma_start3A_329] : memref<8x128xf32, #tpu.memory_space<vmem>> -> memref<1x128xf32, #tpu.memory_space<vmem>>
      %dma_start3A_331 = arith.constant 2048 : i32
      %dma_start3A_332 = tpu.memref_slice %arg2[%dma_start3A_331, %multiple_of3A_322] : memref<2049x22528xf32, #tpu.memory_space<hbm>> -> memref<1x128xf32, #tpu.memory_space<hbm>>
      tpu.enqueue_dma source(%dma_start3A_332 : memref<1x128xf32, #tpu.memory_space<hbm>>) target(%dma_start3A_330 : memref<1x128xf32, #tpu.memory_space<vmem>>) target_semaphore(%arg25 : memref<!tpu.dma_semaphore, #tpu.memory_space<semaphore_mem>>)
      %add3A_333 = arith.constant 3 : i32
      %add3A_334 = arith.addi %mul3A_141, %add3A_333 : i32
      %broadcast_in_dim3A_335 = vector.broadcast %add3A_334 : i32 to vector<16xi32>
      %gather3A_336 = tpu.vector_load_idx %arg9[%broadcast_in_dim3A_335] : memref<64xi32, #tpu.memory_space<vmem>>[vector<16xi32>], vector<16xi32>,
      %slice3A_337 = vector.extract_strided_slice %gather3A_336 {offsets = [0], sizes = [1], strides = [1]} : vector<16xi32> to vector<1xi32>
      %squeeze3A_338 = vector.extract %slice3A_337[0] : i32 from vector<1xi32>
      %multiple_of3A_339 = tpu.assume_multiple %squeeze3A_338, 128 : i32
      %dma_start3A_340 = arith.constant 3 : i32
      %dma_start3A_341 = arith.constant 0 : i32
      %dma_start3A_342 = tpu.memref_slice %arg16[%dma_start3A_340, %dma_start3A_341] : memref<8x128xf32, #tpu.memory_space<vmem>> -> memref<1x128xf32, #tpu.memory_space<vmem>>
      %dma_start3A_343 = arith.constant 2048 : i32
      %dma_start3A_344 = tpu.memref_slice %arg2[%dma_start3A_343, %multiple_of3A_339] : memref<2049x22528xf32, #tpu.memory_space<hbm>> -> memref<1x128xf32, #tpu.memory_space<hbm>>
      %dma_start3A_345 = arith.constant 3 : i32
      %dma_start3A_346 = arith.constant 0 : i32
      %dma_start3A_347 = tpu.memref_slice %arg16[%dma_start3A_345, %dma_start3A_346] : memref<8x128xf32, #tpu.memory_space<vmem>> -> memref<1x128xf32, #tpu.memory_space<vmem>>
      %dma_start3A_348 = arith.constant 2048 : i32
      %dma_start3A_349 = tpu.memref_slice %arg2[%dma_start3A_348, %multiple_of3A_339] : memref<2049x22528xf32, #tpu.memory_space<hbm>> -> memref<1x128xf32, #tpu.memory_space<hbm>>
      tpu.enqueue_dma source(%dma_start3A_349 : memref<1x128xf32, #tpu.memory_space<hbm>>) target(%dma_start3A_347 : memref<1x128xf32, #tpu.memory_space<vmem>>) target_semaphore(%arg25 : memref<!tpu.dma_semaphore, #tpu.memory_space<semaphore_mem>>)
      %add3A_350 = arith.constant 4 : i32
      %add3A_351 = arith.addi %mul3A_141, %add3A_350 : i32
      %broadcast_in_dim3A_352 = vector.broadcast %add3A_351 : i32 to vector<16xi32>
      %gather3A_353 = tpu.vector_load_idx %arg9[%broadcast_in_dim3A_352] : memref<64xi32, #tpu.memory_space<vmem>>[vector<16xi32>], vector<16xi32>,
      %slice3A_354 = vector.extract_strided_slice %gather3A_353 {offsets = [0], sizes = [1], strides = [1]} : vector<16xi32> to vector<1xi32>
      %squeeze3A_355 = vector.extract %slice3A_354[0] : i32 from vector<1xi32>
      %multiple_of3A_356 = tpu.assume_multiple %squeeze3A_355, 128 : i32
      %dma_start3A_357 = arith.constant 4 : i32
      %dma_start3A_358 = arith.constant 0 : i32
      %dma_start3A_359 = tpu.memref_slice %arg16[%dma_start3A_357, %dma_start3A_358] : memref<8x128xf32, #tpu.memory_space<vmem>> -> memref<1x128xf32, #tpu.memory_space<vmem>>
      %dma_start3A_360 = arith.constant 2048 : i32
      %dma_start3A_361 = tpu.memref_slice %arg2[%dma_start3A_360, %multiple_of3A_356] : memref<2049x22528xf32, #tpu.memory_space<hbm>> -> memref<1x128xf32, #tpu.memory_space<hbm>>
      %dma_start3A_362 = arith.constant 4 : i32
      %dma_start3A_363 = arith.constant 0 : i32
      %dma_start3A_364 = tpu.memref_slice %arg16[%dma_start3A_362, %dma_start3A_363] : memref<8x128xf32, #tpu.memory_space<vmem>> -> memref<1x128xf32, #tpu.memory_space<vmem>>
      %dma_start3A_365 = arith.constant 2048 : i32
      %dma_start3A_366 = tpu.memref_slice %arg2[%dma_start3A_365, %multiple_of3A_356] : memref<2049x22528xf32, #tpu.memory_space<hbm>> -> memref<1x128xf32, #tpu.memory_space<hbm>>
      tpu.enqueue_dma source(%dma_start3A_366 : memref<1x128xf32, #tpu.memory_space<hbm>>) target(%dma_start3A_364 : memref<1x128xf32, #tpu.memory_space<vmem>>) target_semaphore(%arg25 : memref<!tpu.dma_semaphore, #tpu.memory_space<semaphore_mem>>)
      %add3A_367 = arith.constant 5 : i32
      %add3A_368 = arith.addi %mul3A_141, %add3A_367 : i32
      %broadcast_in_dim3A_369 = vector.broadcast %add3A_368 : i32 to vector<16xi32>
      %gather3A_370 = tpu.vector_load_idx %arg9[%broadcast_in_dim3A_369] : memref<64xi32, #tpu.memory_space<vmem>>[vector<16xi32>], vector<16xi32>,
      %slice3A_371 = vector.extract_strided_slice %gather3A_370 {offsets = [0], sizes = [1], strides = [1]} : vector<16xi32> to vector<1xi32>
      %squeeze3A_372 = vector.extract %slice3A_371[0] : i32 from vector<1xi32>
      %multiple_of3A_373 = tpu.assume_multiple %squeeze3A_372, 128 : i32
      %dma_start3A_374 = arith.constant 5 : i32
      %dma_start3A_375 = arith.constant 0 : i32
      %dma_start3A_376 = tpu.memref_slice %arg16[%dma_start3A_374, %dma_start3A_375] : memref<8x128xf32, #tpu.memory_space<vmem>> -> memref<1x128xf32, #tpu.memory_space<vmem>>
      %dma_start3A_377 = arith.constant 2048 : i32
      %dma_start3A_378 = tpu.memref_slice %arg2[%dma_start3A_377, %multiple_of3A_373] : memref<2049x22528xf32, #tpu.memory_space<hbm>> -> memref<1x128xf32, #tpu.memory_space<hbm>>
      %dma_start3A_379 = arith.constant 5 : i32
      %dma_start3A_380 = arith.constant 0 : i32
      %dma_start3A_381 = tpu.memref_slice %arg16[%dma_start3A_379, %dma_start3A_380] : memref<8x128xf32, #tpu.memory_space<vmem>> -> memref<1x128xf32, #tpu.memory_space<vmem>>
      %dma_start3A_382 = arith.constant 2048 : i32
      %dma_start3A_383 = tpu.memref_slice %arg2[%dma_start3A_382, %multiple_of3A_373] : memref<2049x22528xf32, #tpu.memory_space<hbm>> -> memref<1x128xf32, #tpu.memory_space<hbm>>
      tpu.enqueue_dma source(%dma_start3A_383 : memref<1x128xf32, #tpu.memory_space<hbm>>) target(%dma_start3A_381 : memref<1x128xf32, #tpu.memory_space<vmem>>) target_semaphore(%arg25 : memref<!tpu.dma_semaphore, #tpu.memory_space<semaphore_mem>>)
      %add3A_384 = arith.constant 6 : i32
      %add3A_385 = arith.addi %mul3A_141, %add3A_384 : i32
      %broadcast_in_dim3A_386 = vector.broadcast %add3A_385 : i32 to vector<16xi32>
      %gather3A_387 = tpu.vector_load_idx %arg9[%broadcast_in_dim3A_386] : memref<64xi32, #tpu.memory_space<vmem>>[vector<16xi32>], vector<16xi32>,
      %slice3A_388 = vector.extract_strided_slice %gather3A_387 {offsets = [0], sizes = [1], strides = [1]} : vector<16xi32> to vector<1xi32>
      %squeeze3A_389 = vector.extract %slice3A_388[0] : i32 from vector<1xi32>
      %multiple_of3A_390 = tpu.assume_multiple %squeeze3A_389, 128 : i32
      %dma_start3A_391 = arith.constant 6 : i32
      %dma_start3A_392 = arith.constant 0 : i32
      %dma_start3A_393 = tpu.memref_slice %arg16[%dma_start3A_391, %dma_start3A_392] : memref<8x128xf32, #tpu.memory_space<vmem>> -> memref<1x128xf32, #tpu.memory_space<vmem>>
      %dma_start3A_394 = arith.constant 2048 : i32
      %dma_start3A_395 = tpu.memref_slice %arg2[%dma_start3A_394, %multiple_of3A_390] : memref<2049x22528xf32, #tpu.memory_space<hbm>> -> memref<1x128xf32, #tpu.memory_space<hbm>>
      %dma_start3A_396 = arith.constant 6 : i32
      %dma_start3A_397 = arith.constant 0 : i32
      %dma_start3A_398 = tpu.memref_slice %arg16[%dma_start3A_396, %dma_start3A_397] : memref<8x128xf32, #tpu.memory_space<vmem>> -> memref<1x128xf32, #tpu.memory_space<vmem>>
      %dma_start3A_399 = arith.constant 2048 : i32
      %dma_start3A_400 = tpu.memref_slice %arg2[%dma_start3A_399, %multiple_of3A_390] : memref<2049x22528xf32, #tpu.memory_space<hbm>> -> memref<1x128xf32, #tpu.memory_space<hbm>>
      tpu.enqueue_dma source(%dma_start3A_400 : memref<1x128xf32, #tpu.memory_space<hbm>>) target(%dma_start3A_398 : memref<1x128xf32, #tpu.memory_space<vmem>>) target_semaphore(%arg25 : memref<!tpu.dma_semaphore, #tpu.memory_space<semaphore_mem>>)
      %add3A_401 = arith.constant 7 : i32
      %add3A_402 = arith.addi %mul3A_141, %add3A_401 : i32
      %broadcast_in_dim3A_403 = vector.broadcast %add3A_402 : i32 to vector<16xi32>
      %gather3A_404 = tpu.vector_load_idx %arg9[%broadcast_in_dim3A_403] : memref<64xi32, #tpu.memory_space<vmem>>[vector<16xi32>], vector<16xi32>,
      %slice3A_405 = vector.extract_strided_slice %gather3A_404 {offsets = [0], sizes = [1], strides = [1]} : vector<16xi32> to vector<1xi32>
      %squeeze3A_406 = vector.extract %slice3A_405[0] : i32 from vector<1xi32>
      %multiple_of3A_407 = tpu.assume_multiple %squeeze3A_406, 128 : i32
      %dma_start3A_408 = arith.constant 7 : i32
      %dma_start3A_409 = arith.constant 0 : i32
      %dma_start3A_410 = tpu.memref_slice %arg16[%dma_start3A_408, %dma_start3A_409] : memref<8x128xf32, #tpu.memory_space<vmem>> -> memref<1x128xf32, #tpu.memory_space<vmem>>
      %dma_start3A_411 = arith.constant 2048 : i32
      %dma_start3A_412 = tpu.memref_slice %arg2[%dma_start3A_411, %multiple_of3A_407] : memref<2049x22528xf32, #tpu.memory_space<hbm>> -> memref<1x128xf32, #tpu.memory_space<hbm>>
      %dma_start3A_413 = arith.constant 7 : i32
      %dma_start3A_414 = arith.constant 0 : i32
      %dma_start3A_415 = tpu.memref_slice %arg16[%dma_start3A_413, %dma_start3A_414] : memref<8x128xf32, #tpu.memory_space<vmem>> -> memref<1x128xf32, #tpu.memory_space<vmem>>
      %dma_start3A_416 = arith.constant 2048 : i32
      %dma_start3A_417 = tpu.memref_slice %arg2[%dma_start3A_416, %multiple_of3A_407] : memref<2049x22528xf32, #tpu.memory_space<hbm>> -> memref<1x128xf32, #tpu.memory_space<hbm>>
      tpu.enqueue_dma source(%dma_start3A_417 : memref<1x128xf32, #tpu.memory_space<hbm>>) target(%dma_start3A_415 : memref<1x128xf32, #tpu.memory_space<vmem>>) target_semaphore(%arg25 : memref<!tpu.dma_semaphore, #tpu.memory_space<semaphore_mem>>)
    } else {
    }
    %broadcast_in_dim3A_143 = arith.constant 0 : i32
    %broadcast_in_dim3A_144 = vector.broadcast %broadcast_in_dim3A_143 : i32 to vector<16xi32>
    %gather3A = tpu.vector_load_idx %arg9[%broadcast_in_dim3A_144] : memref<64xi32, #tpu.memory_space<vmem>>[vector<16xi32>], vector<16xi32>,
    %slice3A = vector.extract_strided_slice %gather3A {offsets = [0], sizes = [1], strides = [1]} : vector<16xi32> to vector<1xi32>
    %squeeze3A = vector.extract %slice3A[0] : i32 from vector<1xi32>
    %multiple_of3A_145 = tpu.assume_multiple %squeeze3A, 128 : i32
    %dma_start3A = arith.constant 0 : i32
    %dma_start3A_146 = arith.constant 0 : i32
    %dma_start3A_147 = arith.constant 0 : i32
    %dma_start3A_148 = tpu.memref_slice %arg13[%dma_start3A, %dma_start3A_146, %dma_start3A_147] : memref<8x64x128xf32, #tpu.memory_space<vmem>> -> memref<1x64x128xf32, #tpu.memory_space<vmem>>
    %dma_start3A_149 = tpu.memref_squeeze %dma_start3A_148 : memref<1x64x128xf32, #tpu.memory_space<vmem>> -> memref<64x128xf32, #tpu.memory_space<vmem>>
    %dma_start3A_150 = tpu.memref_slice %arg2[%multiple_of3A, %multiple_of3A_145] : memref<2049x22528xf32, #tpu.memory_space<hbm>> -> memref<64x128xf32, #tpu.memory_space<hbm>>
    %dma_start3A_151 = arith.constant 0 : i32
    %dma_start3A_152 = arith.constant 0 : i32
    %dma_start3A_153 = tpu.memref_slice %arg13[%dma_start3A, %dma_start3A_151, %dma_start3A_152] : memref<8x64x128xf32, #tpu.memory_space<vmem>> -> memref<1x64x128xf32, #tpu.memory_space<vmem>>
    %dma_start3A_154 = tpu.memref_squeeze %dma_start3A_153 : memref<1x64x128xf32, #tpu.memory_space<vmem>> -> memref<64x128xf32, #tpu.memory_space<vmem>>
    %dma_start3A_155 = tpu.memref_slice %arg2[%multiple_of3A, %multiple_of3A_145] : memref<2049x22528xf32, #tpu.memory_space<hbm>> -> memref<64x128xf32, #tpu.memory_space<hbm>>
    tpu.enqueue_dma source(%dma_start3A_155 : memref<64x128xf32, #tpu.memory_space<hbm>>) target(%dma_start3A_154 : memref<64x128xf32, #tpu.memory_space<vmem>>) target_semaphore(%arg17 : memref<!tpu.dma_semaphore, #tpu.memory_space<semaphore_mem>>)
    %broadcast_in_dim3A_156 = arith.constant 1 : i32
    %broadcast_in_dim3A_157 = vector.broadcast %broadcast_in_dim3A_156 : i32 to vector<16xi32>
    %gather3A_158 = tpu.vector_load_idx %arg9[%broadcast_in_dim3A_157] : memref<64xi32, #tpu.memory_space<vmem>>[vector<16xi32>], vector<16xi32>,
    %slice3A_159 = vector.extract_strided_slice %gather3A_158 {offsets = [0], sizes = [1], strides = [1]} : vector<16xi32> to vector<1xi32>
    %squeeze3A_160 = vector.extract %slice3A_159[0] : i32 from vector<1xi32>
    %multiple_of3A_161 = tpu.assume_multiple %squeeze3A_160, 128 : i32
    %dma_start3A_162 = arith.constant 1 : i32
    %dma_start3A_163 = arith.constant 0 : i32
    %dma_start3A_164 = arith.constant 0 : i32
    %dma_start3A_165 = tpu.memref_slice %arg13[%dma_start3A_162, %dma_start3A_163, %dma_start3A_164] : memref<8x64x128xf32, #tpu.memory_space<vmem>> -> memref<1x64x128xf32, #tpu.memory_space<vmem>>
    %dma_start3A_166 = tpu.memref_squeeze %dma_start3A_165 : memref<1x64x128xf32, #tpu.memory_space<vmem>> -> memref<64x128xf32, #tpu.memory_space<vmem>>
    %dma_start3A_167 = tpu.memref_slice %arg2[%multiple_of3A, %multiple_of3A_161] : memref<2049x22528xf32, #tpu.memory_space<hbm>> -> memref<64x128xf32, #tpu.memory_space<hbm>>
    %dma_start3A_168 = arith.constant 0 : i32
    %dma_start3A_169 = arith.constant 0 : i32
    %dma_start3A_170 = tpu.memref_slice %arg13[%dma_start3A_162, %dma_start3A_168, %dma_start3A_169] : memref<8x64x128xf32, #tpu.memory_space<vmem>> -> memref<1x64x128xf32, #tpu.memory_space<vmem>>
    %dma_start3A_171 = tpu.memref_squeeze %dma_start3A_170 : memref<1x64x128xf32, #tpu.memory_space<vmem>> -> memref<64x128xf32, #tpu.memory_space<vmem>>
    %dma_start3A_172 = tpu.memref_slice %arg2[%multiple_of3A, %multiple_of3A_161] : memref<2049x22528xf32, #tpu.memory_space<hbm>> -> memref<64x128xf32, #tpu.memory_space<hbm>>
    tpu.enqueue_dma source(%dma_start3A_172 : memref<64x128xf32, #tpu.memory_space<hbm>>) target(%dma_start3A_171 : memref<64x128xf32, #tpu.memory_space<vmem>>) target_semaphore(%arg18 : memref<!tpu.dma_semaphore, #tpu.memory_space<semaphore_mem>>)
    %broadcast_in_dim3A_173 = arith.constant 2 : i32
    %broadcast_in_dim3A_174 = vector.broadcast %broadcast_in_dim3A_173 : i32 to vector<16xi32>
    %gather3A_175 = tpu.vector_load_idx %arg9[%broadcast_in_dim3A_174] : memref<64xi32, #tpu.memory_space<vmem>>[vector<16xi32>], vector<16xi32>,
    %slice3A_176 = vector.extract_strided_slice %gather3A_175 {offsets = [0], sizes = [1], strides = [1]} : vector<16xi32> to vector<1xi32>
    %squeeze3A_177 = vector.extract %slice3A_176[0] : i32 from vector<1xi32>
    %multiple_of3A_178 = tpu.assume_multiple %squeeze3A_177, 128 : i32
    %dma_start3A_179 = arith.constant 2 : i32
    %dma_start3A_180 = arith.constant 0 : i32
    %dma_start3A_181 = arith.constant 0 : i32
    %dma_start3A_182 = tpu.memref_slice %arg13[%dma_start3A_179, %dma_start3A_180, %dma_start3A_181] : memref<8x64x128xf32, #tpu.memory_space<vmem>> -> memref<1x64x128xf32, #tpu.memory_space<vmem>>
    %dma_start3A_183 = tpu.memref_squeeze %dma_start3A_182 : memref<1x64x128xf32, #tpu.memory_space<vmem>> -> memref<64x128xf32, #tpu.memory_space<vmem>>
    %dma_start3A_184 = tpu.memref_slice %arg2[%multiple_of3A, %multiple_of3A_178] : memref<2049x22528xf32, #tpu.memory_space<hbm>> -> memref<64x128xf32, #tpu.memory_space<hbm>>
    %dma_start3A_185 = arith.constant 0 : i32
    %dma_start3A_186 = arith.constant 0 : i32
    %dma_start3A_187 = tpu.memref_slice %arg13[%dma_start3A_179, %dma_start3A_185, %dma_start3A_186] : memref<8x64x128xf32, #tpu.memory_space<vmem>> -> memref<1x64x128xf32, #tpu.memory_space<vmem>>
    %dma_start3A_188 = tpu.memref_squeeze %dma_start3A_187 : memref<1x64x128xf32, #tpu.memory_space<vmem>> -> memref<64x128xf32, #tpu.memory_space<vmem>>
    %dma_start3A_189 = tpu.memref_slice %arg2[%multiple_of3A, %multiple_of3A_178] : memref<2049x22528xf32, #tpu.memory_space<hbm>> -> memref<64x128xf32, #tpu.memory_space<hbm>>
    tpu.enqueue_dma source(%dma_start3A_189 : memref<64x128xf32, #tpu.memory_space<hbm>>) target(%dma_start3A_188 : memref<64x128xf32, #tpu.memory_space<vmem>>) target_semaphore(%arg19 : memref<!tpu.dma_semaphore, #tpu.memory_space<semaphore_mem>>)
    %broadcast_in_dim3A_190 = arith.constant 3 : i32
    %broadcast_in_dim3A_191 = vector.broadcast %broadcast_in_dim3A_190 : i32 to vector<16xi32>
    %gather3A_192 = tpu.vector_load_idx %arg9[%broadcast_in_dim3A_191] : memref<64xi32, #tpu.memory_space<vmem>>[vector<16xi32>], vector<16xi32>,
    %slice3A_193 = vector.extract_strided_slice %gather3A_192 {offsets = [0], sizes = [1], strides = [1]} : vector<16xi32> to vector<1xi32>
    %squeeze3A_194 = vector.extract %slice3A_193[0] : i32 from vector<1xi32>
    %multiple_of3A_195 = tpu.assume_multiple %squeeze3A_194, 128 : i32
    %dma_start3A_196 = arith.constant 3 : i32
    %dma_start3A_197 = arith.constant 0 : i32
    %dma_start3A_198 = arith.constant 0 : i32
    %dma_start3A_199 = tpu.memref_slice %arg13[%dma_start3A_196, %dma_start3A_197, %dma_start3A_198] : memref<8x64x128xf32, #tpu.memory_space<vmem>> -> memref<1x64x128xf32, #tpu.memory_space<vmem>>
    %dma_start3A_200 = tpu.memref_squeeze %dma_start3A_199 : memref<1x64x128xf32, #tpu.memory_space<vmem>> -> memref<64x128xf32, #tpu.memory_space<vmem>>
    %dma_start3A_201 = tpu.memref_slice %arg2[%multiple_of3A, %multiple_of3A_195] : memref<2049x22528xf32, #tpu.memory_space<hbm>> -> memref<64x128xf32, #tpu.memory_space<hbm>>
    %dma_start3A_202 = arith.constant 0 : i32
    %dma_start3A_203 = arith.constant 0 : i32
    %dma_start3A_204 = tpu.memref_slice %arg13[%dma_start3A_196, %dma_start3A_202, %dma_start3A_203] : memref<8x64x128xf32, #tpu.memory_space<vmem>> -> memref<1x64x128xf32, #tpu.memory_space<vmem>>
    %dma_start3A_205 = tpu.memref_squeeze %dma_start3A_204 : memref<1x64x128xf32, #tpu.memory_space<vmem>> -> memref<64x128xf32, #tpu.memory_space<vmem>>
    %dma_start3A_206 = tpu.memref_slice %arg2[%multiple_of3A, %multiple_of3A_195] : memref<2049x22528xf32, #tpu.memory_space<hbm>> -> memref<64x128xf32, #tpu.memory_space<hbm>>
    tpu.enqueue_dma source(%dma_start3A_206 : memref<64x128xf32, #tpu.memory_space<hbm>>) target(%dma_start3A_205 : memref<64x128xf32, #tpu.memory_space<vmem>>) target_semaphore(%arg20 : memref<!tpu.dma_semaphore, #tpu.memory_space<semaphore_mem>>)
    %broadcast_in_dim3A_207 = arith.constant 4 : i32
    %broadcast_in_dim3A_208 = vector.broadcast %broadcast_in_dim3A_207 : i32 to vector<16xi32>
    %gather3A_209 = tpu.vector_load_idx %arg9[%broadcast_in_dim3A_208] : memref<64xi32, #tpu.memory_space<vmem>>[vector<16xi32>], vector<16xi32>,
    %slice3A_210 = vector.extract_strided_slice %gather3A_209 {offsets = [0], sizes = [1], strides = [1]} : vector<16xi32> to vector<1xi32>
    %squeeze3A_211 = vector.extract %slice3A_210[0] : i32 from vector<1xi32>
    %multiple_of3A_212 = tpu.assume_multiple %squeeze3A_211, 128 : i32
    %dma_start3A_213 = arith.constant 4 : i32
    %dma_start3A_214 = arith.constant 0 : i32
    %dma_start3A_215 = arith.constant 0 : i32
    %dma_start3A_216 = tpu.memref_slice %arg13[%dma_start3A_213, %dma_start3A_214, %dma_start3A_215] : memref<8x64x128xf32, #tpu.memory_space<vmem>> -> memref<1x64x128xf32, #tpu.memory_space<vmem>>
    %dma_start3A_217 = tpu.memref_squeeze %dma_start3A_216 : memref<1x64x128xf32, #tpu.memory_space<vmem>> -> memref<64x128xf32, #tpu.memory_space<vmem>>
    %dma_start3A_218 = tpu.memref_slice %arg2[%multiple_of3A, %multiple_of3A_212] : memref<2049x22528xf32, #tpu.memory_space<hbm>> -> memref<64x128xf32, #tpu.memory_space<hbm>>
    %dma_start3A_219 = arith.constant 0 : i32
    %dma_start3A_220 = arith.constant 0 : i32
    %dma_start3A_221 = tpu.memref_slice %arg13[%dma_start3A_213, %dma_start3A_219, %dma_start3A_220] : memref<8x64x128xf32, #tpu.memory_space<vmem>> -> memref<1x64x128xf32, #tpu.memory_space<vmem>>
    %dma_start3A_222 = tpu.memref_squeeze %dma_start3A_221 : memref<1x64x128xf32, #tpu.memory_space<vmem>> -> memref<64x128xf32, #tpu.memory_space<vmem>>
    %dma_start3A_223 = tpu.memref_slice %arg2[%multiple_of3A, %multiple_of3A_212] : memref<2049x22528xf32, #tpu.memory_space<hbm>> -> memref<64x128xf32, #tpu.memory_space<hbm>>
    tpu.enqueue_dma source(%dma_start3A_223 : memref<64x128xf32, #tpu.memory_space<hbm>>) target(%dma_start3A_222 : memref<64x128xf32, #tpu.memory_space<vmem>>) target_semaphore(%arg21 : memref<!tpu.dma_semaphore, #tpu.memory_space<semaphore_mem>>)
    %broadcast_in_dim3A_224 = arith.constant 5 : i32
    %broadcast_in_dim3A_225 = vector.broadcast %broadcast_in_dim3A_224 : i32 to vector<16xi32>
    %gather3A_226 = tpu.vector_load_idx %arg9[%broadcast_in_dim3A_225] : memref<64xi32, #tpu.memory_space<vmem>>[vector<16xi32>], vector<16xi32>,
    %slice3A_227 = vector.extract_strided_slice %gather3A_226 {offsets = [0], sizes = [1], strides = [1]} : vector<16xi32> to vector<1xi32>
    %squeeze3A_228 = vector.extract %slice3A_227[0] : i32 from vector<1xi32>
    %multiple_of3A_229 = tpu.assume_multiple %squeeze3A_228, 128 : i32
    %dma_start3A_230 = arith.constant 5 : i32
    %dma_start3A_231 = arith.constant 0 : i32
    %dma_start3A_232 = arith.constant 0 : i32
    %dma_start3A_233 = tpu.memref_slice %arg13[%dma_start3A_230, %dma_start3A_231, %dma_start3A_232] : memref<8x64x128xf32, #tpu.memory_space<vmem>> -> memref<1x64x128xf32, #tpu.memory_space<vmem>>
    %dma_start3A_234 = tpu.memref_squeeze %dma_start3A_233 : memref<1x64x128xf32, #tpu.memory_space<vmem>> -> memref<64x128xf32, #tpu.memory_space<vmem>>
    %dma_start3A_235 = tpu.memref_slice %arg2[%multiple_of3A, %multiple_of3A_229] : memref<2049x22528xf32, #tpu.memory_space<hbm>> -> memref<64x128xf32, #tpu.memory_space<hbm>>
    %dma_start3A_236 = arith.constant 0 : i32
    %dma_start3A_237 = arith.constant 0 : i32
    %dma_start3A_238 = tpu.memref_slice %arg13[%dma_start3A_230, %dma_start3A_236, %dma_start3A_237] : memref<8x64x128xf32, #tpu.memory_space<vmem>> -> memref<1x64x128xf32, #tpu.memory_space<vmem>>
    %dma_start3A_239 = tpu.memref_squeeze %dma_start3A_238 : memref<1x64x128xf32, #tpu.memory_space<vmem>> -> memref<64x128xf32, #tpu.memory_space<vmem>>
    %dma_start3A_240 = tpu.memref_slice %arg2[%multiple_of3A, %multiple_of3A_229] : memref<2049x22528xf32, #tpu.memory_space<hbm>> -> memref<64x128xf32, #tpu.memory_space<hbm>>
    tpu.enqueue_dma source(%dma_start3A_240 : memref<64x128xf32, #tpu.memory_space<hbm>>) target(%dma_start3A_239 : memref<64x128xf32, #tpu.memory_space<vmem>>) target_semaphore(%arg22 : memref<!tpu.dma_semaphore, #tpu.memory_space<semaphore_mem>>)
    %broadcast_in_dim3A_241 = arith.constant 6 : i32
    %broadcast_in_dim3A_242 = vector.broadcast %broadcast_in_dim3A_241 : i32 to vector<16xi32>
    %gather3A_243 = tpu.vector_load_idx %arg9[%broadcast_in_dim3A_242] : memref<64xi32, #tpu.memory_space<vmem>>[vector<16xi32>], vector<16xi32>,
    %slice3A_244 = vector.extract_strided_slice %gather3A_243 {offsets = [0], sizes = [1], strides = [1]} : vector<16xi32> to vector<1xi32>
    %squeeze3A_245 = vector.extract %slice3A_244[0] : i32 from vector<1xi32>
    %multiple_of3A_246 = tpu.assume_multiple %squeeze3A_245, 128 : i32
    %dma_start3A_247 = arith.constant 6 : i32
    %dma_start3A_248 = arith.constant 0 : i32
    %dma_start3A_249 = arith.constant 0 : i32
    %dma_start3A_250 = tpu.memref_slice %arg13[%dma_start3A_247, %dma_start3A_248, %dma_start3A_249] : memref<8x64x128xf32, #tpu.memory_space<vmem>> -> memref<1x64x128xf32, #tpu.memory_space<vmem>>
    %dma_start3A_251 = tpu.memref_squeeze %dma_start3A_250 : memref<1x64x128xf32, #tpu.memory_space<vmem>> -> memref<64x128xf32, #tpu.memory_space<vmem>>
    %dma_start3A_252 = tpu.memref_slice %arg2[%multiple_of3A, %multiple_of3A_246] : memref<2049x22528xf32, #tpu.memory_space<hbm>> -> memref<64x128xf32, #tpu.memory_space<hbm>>
    %dma_start3A_253 = arith.constant 0 : i32
    %dma_start3A_254 = arith.constant 0 : i32
    %dma_start3A_255 = tpu.memref_slice %arg13[%dma_start3A_247, %dma_start3A_253, %dma_start3A_254] : memref<8x64x128xf32, #tpu.memory_space<vmem>> -> memref<1x64x128xf32, #tpu.memory_space<vmem>>
    %dma_start3A_256 = tpu.memref_squeeze %dma_start3A_255 : memref<1x64x128xf32, #tpu.memory_space<vmem>> -> memref<64x128xf32, #tpu.memory_space<vmem>>
    %dma_start3A_257 = tpu.memref_slice %arg2[%multiple_of3A, %multiple_of3A_246] : memref<2049x22528xf32, #tpu.memory_space<hbm>> -> memref<64x128xf32, #tpu.memory_space<hbm>>
    tpu.enqueue_dma source(%dma_start3A_257 : memref<64x128xf32, #tpu.memory_space<hbm>>) target(%dma_start3A_256 : memref<64x128xf32, #tpu.memory_space<vmem>>) target_semaphore(%arg23 : memref<!tpu.dma_semaphore, #tpu.memory_space<semaphore_mem>>)
    %broadcast_in_dim3A_258 = arith.constant 7 : i32
    %broadcast_in_dim3A_259 = vector.broadcast %broadcast_in_dim3A_258 : i32 to vector<16xi32>
    %gather3A_260 = tpu.vector_load_idx %arg9[%broadcast_in_dim3A_259] : memref<64xi32, #tpu.memory_space<vmem>>[vector<16xi32>], vector<16xi32>,
    %slice3A_261 = vector.extract_strided_slice %gather3A_260 {offsets = [0], sizes = [1], strides = [1]} : vector<16xi32> to vector<1xi32>
    %squeeze3A_262 = vector.extract %slice3A_261[0] : i32 from vector<1xi32>
    %multiple_of3A_263 = tpu.assume_multiple %squeeze3A_262, 128 : i32
    %dma_start3A_264 = arith.constant 7 : i32
    %dma_start3A_265 = arith.constant 0 : i32
    %dma_start3A_266 = arith.constant 0 : i32
    %dma_start3A_267 = tpu.memref_slice %arg13[%dma_start3A_264, %dma_start3A_265, %dma_start3A_266] : memref<8x64x128xf32, #tpu.memory_space<vmem>> -> memref<1x64x128xf32, #tpu.memory_space<vmem>>
    %dma_start3A_268 = tpu.memref_squeeze %dma_start3A_267 : memref<1x64x128xf32, #tpu.memory_space<vmem>> -> memref<64x128xf32, #tpu.memory_space<vmem>>
    %dma_start3A_269 = tpu.memref_slice %arg2[%multiple_of3A, %multiple_of3A_263] : memref<2049x22528xf32, #tpu.memory_space<hbm>> -> memref<64x128xf32, #tpu.memory_space<hbm>>
    %dma_start3A_270 = arith.constant 0 : i32
    %dma_start3A_271 = arith.constant 0 : i32
    %dma_start3A_272 = tpu.memref_slice %arg13[%dma_start3A_264, %dma_start3A_270, %dma_start3A_271] : memref<8x64x128xf32, #tpu.memory_space<vmem>> -> memref<1x64x128xf32, #tpu.memory_space<vmem>>
    %dma_start3A_273 = tpu.memref_squeeze %dma_start3A_272 : memref<1x64x128xf32, #tpu.memory_space<vmem>> -> memref<64x128xf32, #tpu.memory_space<vmem>>
    %dma_start3A_274 = tpu.memref_slice %arg2[%multiple_of3A, %multiple_of3A_263] : memref<2049x22528xf32, #tpu.memory_space<hbm>> -> memref<64x128xf32, #tpu.memory_space<hbm>>
    tpu.enqueue_dma source(%dma_start3A_274 : memref<64x128xf32, #tpu.memory_space<hbm>>) target(%dma_start3A_273 : memref<64x128xf32, #tpu.memory_space<vmem>>) target_semaphore(%arg24 : memref<!tpu.dma_semaphore, #tpu.memory_space<semaphore_mem>>)
    %scan3A = arith.constant 0 : i32
    %scan3A_275 = arith.constant 8 : i32
    %scan3A_276 = arith.addi %scan3A, %scan3A_275 : i32
    %scan3A_277 = arith.constant 1 : i32
    scf.for %scan3A_282 = %scan3A to %scan3A_276 step %scan3A_277  : i32 {
      %mul3A_283 = arith.constant 8 : i32
      %mul3A_284 = arith.muli %scan3A_282, %mul3A_283 : i32
      %add3A_285 = arith.constant 0 : i32
      %add3A_286 = arith.addi %mul3A_284, %add3A_285 : i32
      %dma_wait3A = arith.constant 0 : i32
      %dma_wait3A_287 = arith.constant 0 : i32
      %dma_wait3A_288 = arith.constant 0 : i32
      %dma_wait3A_289 = tpu.memref_slice %arg13[%dma_wait3A, %dma_wait3A_287, %dma_wait3A_288] : memref<8x64x128xf32, #tpu.memory_space<vmem>> -> memref<1x64x128xf32, #tpu.memory_space<vmem>>
      %dma_wait3A_290 = tpu.memref_squeeze %dma_wait3A_289 : memref<1x64x128xf32, #tpu.memory_space<vmem>> -> memref<64x128xf32, #tpu.memory_space<vmem>>
      %dma_wait3A_291 = arith.constant 0 : i32
      %dma_wait3A_292 = tpu.memref_slice %arg2[%multiple_of3A, %dma_wait3A_291] : memref<2049x22528xf32, #tpu.memory_space<hbm>> -> memref<64x128xf32, #tpu.memory_space<hbm>>
      %dma_wait3A_293 = arith.constant 0 : i32
      %dma_wait3A_294 = arith.constant 0 : i32
      %dma_wait3A_295 = tpu.memref_slice %arg13[%dma_wait3A, %dma_wait3A_293, %dma_wait3A_294] : memref<8x64x128xf32, #tpu.memory_space<vmem>> -> memref<1x64x128xf32, #tpu.memory_space<vmem>>
      %dma_wait3A_296 = tpu.memref_squeeze %dma_wait3A_295 : memref<1x64x128xf32, #tpu.memory_space<vmem>> -> memref<64x128xf32, #tpu.memory_space<vmem>>
      %dma_wait3A_297 = arith.constant 0 : i32
      %dma_wait3A_298 = tpu.memref_slice %arg2[%multiple_of3A, %dma_wait3A_297] : memref<2049x22528xf32, #tpu.memory_space<hbm>> -> memref<64x128xf32, #tpu.memory_space<hbm>>
      tpu.wait_dma2 semaphore(%arg17 : memref<!tpu.dma_semaphore, #tpu.memory_space<semaphore_mem>>) src(%dma_wait3A_298 : memref<64x128xf32, #tpu.memory_space<hbm>>) dst(%dma_wait3A_296 : memref<64x128xf32, #tpu.memory_space<vmem>>)
      %broadcast_in_dim3A_299 = vector.broadcast %add3A_286 : i32 to vector<16xi32>
      %gather3A_300 = tpu.vector_load_idx %arg10[%broadcast_in_dim3A_299] : memref<64xi32, #tpu.memory_space<vmem>>[vector<16xi32>], vector<16xi32>,
      %slice3A_301 = vector.extract_strided_slice %gather3A_300 {offsets = [0], sizes = [1], strides = [1]} : vector<16xi32> to vector<1xi32>
      %squeeze3A_302 = vector.extract %slice3A_301[0] : i32 from vector<1xi32>
      %broadcast_in_dim3A_303 = vector.broadcast %squeeze3A_302 : i32 to vector<16xi32>
      %broadcast_in_dim3A_304 = vector.broadcast %add3A_286 : i32 to vector<16xi32>
      %gather3A_305 = tpu.vector_load_idx %arg11[%broadcast_in_dim3A_304] : memref<64xf32, #tpu.memory_space<vmem>>[vector<16xi32>], vector<16xf32>,
      %slice3A_306 = vector.extract_strided_slice %gather3A_305 {offsets = [0], sizes = [1], strides = [1]} : vector<16xf32> to vector<1xf32>
      %squeeze3A_307 = vector.extract %slice3A_306[0] : f32 from vector<1xf32>
      %broadcast_in_dim3A_308 = vector.broadcast %add3A_286 : i32 to vector<16xi32>
      %gather3A_309 = tpu.vector_load_idx %arg12[%broadcast_in_dim3A_308] : memref<64xf32, #tpu.memory_space<vmem>>[vector<16xi32>], vector<16xf32>,
      %slice3A_310 = vector.extract_strided_slice %gather3A_309 {offsets = [0], sizes = [1], strides = [1]} : vector<16xf32> to vector<1xf32>
      %squeeze3A_311 = vector.extract %slice3A_310[0] : f32 from vector<1xf32>
      %iota3A = tpu.iota {dimensions = array<i32: 0>} : vector<16xi32>
      %add3A_312 = arith.constant 0 : i32
      %add3A_313 = vector.broadcast %add3A_312 : i32 to vector<16xi32>
      %add3A_314 = arith.addi %iota3A, %add3A_313 : vector<16xi32>
      %gather3A_315 = arith.constant 0 : i32
      %gather3A_316 = arith.constant 0 : i32
      %gather3A_317 = arith.constant 0 : i32
      %gather3A_318 = tpu.memref_slice %arg13[%gather3A_315, %gather3A_316, %gather3A_317] : memref<8x64x128xf32, #tpu.memory_space<vmem>> -> memref<1x64x128xf32, #tpu.memory_space<vmem>>
      %gather3A_319 = tpu.memref_squeeze %gather3A_318 : memref<1x64x128xf32, #tpu.memory_space<vmem>> -> memref<64x128xf32, #tpu.memory_space<vmem>>
      %gather3A_320 = tpu.vector_load_idx %gather3A_319[%add3A_314, %broadcast_in_dim3A_303] : memref<64x128xf32, #tpu.memory_space<vmem>>[vector<16xi32>, vector<16xi32>], vector<16xf32>,
      %get3A_321 = arith.constant 0 : index
      %get3A_322 = tpu.vector_load %arg14[%get3A_321] {strides = array<i32>} : memref<64xf32, #tpu.memory_space<vmem>>, vector<16xf32>,
      %mul3A_323 = vector.broadcast %squeeze3A_307 : f32 to vector<16xf32>
      %mul3A_324 = arith.mulf %gather3A_320, %mul3A_323 : vector<16xf32>
      %add3A_325 = arith.addf %get3A_322, %mul3A_324 : vector<16xf32>
      %swap3A_326 = arith.constant 0 : index
      %swap3A_327 = tpu.vector_load %arg14[%swap3A_326] {strides = array<i32>} : memref<64xf32, #tpu.memory_space<vmem>>, vector<16xf32>,
      tpu.vector_store %arg14[%swap3A_326], %add3A_325 {strides = array<i32>} : memref<64xf32, #tpu.memory_space<vmem>>, vector<16xf32>,
      %get3A_328 = arith.constant 0 : index
      %get3A_329 = tpu.vector_load %arg15[%get3A_328] {strides = array<i32>} : memref<64xf32, #tpu.memory_space<vmem>>, vector<16xf32>,
      %mul3A_330 = vector.broadcast %squeeze3A_311 : f32 to vector<16xf32>
      %mul3A_331 = arith.mulf %gather3A_320, %mul3A_330 : vector<16xf32>
      %add3A_332 = arith.addf %get3A_329, %mul3A_331 : vector<16xf32>
      %swap3A_333 = arith.constant 0 : index
      %swap3A_334 = tpu.vector_load %arg15[%swap3A_333] {strides = array<i32>} : memref<64xf32, #tpu.memory_space<vmem>>, vector<16xf32>,
      tpu.vector_store %arg15[%swap3A_333], %add3A_332 {strides = array<i32>} : memref<64xf32, #tpu.memory_space<vmem>>, vector<16xf32>,
      %iota3A_335 = tpu.iota {dimensions = array<i32: 0>} : vector<16xi32>
      %add3A_336 = arith.constant 16 : i32
      %add3A_337 = vector.broadcast %add3A_336 : i32 to vector<16xi32>
      %add3A_338 = arith.addi %iota3A_335, %add3A_337 : vector<16xi32>
      %gather3A_339 = arith.constant 0 : i32
      %gather3A_340 = arith.constant 0 : i32
      %gather3A_341 = arith.constant 0 : i32
      %gather3A_342 = tpu.memref_slice %arg13[%gather3A_339, %gather3A_340, %gather3A_341] : memref<8x64x128xf32, #tpu.memory_space<vmem>> -> memref<1x64x128xf32, #tpu.memory_space<vmem>>
      %gather3A_343 = tpu.memref_squeeze %gather3A_342 : memref<1x64x128xf32, #tpu.memory_space<vmem>> -> memref<64x128xf32, #tpu.memory_space<vmem>>
      %gather3A_344 = tpu.vector_load_idx %gather3A_343[%add3A_338, %broadcast_in_dim3A_303] : memref<64x128xf32, #tpu.memory_space<vmem>>[vector<16xi32>, vector<16xi32>], vector<16xf32>,
      %get3A_345 = arith.constant 16 : index
      %get3A_346 = tpu.vector_load %arg14[%get3A_345] {strides = array<i32>} : memref<64xf32, #tpu.memory_space<vmem>>, vector<16xf32>,
      %mul3A_347 = vector.broadcast %squeeze3A_307 : f32 to vector<16xf32>
      %mul3A_348 = arith.mulf %gather3A_344, %mul3A_347 : vector<16xf32>
      %add3A_349 = arith.addf %get3A_346, %mul3A_348 : vector<16xf32>
      %swap3A_350 = arith.constant 16 : index
      %swap3A_351 = tpu.vector_load %arg14[%swap3A_350] {strides = array<i32>} : memref<64xf32, #tpu.memory_space<vmem>>, vector<16xf32>,
      tpu.vector_store %arg14[%swap3A_350], %add3A_349 {strides = array<i32>} : memref<64xf32, #tpu.memory_space<vmem>>, vector<16xf32>,
      %get3A_352 = arith.constant 16 : index
      %get3A_353 = tpu.vector_load %arg15[%get3A_352] {strides = array<i32>} : memref<64xf32, #tpu.memory_space<vmem>>, vector<16xf32>,
      %mul3A_354 = vector.broadcast %squeeze3A_311 : f32 to vector<16xf32>
      %mul3A_355 = arith.mulf %gather3A_344, %mul3A_354 : vector<16xf32>
      %add3A_356 = arith.addf %get3A_353, %mul3A_355 : vector<16xf32>
      %swap3A_357 = arith.constant 16 : index
      %swap3A_358 = tpu.vector_load %arg15[%swap3A_357] {strides = array<i32>} : memref<64xf32, #tpu.memory_space<vmem>>, vector<16xf32>,
      tpu.vector_store %arg15[%swap3A_357], %add3A_356 {strides = array<i32>} : memref<64xf32, #tpu.memory_space<vmem>>, vector<16xf32>,
      %iota3A_359 = tpu.iota {dimensions = array<i32: 0>} : vector<16xi32>
      %add3A_360 = arith.constant 32 : i32
      %add3A_361 = vector.broadcast %add3A_360 : i32 to vector<16xi32>
      %add3A_362 = arith.addi %iota3A_359, %add3A_361 : vector<16xi32>
      %gather3A_363 = arith.constant 0 : i32
      %gather3A_364 = arith.constant 0 : i32
      %gather3A_365 = arith.constant 0 : i32
      %gather3A_366 = tpu.memref_slice %arg13[%gather3A_363, %gather3A_364, %gather3A_365] : memref<8x64x128xf32, #tpu.memory_space<vmem>> -> memref<1x64x128xf32, #tpu.memory_space<vmem>>
      %gather3A_367 = tpu.memref_squeeze %gather3A_366 : memref<1x64x128xf32, #tpu.memory_space<vmem>> -> memref<64x128xf32, #tpu.memory_space<vmem>>
      %gather3A_368 = tpu.vector_load_idx %gather3A_367[%add3A_362, %broadcast_in_dim3A_303] : memref<64x128xf32, #tpu.memory_space<vmem>>[vector<16xi32>, vector<16xi32>], vector<16xf32>,
      %get3A_369 = arith.constant 32 : index
      %get3A_370 = tpu.vector_load %arg14[%get3A_369] {strides = array<i32>} : memref<64xf32, #tpu.memory_space<vmem>>, vector<16xf32>,
      %mul3A_371 = vector.broadcast %squeeze3A_307 : f32 to vector<16xf32>
      %mul3A_372 = arith.mulf %gather3A_368, %mul3A_371 : vector<16xf32>
      %add3A_373 = arith.addf %get3A_370, %mul3A_372 : vector<16xf32>
      %swap3A_374 = arith.constant 32 : index
      %swap3A_375 = tpu.vector_load %arg14[%swap3A_374] {strides = array<i32>} : memref<64xf32, #tpu.memory_space<vmem>>, vector<16xf32>,
      tpu.vector_store %arg14[%swap3A_374], %add3A_373 {strides = array<i32>} : memref<64xf32, #tpu.memory_space<vmem>>, vector<16xf32>,
      %get3A_376 = arith.constant 32 : index
      %get3A_377 = tpu.vector_load %arg15[%get3A_376] {strides = array<i32>} : memref<64xf32, #tpu.memory_space<vmem>>, vector<16xf32>,
      %mul3A_378 = vector.broadcast %squeeze3A_311 : f32 to vector<16xf32>
      %mul3A_379 = arith.mulf %gather3A_368, %mul3A_378 : vector<16xf32>
      %add3A_380 = arith.addf %get3A_377, %mul3A_379 : vector<16xf32>
      %swap3A_381 = arith.constant 32 : index
      %swap3A_382 = tpu.vector_load %arg15[%swap3A_381] {strides = array<i32>} : memref<64xf32, #tpu.memory_space<vmem>>, vector<16xf32>,
      tpu.vector_store %arg15[%swap3A_381], %add3A_380 {strides = array<i32>} : memref<64xf32, #tpu.memory_space<vmem>>, vector<16xf32>,
      %iota3A_383 = tpu.iota {dimensions = array<i32: 0>} : vector<16xi32>
      %add3A_384 = arith.constant 48 : i32
      %add3A_385 = vector.broadcast %add3A_384 : i32 to vector<16xi32>
      %add3A_386 = arith.addi %iota3A_383, %add3A_385 : vector<16xi32>
      %gather3A_387 = arith.constant 0 : i32
      %gather3A_388 = arith.constant 0 : i32
      %gather3A_389 = arith.constant 0 : i32
      %gather3A_390 = tpu.memref_slice %arg13[%gather3A_387, %gather3A_388, %gather3A_389] : memref<8x64x128xf32, #tpu.memory_space<vmem>> -> memref<1x64x128xf32, #tpu.memory_space<vmem>>
      %gather3A_391 = tpu.memref_squeeze %gather3A_390 : memref<1x64x128xf32, #tpu.memory_space<vmem>> -> memref<64x128xf32, #tpu.memory_space<vmem>>
      %gather3A_392 = tpu.vector_load_idx %gather3A_391[%add3A_386, %broadcast_in_dim3A_303] : memref<64x128xf32, #tpu.memory_space<vmem>>[vector<16xi32>, vector<16xi32>], vector<16xf32>,
      %get3A_393 = arith.constant 48 : index
      %get3A_394 = tpu.vector_load %arg14[%get3A_393] {strides = array<i32>} : memref<64xf32, #tpu.memory_space<vmem>>, vector<16xf32>,
      %mul3A_395 = vector.broadcast %squeeze3A_307 : f32 to vector<16xf32>
      %mul3A_396 = arith.mulf %gather3A_392, %mul3A_395 : vector<16xf32>
      %add3A_397 = arith.addf %get3A_394, %mul3A_396 : vector<16xf32>
      %swap3A_398 = arith.constant 48 : index
      %swap3A_399 = tpu.vector_load %arg14[%swap3A_398] {strides = array<i32>} : memref<64xf32, #tpu.memory_space<vmem>>, vector<16xf32>,
      tpu.vector_store %arg14[%swap3A_398], %add3A_397 {strides = array<i32>} : memref<64xf32, #tpu.memory_space<vmem>>, vector<16xf32>,
      %get3A_400 = arith.constant 48 : index
      %get3A_401 = tpu.vector_load %arg15[%get3A_400] {strides = array<i32>} : memref<64xf32, #tpu.memory_space<vmem>>, vector<16xf32>,
      %mul3A_402 = vector.broadcast %squeeze3A_311 : f32 to vector<16xf32>
      %mul3A_403 = arith.mulf %gather3A_392, %mul3A_402 : vector<16xf32>
      %add3A_404 = arith.addf %get3A_401, %mul3A_403 : vector<16xf32>
      %swap3A_405 = arith.constant 48 : index
      %swap3A_406 = tpu.vector_load %arg15[%swap3A_405] {strides = array<i32>} : memref<64xf32, #tpu.memory_space<vmem>>, vector<16xf32>,
      tpu.vector_store %arg15[%swap3A_405], %add3A_404 {strides = array<i32>} : memref<64xf32, #tpu.memory_space<vmem>>, vector<16xf32>,
      %add3A_407 = arith.constant 8 : i32
      %add3A_408 = arith.addi %add3A_286, %add3A_407 : i32
      %lt3A_409 = arith.constant 64 : i32
      %lt3A_410 = arith.cmpi slt, %add3A_408, %lt3A_409 : i32
      %convert_element_type3A_411 = arith.extui %lt3A_410 : i1 to i32
      %cond3A_412 = arith.constant 0 : i32
      %cond3A_413 = arith.cmpi ne, %convert_element_type3A_411, %cond3A_412 : i32
      scf.if %cond3A_413 {
        %add3A_1331 = arith.constant 8 : i32
        %add3A_1332 = arith.addi %add3A_286, %add3A_1331 : i32
        %broadcast_in_dim3A_1333 = vector.broadcast %add3A_1332 : i32 to vector<16xi32>
        %gather3A_1334 = tpu.vector_load_idx %arg9[%broadcast_in_dim3A_1333] : memref<64xi32, #tpu.memory_space<vmem>>[vector<16xi32>], vector<16xi32>,
        %slice3A_1335 = vector.extract_strided_slice %gather3A_1334 {offsets = [0], sizes = [1], strides = [1]} : vector<16xi32> to vector<1xi32>
        %squeeze3A_1336 = vector.extract %slice3A_1335[0] : i32 from vector<1xi32>
        %multiple_of3A_1337 = tpu.assume_multiple %squeeze3A_1336, 128 : i32
        %dma_start3A_1338 = arith.constant 0 : i32
        %dma_start3A_1339 = arith.constant 0 : i32
        %dma_start3A_1340 = arith.constant 0 : i32
        %dma_start3A_1341 = tpu.memref_slice %arg13[%dma_start3A_1338, %dma_start3A_1339, %dma_start3A_1340] : memref<8x64x128xf32, #tpu.memory_space<vmem>> -> memref<1x64x128xf32, #tpu.memory_space<vmem>>
        %dma_start3A_1342 = tpu.memref_squeeze %dma_start3A_1341 : memref<1x64x128xf32, #tpu.memory_space<vmem>> -> memref<64x128xf32, #tpu.memory_space<vmem>>
        %dma_start3A_1343 = tpu.memref_slice %arg2[%multiple_of3A, %multiple_of3A_1337] : memref<2049x22528xf32, #tpu.memory_space<hbm>> -> memref<64x128xf32, #tpu.memory_space<hbm>>
        %dma_start3A_1344 = arith.constant 0 : i32
        %dma_start3A_1345 = arith.constant 0 : i32
        %dma_start3A_1346 = tpu.memref_slice %arg13[%dma_start3A_1338, %dma_start3A_1344, %dma_start3A_1345] : memref<8x64x128xf32, #tpu.memory_space<vmem>> -> memref<1x64x128xf32, #tpu.memory_space<vmem>>
        %dma_start3A_1347 = tpu.memref_squeeze %dma_start3A_1346 : memref<1x64x128xf32, #tpu.memory_space<vmem>> -> memref<64x128xf32, #tpu.memory_space<vmem>>
        %dma_start3A_1348 = tpu.memref_slice %arg2[%multiple_of3A, %multiple_of3A_1337] : memref<2049x22528xf32, #tpu.memory_space<hbm>> -> memref<64x128xf32, #tpu.memory_space<hbm>>
        tpu.enqueue_dma source(%dma_start3A_1348 : memref<64x128xf32, #tpu.memory_space<hbm>>) target(%dma_start3A_1347 : memref<64x128xf32, #tpu.memory_space<vmem>>) target_semaphore(%arg17 : memref<!tpu.dma_semaphore, #tpu.memory_space<semaphore_mem>>)
      } else {
      }
      %add3A_414 = arith.constant 1 : i32
      %add3A_415 = arith.addi %mul3A_284, %add3A_414 : i32
      %dma_wait3A_416 = arith.constant 1 : i32
      %dma_wait3A_417 = arith.constant 0 : i32
      %dma_wait3A_418 = arith.constant 0 : i32
      %dma_wait3A_419 = tpu.memref_slice %arg13[%dma_wait3A_416, %dma_wait3A_417, %dma_wait3A_418] : memref<8x64x128xf32, #tpu.memory_space<vmem>> -> memref<1x64x128xf32, #tpu.memory_space<vmem>>
      %dma_wait3A_420 = tpu.memref_squeeze %dma_wait3A_419 : memref<1x64x128xf32, #tpu.memory_space<vmem>> -> memref<64x128xf32, #tpu.memory_space<vmem>>
      %dma_wait3A_421 = arith.constant 0 : i32
      %dma_wait3A_422 = tpu.memref_slice %arg2[%multiple_of3A, %dma_wait3A_421] : memref<2049x22528xf32, #tpu.memory_space<hbm>> -> memref<64x128xf32, #tpu.memory_space<hbm>>
      %dma_wait3A_423 = arith.constant 0 : i32
      %dma_wait3A_424 = arith.constant 0 : i32
      %dma_wait3A_425 = tpu.memref_slice %arg13[%dma_wait3A_416, %dma_wait3A_423, %dma_wait3A_424] : memref<8x64x128xf32, #tpu.memory_space<vmem>> -> memref<1x64x128xf32, #tpu.memory_space<vmem>>
      %dma_wait3A_426 = tpu.memref_squeeze %dma_wait3A_425 : memref<1x64x128xf32, #tpu.memory_space<vmem>> -> memref<64x128xf32, #tpu.memory_space<vmem>>
      %dma_wait3A_427 = arith.constant 0 : i32
      %dma_wait3A_428 = tpu.memref_slice %arg2[%multiple_of3A, %dma_wait3A_427] : memref<2049x22528xf32, #tpu.memory_space<hbm>> -> memref<64x128xf32, #tpu.memory_space<hbm>>
      tpu.wait_dma2 semaphore(%arg18 : memref<!tpu.dma_semaphore, #tpu.memory_space<semaphore_mem>>) src(%dma_wait3A_428 : memref<64x128xf32, #tpu.memory_space<hbm>>) dst(%dma_wait3A_426 : memref<64x128xf32, #tpu.memory_space<vmem>>)
      %broadcast_in_dim3A_429 = vector.broadcast %add3A_415 : i32 to vector<16xi32>
      %gather3A_430 = tpu.vector_load_idx %arg10[%broadcast_in_dim3A_429] : memref<64xi32, #tpu.memory_space<vmem>>[vector<16xi32>], vector<16xi32>,
      %slice3A_431 = vector.extract_strided_slice %gather3A_430 {offsets = [0], sizes = [1], strides = [1]} : vector<16xi32> to vector<1xi32>
      %squeeze3A_432 = vector.extract %slice3A_431[0] : i32 from vector<1xi32>
      %broadcast_in_dim3A_433 = vector.broadcast %squeeze3A_432 : i32 to vector<16xi32>
      %broadcast_in_dim3A_434 = vector.broadcast %add3A_415 : i32 to vector<16xi32>
      %gather3A_435 = tpu.vector_load_idx %arg11[%broadcast_in_dim3A_434] : memref<64xf32, #tpu.memory_space<vmem>>[vector<16xi32>], vector<16xf32>,
      %slice3A_436 = vector.extract_strided_slice %gather3A_435 {offsets = [0], sizes = [1], strides = [1]} : vector<16xf32> to vector<1xf32>
      %squeeze3A_437 = vector.extract %slice3A_436[0] : f32 from vector<1xf32>
      %broadcast_in_dim3A_438 = vector.broadcast %add3A_415 : i32 to vector<16xi32>
      %gather3A_439 = tpu.vector_load_idx %arg12[%broadcast_in_dim3A_438] : memref<64xf32, #tpu.memory_space<vmem>>[vector<16xi32>], vector<16xf32>,
      %slice3A_440 = vector.extract_strided_slice %gather3A_439 {offsets = [0], sizes = [1], strides = [1]} : vector<16xf32> to vector<1xf32>
      %squeeze3A_441 = vector.extract %slice3A_440[0] : f32 from vector<1xf32>
      %iota3A_442 = tpu.iota {dimensions = array<i32: 0>} : vector<16xi32>
      %add3A_443 = arith.constant 0 : i32
      %add3A_444 = vector.broadcast %add3A_443 : i32 to vector<16xi32>
      %add3A_445 = arith.addi %iota3A_442, %add3A_444 : vector<16xi32>
      %gather3A_446 = arith.constant 1 : i32
      %gather3A_447 = arith.constant 0 : i32
      %gather3A_448 = arith.constant 0 : i32
      %gather3A_449 = tpu.memref_slice %arg13[%gather3A_446, %gather3A_447, %gather3A_448] : memref<8x64x128xf32, #tpu.memory_space<vmem>> -> memref<1x64x128xf32, #tpu.memory_space<vmem>>
      %gather3A_450 = tpu.memref_squeeze %gather3A_449 : memref<1x64x128xf32, #tpu.memory_space<vmem>> -> memref<64x128xf32, #tpu.memory_space<vmem>>
      %gather3A_451 = tpu.vector_load_idx %gather3A_450[%add3A_445, %broadcast_in_dim3A_433] : memref<64x128xf32, #tpu.memory_space<vmem>>[vector<16xi32>, vector<16xi32>], vector<16xf32>,
      %get3A_452 = arith.constant 0 : index
      %get3A_453 = tpu.vector_load %arg14[%get3A_452] {strides = array<i32>} : memref<64xf32, #tpu.memory_space<vmem>>, vector<16xf32>,
      %mul3A_454 = vector.broadcast %squeeze3A_437 : f32 to vector<16xf32>
      %mul3A_455 = arith.mulf %gather3A_451, %mul3A_454 : vector<16xf32>
      %add3A_456 = arith.addf %get3A_453, %mul3A_455 : vector<16xf32>
      %swap3A_457 = arith.constant 0 : index
      %swap3A_458 = tpu.vector_load %arg14[%swap3A_457] {strides = array<i32>} : memref<64xf32, #tpu.memory_space<vmem>>, vector<16xf32>,
      tpu.vector_store %arg14[%swap3A_457], %add3A_456 {strides = array<i32>} : memref<64xf32, #tpu.memory_space<vmem>>, vector<16xf32>,
      %get3A_459 = arith.constant 0 : index
      %get3A_460 = tpu.vector_load %arg15[%get3A_459] {strides = array<i32>} : memref<64xf32, #tpu.memory_space<vmem>>, vector<16xf32>,
      %mul3A_461 = vector.broadcast %squeeze3A_441 : f32 to vector<16xf32>
      %mul3A_462 = arith.mulf %gather3A_451, %mul3A_461 : vector<16xf32>
      %add3A_463 = arith.addf %get3A_460, %mul3A_462 : vector<16xf32>
      %swap3A_464 = arith.constant 0 : index
      %swap3A_465 = tpu.vector_load %arg15[%swap3A_464] {strides = array<i32>} : memref<64xf32, #tpu.memory_space<vmem>>, vector<16xf32>,
      tpu.vector_store %arg15[%swap3A_464], %add3A_463 {strides = array<i32>} : memref<64xf32, #tpu.memory_space<vmem>>, vector<16xf32>,
      %iota3A_466 = tpu.iota {dimensions = array<i32: 0>} : vector<16xi32>
      %add3A_467 = arith.constant 16 : i32
      %add3A_468 = vector.broadcast %add3A_467 : i32 to vector<16xi32>
      %add3A_469 = arith.addi %iota3A_466, %add3A_468 : vector<16xi32>
      %gather3A_470 = arith.constant 1 : i32
      %gather3A_471 = arith.constant 0 : i32
      %gather3A_472 = arith.constant 0 : i32
      %gather3A_473 = tpu.memref_slice %arg13[%gather3A_470, %gather3A_471, %gather3A_472] : memref<8x64x128xf32, #tpu.memory_space<vmem>> -> memref<1x64x128xf32, #tpu.memory_space<vmem>>
      %gather3A_474 = tpu.memref_squeeze %gather3A_473 : memref<1x64x128xf32, #tpu.memory_space<vmem>> -> memref<64x128xf32, #tpu.memory_space<vmem>>
      %gather3A_475 = tpu.vector_load_idx %gather3A_474[%add3A_469, %broadcast_in_dim3A_433] : memref<64x128xf32, #tpu.memory_space<vmem>>[vector<16xi32>, vector<16xi32>], vector<16xf32>,
      %get3A_476 = arith.constant 16 : index
      %get3A_477 = tpu.vector_load %arg14[%get3A_476] {strides = array<i32>} : memref<64xf32, #tpu.memory_space<vmem>>, vector<16xf32>,
      %mul3A_478 = vector.broadcast %squeeze3A_437 : f32 to vector<16xf32>
      %mul3A_479 = arith.mulf %gather3A_475, %mul3A_478 : vector<16xf32>
      %add3A_480 = arith.addf %get3A_477, %mul3A_479 : vector<16xf32>
      %swap3A_481 = arith.constant 16 : index
      %swap3A_482 = tpu.vector_load %arg14[%swap3A_481] {strides = array<i32>} : memref<64xf32, #tpu.memory_space<vmem>>, vector<16xf32>,
      tpu.vector_store %arg14[%swap3A_481], %add3A_480 {strides = array<i32>} : memref<64xf32, #tpu.memory_space<vmem>>, vector<16xf32>,
      %get3A_483 = arith.constant 16 : index
      %get3A_484 = tpu.vector_load %arg15[%get3A_483] {strides = array<i32>} : memref<64xf32, #tpu.memory_space<vmem>>, vector<16xf32>,
      %mul3A_485 = vector.broadcast %squeeze3A_441 : f32 to vector<16xf32>
      %mul3A_486 = arith.mulf %gather3A_475, %mul3A_485 : vector<16xf32>
      %add3A_487 = arith.addf %get3A_484, %mul3A_486 : vector<16xf32>
      %swap3A_488 = arith.constant 16 : index
      %swap3A_489 = tpu.vector_load %arg15[%swap3A_488] {strides = array<i32>} : memref<64xf32, #tpu.memory_space<vmem>>, vector<16xf32>,
      tpu.vector_store %arg15[%swap3A_488], %add3A_487 {strides = array<i32>} : memref<64xf32, #tpu.memory_space<vmem>>, vector<16xf32>,
      %iota3A_490 = tpu.iota {dimensions = array<i32: 0>} : vector<16xi32>
      %add3A_491 = arith.constant 32 : i32
      %add3A_492 = vector.broadcast %add3A_491 : i32 to vector<16xi32>
      %add3A_493 = arith.addi %iota3A_490, %add3A_492 : vector<16xi32>
      %gather3A_494 = arith.constant 1 : i32
      %gather3A_495 = arith.constant 0 : i32
      %gather3A_496 = arith.constant 0 : i32
      %gather3A_497 = tpu.memref_slice %arg13[%gather3A_494, %gather3A_495, %gather3A_496] : memref<8x64x128xf32, #tpu.memory_space<vmem>> -> memref<1x64x128xf32, #tpu.memory_space<vmem>>
      %gather3A_498 = tpu.memref_squeeze %gather3A_497 : memref<1x64x128xf32, #tpu.memory_space<vmem>> -> memref<64x128xf32, #tpu.memory_space<vmem>>
      %gather3A_499 = tpu.vector_load_idx %gather3A_498[%add3A_493, %broadcast_in_dim3A_433] : memref<64x128xf32, #tpu.memory_space<vmem>>[vector<16xi32>, vector<16xi32>], vector<16xf32>,
      %get3A_500 = arith.constant 32 : index
      %get3A_501 = tpu.vector_load %arg14[%get3A_500] {strides = array<i32>} : memref<64xf32, #tpu.memory_space<vmem>>, vector<16xf32>,
      %mul3A_502 = vector.broadcast %squeeze3A_437 : f32 to vector<16xf32>
      %mul3A_503 = arith.mulf %gather3A_499, %mul3A_502 : vector<16xf32>
      %add3A_504 = arith.addf %get3A_501, %mul3A_503 : vector<16xf32>
      %swap3A_505 = arith.constant 32 : index
      %swap3A_506 = tpu.vector_load %arg14[%swap3A_505] {strides = array<i32>} : memref<64xf32, #tpu.memory_space<vmem>>, vector<16xf32>,
      tpu.vector_store %arg14[%swap3A_505], %add3A_504 {strides = array<i32>} : memref<64xf32, #tpu.memory_space<vmem>>, vector<16xf32>,
      %get3A_507 = arith.constant 32 : index
      %get3A_508 = tpu.vector_load %arg15[%get3A_507] {strides = array<i32>} : memref<64xf32, #tpu.memory_space<vmem>>, vector<16xf32>,
      %mul3A_509 = vector.broadcast %squeeze3A_441 : f32 to vector<16xf32>
      %mul3A_510 = arith.mulf %gather3A_499, %mul3A_509 : vector<16xf32>
      %add3A_511 = arith.addf %get3A_508, %mul3A_510 : vector<16xf32>
      %swap3A_512 = arith.constant 32 : index
      %swap3A_513 = tpu.vector_load %arg15[%swap3A_512] {strides = array<i32>} : memref<64xf32, #tpu.memory_space<vmem>>, vector<16xf32>,
      tpu.vector_store %arg15[%swap3A_512], %add3A_511 {strides = array<i32>} : memref<64xf32, #tpu.memory_space<vmem>>, vector<16xf32>,
      %iota3A_514 = tpu.iota {dimensions = array<i32: 0>} : vector<16xi32>
      %add3A_515 = arith.constant 48 : i32
      %add3A_516 = vector.broadcast %add3A_515 : i32 to vector<16xi32>
      %add3A_517 = arith.addi %iota3A_514, %add3A_516 : vector<16xi32>
      %gather3A_518 = arith.constant 1 : i32
      %gather3A_519 = arith.constant 0 : i32
      %gather3A_520 = arith.constant 0 : i32
      %gather3A_521 = tpu.memref_slice %arg13[%gather3A_518, %gather3A_519, %gather3A_520] : memref<8x64x128xf32, #tpu.memory_space<vmem>> -> memref<1x64x128xf32, #tpu.memory_space<vmem>>
      %gather3A_522 = tpu.memref_squeeze %gather3A_521 : memref<1x64x128xf32, #tpu.memory_space<vmem>> -> memref<64x128xf32, #tpu.memory_space<vmem>>
      %gather3A_523 = tpu.vector_load_idx %gather3A_522[%add3A_517, %broadcast_in_dim3A_433] : memref<64x128xf32, #tpu.memory_space<vmem>>[vector<16xi32>, vector<16xi32>], vector<16xf32>,
      %get3A_524 = arith.constant 48 : index
      %get3A_525 = tpu.vector_load %arg14[%get3A_524] {strides = array<i32>} : memref<64xf32, #tpu.memory_space<vmem>>, vector<16xf32>,
      %mul3A_526 = vector.broadcast %squeeze3A_437 : f32 to vector<16xf32>
      %mul3A_527 = arith.mulf %gather3A_523, %mul3A_526 : vector<16xf32>
      %add3A_528 = arith.addf %get3A_525, %mul3A_527 : vector<16xf32>
      %swap3A_529 = arith.constant 48 : index
      %swap3A_530 = tpu.vector_load %arg14[%swap3A_529] {strides = array<i32>} : memref<64xf32, #tpu.memory_space<vmem>>, vector<16xf32>,
      tpu.vector_store %arg14[%swap3A_529], %add3A_528 {strides = array<i32>} : memref<64xf32, #tpu.memory_space<vmem>>, vector<16xf32>,
      %get3A_531 = arith.constant 48 : index
      %get3A_532 = tpu.vector_load %arg15[%get3A_531] {strides = array<i32>} : memref<64xf32, #tpu.memory_space<vmem>>, vector<16xf32>,
      %mul3A_533 = vector.broadcast %squeeze3A_441 : f32 to vector<16xf32>
      %mul3A_534 = arith.mulf %gather3A_523, %mul3A_533 : vector<16xf32>
      %add3A_535 = arith.addf %get3A_532, %mul3A_534 : vector<16xf32>
      %swap3A_536 = arith.constant 48 : index
      %swap3A_537 = tpu.vector_load %arg15[%swap3A_536] {strides = array<i32>} : memref<64xf32, #tpu.memory_space<vmem>>, vector<16xf32>,
      tpu.vector_store %arg15[%swap3A_536], %add3A_535 {strides = array<i32>} : memref<64xf32, #tpu.memory_space<vmem>>, vector<16xf32>,
      %add3A_538 = arith.constant 8 : i32
      %add3A_539 = arith.addi %add3A_415, %add3A_538 : i32
      %lt3A_540 = arith.constant 64 : i32
      %lt3A_541 = arith.cmpi slt, %add3A_539, %lt3A_540 : i32
      %convert_element_type3A_542 = arith.extui %lt3A_541 : i1 to i32
      %cond3A_543 = arith.constant 0 : i32
      %cond3A_544 = arith.cmpi ne, %convert_element_type3A_542, %cond3A_543 : i32
      scf.if %cond3A_544 {
        %add3A_1331 = arith.constant 8 : i32
        %add3A_1332 = arith.addi %add3A_415, %add3A_1331 : i32
        %broadcast_in_dim3A_1333 = vector.broadcast %add3A_1332 : i32 to vector<16xi32>
        %gather3A_1334 = tpu.vector_load_idx %arg9[%broadcast_in_dim3A_1333] : memref<64xi32, #tpu.memory_space<vmem>>[vector<16xi32>], vector<16xi32>,
        %slice3A_1335 = vector.extract_strided_slice %gather3A_1334 {offsets = [0], sizes = [1], strides = [1]} : vector<16xi32> to vector<1xi32>
        %squeeze3A_1336 = vector.extract %slice3A_1335[0] : i32 from vector<1xi32>
        %multiple_of3A_1337 = tpu.assume_multiple %squeeze3A_1336, 128 : i32
        %dma_start3A_1338 = arith.constant 1 : i32
        %dma_start3A_1339 = arith.constant 0 : i32
        %dma_start3A_1340 = arith.constant 0 : i32
        %dma_start3A_1341 = tpu.memref_slice %arg13[%dma_start3A_1338, %dma_start3A_1339, %dma_start3A_1340] : memref<8x64x128xf32, #tpu.memory_space<vmem>> -> memref<1x64x128xf32, #tpu.memory_space<vmem>>
        %dma_start3A_1342 = tpu.memref_squeeze %dma_start3A_1341 : memref<1x64x128xf32, #tpu.memory_space<vmem>> -> memref<64x128xf32, #tpu.memory_space<vmem>>
        %dma_start3A_1343 = tpu.memref_slice %arg2[%multiple_of3A, %multiple_of3A_1337] : memref<2049x22528xf32, #tpu.memory_space<hbm>> -> memref<64x128xf32, #tpu.memory_space<hbm>>
        %dma_start3A_1344 = arith.constant 0 : i32
        %dma_start3A_1345 = arith.constant 0 : i32
        %dma_start3A_1346 = tpu.memref_slice %arg13[%dma_start3A_1338, %dma_start3A_1344, %dma_start3A_1345] : memref<8x64x128xf32, #tpu.memory_space<vmem>> -> memref<1x64x128xf32, #tpu.memory_space<vmem>>
        %dma_start3A_1347 = tpu.memref_squeeze %dma_start3A_1346 : memref<1x64x128xf32, #tpu.memory_space<vmem>> -> memref<64x128xf32, #tpu.memory_space<vmem>>
        %dma_start3A_1348 = tpu.memref_slice %arg2[%multiple_of3A, %multiple_of3A_1337] : memref<2049x22528xf32, #tpu.memory_space<hbm>> -> memref<64x128xf32, #tpu.memory_space<hbm>>
        tpu.enqueue_dma source(%dma_start3A_1348 : memref<64x128xf32, #tpu.memory_space<hbm>>) target(%dma_start3A_1347 : memref<64x128xf32, #tpu.memory_space<vmem>>) target_semaphore(%arg18 : memref<!tpu.dma_semaphore, #tpu.memory_space<semaphore_mem>>)
      } else {
      }
      %add3A_545 = arith.constant 2 : i32
      %add3A_546 = arith.addi %mul3A_284, %add3A_545 : i32
      %dma_wait3A_547 = arith.constant 2 : i32
      %dma_wait3A_548 = arith.constant 0 : i32
      %dma_wait3A_549 = arith.constant 0 : i32
      %dma_wait3A_550 = tpu.memref_slice %arg13[%dma_wait3A_547, %dma_wait3A_548, %dma_wait3A_549] : memref<8x64x128xf32, #tpu.memory_space<vmem>> -> memref<1x64x128xf32, #tpu.memory_space<vmem>>
      %dma_wait3A_551 = tpu.memref_squeeze %dma_wait3A_550 : memref<1x64x128xf32, #tpu.memory_space<vmem>> -> memref<64x128xf32, #tpu.memory_space<vmem>>
      %dma_wait3A_552 = arith.constant 0 : i32
      %dma_wait3A_553 = tpu.memref_slice %arg2[%multiple_of3A, %dma_wait3A_552] : memref<2049x22528xf32, #tpu.memory_space<hbm>> -> memref<64x128xf32, #tpu.memory_space<hbm>>
      %dma_wait3A_554 = arith.constant 0 : i32
      %dma_wait3A_555 = arith.constant 0 : i32
      %dma_wait3A_556 = tpu.memref_slice %arg13[%dma_wait3A_547, %dma_wait3A_554, %dma_wait3A_555] : memref<8x64x128xf32, #tpu.memory_space<vmem>> -> memref<1x64x128xf32, #tpu.memory_space<vmem>>
      %dma_wait3A_557 = tpu.memref_squeeze %dma_wait3A_556 : memref<1x64x128xf32, #tpu.memory_space<vmem>> -> memref<64x128xf32, #tpu.memory_space<vmem>>
      %dma_wait3A_558 = arith.constant 0 : i32
      %dma_wait3A_559 = tpu.memref_slice %arg2[%multiple_of3A, %dma_wait3A_558] : memref<2049x22528xf32, #tpu.memory_space<hbm>> -> memref<64x128xf32, #tpu.memory_space<hbm>>
      tpu.wait_dma2 semaphore(%arg19 : memref<!tpu.dma_semaphore, #tpu.memory_space<semaphore_mem>>) src(%dma_wait3A_559 : memref<64x128xf32, #tpu.memory_space<hbm>>) dst(%dma_wait3A_557 : memref<64x128xf32, #tpu.memory_space<vmem>>)
      %broadcast_in_dim3A_560 = vector.broadcast %add3A_546 : i32 to vector<16xi32>
      %gather3A_561 = tpu.vector_load_idx %arg10[%broadcast_in_dim3A_560] : memref<64xi32, #tpu.memory_space<vmem>>[vector<16xi32>], vector<16xi32>,
      %slice3A_562 = vector.extract_strided_slice %gather3A_561 {offsets = [0], sizes = [1], strides = [1]} : vector<16xi32> to vector<1xi32>
      %squeeze3A_563 = vector.extract %slice3A_562[0] : i32 from vector<1xi32>
      %broadcast_in_dim3A_564 = vector.broadcast %squeeze3A_563 : i32 to vector<16xi32>
      %broadcast_in_dim3A_565 = vector.broadcast %add3A_546 : i32 to vector<16xi32>
      %gather3A_566 = tpu.vector_load_idx %arg11[%broadcast_in_dim3A_565] : memref<64xf32, #tpu.memory_space<vmem>>[vector<16xi32>], vector<16xf32>,
      %slice3A_567 = vector.extract_strided_slice %gather3A_566 {offsets = [0], sizes = [1], strides = [1]} : vector<16xf32> to vector<1xf32>
      %squeeze3A_568 = vector.extract %slice3A_567[0] : f32 from vector<1xf32>
      %broadcast_in_dim3A_569 = vector.broadcast %add3A_546 : i32 to vector<16xi32>
      %gather3A_570 = tpu.vector_load_idx %arg12[%broadcast_in_dim3A_569] : memref<64xf32, #tpu.memory_space<vmem>>[vector<16xi32>], vector<16xf32>,
      %slice3A_571 = vector.extract_strided_slice %gather3A_570 {offsets = [0], sizes = [1], strides = [1]} : vector<16xf32> to vector<1xf32>
      %squeeze3A_572 = vector.extract %slice3A_571[0] : f32 from vector<1xf32>
      %iota3A_573 = tpu.iota {dimensions = array<i32: 0>} : vector<16xi32>
      %add3A_574 = arith.constant 0 : i32
      %add3A_575 = vector.broadcast %add3A_574 : i32 to vector<16xi32>
      %add3A_576 = arith.addi %iota3A_573, %add3A_575 : vector<16xi32>
      %gather3A_577 = arith.constant 2 : i32
      %gather3A_578 = arith.constant 0 : i32
      %gather3A_579 = arith.constant 0 : i32
      %gather3A_580 = tpu.memref_slice %arg13[%gather3A_577, %gather3A_578, %gather3A_579] : memref<8x64x128xf32, #tpu.memory_space<vmem>> -> memref<1x64x128xf32, #tpu.memory_space<vmem>>
      %gather3A_581 = tpu.memref_squeeze %gather3A_580 : memref<1x64x128xf32, #tpu.memory_space<vmem>> -> memref<64x128xf32, #tpu.memory_space<vmem>>
      %gather3A_582 = tpu.vector_load_idx %gather3A_581[%add3A_576, %broadcast_in_dim3A_564] : memref<64x128xf32, #tpu.memory_space<vmem>>[vector<16xi32>, vector<16xi32>], vector<16xf32>,
      %get3A_583 = arith.constant 0 : index
      %get3A_584 = tpu.vector_load %arg14[%get3A_583] {strides = array<i32>} : memref<64xf32, #tpu.memory_space<vmem>>, vector<16xf32>,
      %mul3A_585 = vector.broadcast %squeeze3A_568 : f32 to vector<16xf32>
      %mul3A_586 = arith.mulf %gather3A_582, %mul3A_585 : vector<16xf32>
      %add3A_587 = arith.addf %get3A_584, %mul3A_586 : vector<16xf32>
      %swap3A_588 = arith.constant 0 : index
      %swap3A_589 = tpu.vector_load %arg14[%swap3A_588] {strides = array<i32>} : memref<64xf32, #tpu.memory_space<vmem>>, vector<16xf32>,
      tpu.vector_store %arg14[%swap3A_588], %add3A_587 {strides = array<i32>} : memref<64xf32, #tpu.memory_space<vmem>>, vector<16xf32>,
      %get3A_590 = arith.constant 0 : index
      %get3A_591 = tpu.vector_load %arg15[%get3A_590] {strides = array<i32>} : memref<64xf32, #tpu.memory_space<vmem>>, vector<16xf32>,
      %mul3A_592 = vector.broadcast %squeeze3A_572 : f32 to vector<16xf32>
      %mul3A_593 = arith.mulf %gather3A_582, %mul3A_592 : vector<16xf32>
      %add3A_594 = arith.addf %get3A_591, %mul3A_593 : vector<16xf32>
      %swap3A_595 = arith.constant 0 : index
      %swap3A_596 = tpu.vector_load %arg15[%swap3A_595] {strides = array<i32>} : memref<64xf32, #tpu.memory_space<vmem>>, vector<16xf32>,
      tpu.vector_store %arg15[%swap3A_595], %add3A_594 {strides = array<i32>} : memref<64xf32, #tpu.memory_space<vmem>>, vector<16xf32>,
      %iota3A_597 = tpu.iota {dimensions = array<i32: 0>} : vector<16xi32>
      %add3A_598 = arith.constant 16 : i32
      %add3A_599 = vector.broadcast %add3A_598 : i32 to vector<16xi32>
      %add3A_600 = arith.addi %iota3A_597, %add3A_599 : vector<16xi32>
      %gather3A_601 = arith.constant 2 : i32
      %gather3A_602 = arith.constant 0 : i32
      %gather3A_603 = arith.constant 0 : i32
      %gather3A_604 = tpu.memref_slice %arg13[%gather3A_601, %gather3A_602, %gather3A_603] : memref<8x64x128xf32, #tpu.memory_space<vmem>> -> memref<1x64x128xf32, #tpu.memory_space<vmem>>
      %gather3A_605 = tpu.memref_squeeze %gather3A_604 : memref<1x64x128xf32, #tpu.memory_space<vmem>> -> memref<64x128xf32, #tpu.memory_space<vmem>>
      %gather3A_606 = tpu.vector_load_idx %gather3A_605[%add3A_600, %broadcast_in_dim3A_564] : memref<64x128xf32, #tpu.memory_space<vmem>>[vector<16xi32>, vector<16xi32>], vector<16xf32>,
      %get3A_607 = arith.constant 16 : index
      %get3A_608 = tpu.vector_load %arg14[%get3A_607] {strides = array<i32>} : memref<64xf32, #tpu.memory_space<vmem>>, vector<16xf32>,
      %mul3A_609 = vector.broadcast %squeeze3A_568 : f32 to vector<16xf32>
      %mul3A_610 = arith.mulf %gather3A_606, %mul3A_609 : vector<16xf32>
      %add3A_611 = arith.addf %get3A_608, %mul3A_610 : vector<16xf32>
      %swap3A_612 = arith.constant 16 : index
      %swap3A_613 = tpu.vector_load %arg14[%swap3A_612] {strides = array<i32>} : memref<64xf32, #tpu.memory_space<vmem>>, vector<16xf32>,
      tpu.vector_store %arg14[%swap3A_612], %add3A_611 {strides = array<i32>} : memref<64xf32, #tpu.memory_space<vmem>>, vector<16xf32>,
      %get3A_614 = arith.constant 16 : index
      %get3A_615 = tpu.vector_load %arg15[%get3A_614] {strides = array<i32>} : memref<64xf32, #tpu.memory_space<vmem>>, vector<16xf32>,
      %mul3A_616 = vector.broadcast %squeeze3A_572 : f32 to vector<16xf32>
      %mul3A_617 = arith.mulf %gather3A_606, %mul3A_616 : vector<16xf32>
      %add3A_618 = arith.addf %get3A_615, %mul3A_617 : vector<16xf32>
      %swap3A_619 = arith.constant 16 : index
      %swap3A_620 = tpu.vector_load %arg15[%swap3A_619] {strides = array<i32>} : memref<64xf32, #tpu.memory_space<vmem>>, vector<16xf32>,
      tpu.vector_store %arg15[%swap3A_619], %add3A_618 {strides = array<i32>} : memref<64xf32, #tpu.memory_space<vmem>>, vector<16xf32>,
      %iota3A_621 = tpu.iota {dimensions = array<i32: 0>} : vector<16xi32>
      %add3A_622 = arith.constant 32 : i32
      %add3A_623 = vector.broadcast %add3A_622 : i32 to vector<16xi32>
      %add3A_624 = arith.addi %iota3A_621, %add3A_623 : vector<16xi32>
      %gather3A_625 = arith.constant 2 : i32
      %gather3A_626 = arith.constant 0 : i32
      %gather3A_627 = arith.constant 0 : i32
      %gather3A_628 = tpu.memref_slice %arg13[%gather3A_625, %gather3A_626, %gather3A_627] : memref<8x64x128xf32, #tpu.memory_space<vmem>> -> memref<1x64x128xf32, #tpu.memory_space<vmem>>
      %gather3A_629 = tpu.memref_squeeze %gather3A_628 : memref<1x64x128xf32, #tpu.memory_space<vmem>> -> memref<64x128xf32, #tpu.memory_space<vmem>>
      %gather3A_630 = tpu.vector_load_idx %gather3A_629[%add3A_624, %broadcast_in_dim3A_564] : memref<64x128xf32, #tpu.memory_space<vmem>>[vector<16xi32>, vector<16xi32>], vector<16xf32>,
      %get3A_631 = arith.constant 32 : index
      %get3A_632 = tpu.vector_load %arg14[%get3A_631] {strides = array<i32>} : memref<64xf32, #tpu.memory_space<vmem>>, vector<16xf32>,
      %mul3A_633 = vector.broadcast %squeeze3A_568 : f32 to vector<16xf32>
      %mul3A_634 = arith.mulf %gather3A_630, %mul3A_633 : vector<16xf32>
      %add3A_635 = arith.addf %get3A_632, %mul3A_634 : vector<16xf32>
      %swap3A_636 = arith.constant 32 : index
      %swap3A_637 = tpu.vector_load %arg14[%swap3A_636] {strides = array<i32>} : memref<64xf32, #tpu.memory_space<vmem>>, vector<16xf32>,
      tpu.vector_store %arg14[%swap3A_636], %add3A_635 {strides = array<i32>} : memref<64xf32, #tpu.memory_space<vmem>>, vector<16xf32>,
      %get3A_638 = arith.constant 32 : index
      %get3A_639 = tpu.vector_load %arg15[%get3A_638] {strides = array<i32>} : memref<64xf32, #tpu.memory_space<vmem>>, vector<16xf32>,
      %mul3A_640 = vector.broadcast %squeeze3A_572 : f32 to vector<16xf32>
      %mul3A_641 = arith.mulf %gather3A_630, %mul3A_640 : vector<16xf32>
      %add3A_642 = arith.addf %get3A_639, %mul3A_641 : vector<16xf32>
      %swap3A_643 = arith.constant 32 : index
      %swap3A_644 = tpu.vector_load %arg15[%swap3A_643] {strides = array<i32>} : memref<64xf32, #tpu.memory_space<vmem>>, vector<16xf32>,
      tpu.vector_store %arg15[%swap3A_643], %add3A_642 {strides = array<i32>} : memref<64xf32, #tpu.memory_space<vmem>>, vector<16xf32>,
      %iota3A_645 = tpu.iota {dimensions = array<i32: 0>} : vector<16xi32>
      %add3A_646 = arith.constant 48 : i32
      %add3A_647 = vector.broadcast %add3A_646 : i32 to vector<16xi32>
      %add3A_648 = arith.addi %iota3A_645, %add3A_647 : vector<16xi32>
      %gather3A_649 = arith.constant 2 : i32
      %gather3A_650 = arith.constant 0 : i32
      %gather3A_651 = arith.constant 0 : i32
      %gather3A_652 = tpu.memref_slice %arg13[%gather3A_649, %gather3A_650, %gather3A_651] : memref<8x64x128xf32, #tpu.memory_space<vmem>> -> memref<1x64x128xf32, #tpu.memory_space<vmem>>
      %gather3A_653 = tpu.memref_squeeze %gather3A_652 : memref<1x64x128xf32, #tpu.memory_space<vmem>> -> memref<64x128xf32, #tpu.memory_space<vmem>>
      %gather3A_654 = tpu.vector_load_idx %gather3A_653[%add3A_648, %broadcast_in_dim3A_564] : memref<64x128xf32, #tpu.memory_space<vmem>>[vector<16xi32>, vector<16xi32>], vector<16xf32>,
      %get3A_655 = arith.constant 48 : index
      %get3A_656 = tpu.vector_load %arg14[%get3A_655] {strides = array<i32>} : memref<64xf32, #tpu.memory_space<vmem>>, vector<16xf32>,
      %mul3A_657 = vector.broadcast %squeeze3A_568 : f32 to vector<16xf32>
      %mul3A_658 = arith.mulf %gather3A_654, %mul3A_657 : vector<16xf32>
      %add3A_659 = arith.addf %get3A_656, %mul3A_658 : vector<16xf32>
      %swap3A_660 = arith.constant 48 : index
      %swap3A_661 = tpu.vector_load %arg14[%swap3A_660] {strides = array<i32>} : memref<64xf32, #tpu.memory_space<vmem>>, vector<16xf32>,
      tpu.vector_store %arg14[%swap3A_660], %add3A_659 {strides = array<i32>} : memref<64xf32, #tpu.memory_space<vmem>>, vector<16xf32>,
      %get3A_662 = arith.constant 48 : index
      %get3A_663 = tpu.vector_load %arg15[%get3A_662] {strides = array<i32>} : memref<64xf32, #tpu.memory_space<vmem>>, vector<16xf32>,
      %mul3A_664 = vector.broadcast %squeeze3A_572 : f32 to vector<16xf32>
      %mul3A_665 = arith.mulf %gather3A_654, %mul3A_664 : vector<16xf32>
      %add3A_666 = arith.addf %get3A_663, %mul3A_665 : vector<16xf32>
      %swap3A_667 = arith.constant 48 : index
      %swap3A_668 = tpu.vector_load %arg15[%swap3A_667] {strides = array<i32>} : memref<64xf32, #tpu.memory_space<vmem>>, vector<16xf32>,
      tpu.vector_store %arg15[%swap3A_667], %add3A_666 {strides = array<i32>} : memref<64xf32, #tpu.memory_space<vmem>>, vector<16xf32>,
      %add3A_669 = arith.constant 8 : i32
      %add3A_670 = arith.addi %add3A_546, %add3A_669 : i32
      %lt3A_671 = arith.constant 64 : i32
      %lt3A_672 = arith.cmpi slt, %add3A_670, %lt3A_671 : i32
      %convert_element_type3A_673 = arith.extui %lt3A_672 : i1 to i32
      %cond3A_674 = arith.constant 0 : i32
      %cond3A_675 = arith.cmpi ne, %convert_element_type3A_673, %cond3A_674 : i32
      scf.if %cond3A_675 {
        %add3A_1331 = arith.constant 8 : i32
        %add3A_1332 = arith.addi %add3A_546, %add3A_1331 : i32
        %broadcast_in_dim3A_1333 = vector.broadcast %add3A_1332 : i32 to vector<16xi32>
        %gather3A_1334 = tpu.vector_load_idx %arg9[%broadcast_in_dim3A_1333] : memref<64xi32, #tpu.memory_space<vmem>>[vector<16xi32>], vector<16xi32>,
        %slice3A_1335 = vector.extract_strided_slice %gather3A_1334 {offsets = [0], sizes = [1], strides = [1]} : vector<16xi32> to vector<1xi32>
        %squeeze3A_1336 = vector.extract %slice3A_1335[0] : i32 from vector<1xi32>
        %multiple_of3A_1337 = tpu.assume_multiple %squeeze3A_1336, 128 : i32
        %dma_start3A_1338 = arith.constant 2 : i32
        %dma_start3A_1339 = arith.constant 0 : i32
        %dma_start3A_1340 = arith.constant 0 : i32
        %dma_start3A_1341 = tpu.memref_slice %arg13[%dma_start3A_1338, %dma_start3A_1339, %dma_start3A_1340] : memref<8x64x128xf32, #tpu.memory_space<vmem>> -> memref<1x64x128xf32, #tpu.memory_space<vmem>>
        %dma_start3A_1342 = tpu.memref_squeeze %dma_start3A_1341 : memref<1x64x128xf32, #tpu.memory_space<vmem>> -> memref<64x128xf32, #tpu.memory_space<vmem>>
        %dma_start3A_1343 = tpu.memref_slice %arg2[%multiple_of3A, %multiple_of3A_1337] : memref<2049x22528xf32, #tpu.memory_space<hbm>> -> memref<64x128xf32, #tpu.memory_space<hbm>>
        %dma_start3A_1344 = arith.constant 0 : i32
        %dma_start3A_1345 = arith.constant 0 : i32
        %dma_start3A_1346 = tpu.memref_slice %arg13[%dma_start3A_1338, %dma_start3A_1344, %dma_start3A_1345] : memref<8x64x128xf32, #tpu.memory_space<vmem>> -> memref<1x64x128xf32, #tpu.memory_space<vmem>>
        %dma_start3A_1347 = tpu.memref_squeeze %dma_start3A_1346 : memref<1x64x128xf32, #tpu.memory_space<vmem>> -> memref<64x128xf32, #tpu.memory_space<vmem>>
        %dma_start3A_1348 = tpu.memref_slice %arg2[%multiple_of3A, %multiple_of3A_1337] : memref<2049x22528xf32, #tpu.memory_space<hbm>> -> memref<64x128xf32, #tpu.memory_space<hbm>>
        tpu.enqueue_dma source(%dma_start3A_1348 : memref<64x128xf32, #tpu.memory_space<hbm>>) target(%dma_start3A_1347 : memref<64x128xf32, #tpu.memory_space<vmem>>) target_semaphore(%arg19 : memref<!tpu.dma_semaphore, #tpu.memory_space<semaphore_mem>>)
      } else {
      }
      %add3A_676 = arith.constant 3 : i32
      %add3A_677 = arith.addi %mul3A_284, %add3A_676 : i32
      %dma_wait3A_678 = arith.constant 3 : i32
      %dma_wait3A_679 = arith.constant 0 : i32
      %dma_wait3A_680 = arith.constant 0 : i32
      %dma_wait3A_681 = tpu.memref_slice %arg13[%dma_wait3A_678, %dma_wait3A_679, %dma_wait3A_680] : memref<8x64x128xf32, #tpu.memory_space<vmem>> -> memref<1x64x128xf32, #tpu.memory_space<vmem>>
      %dma_wait3A_682 = tpu.memref_squeeze %dma_wait3A_681 : memref<1x64x128xf32, #tpu.memory_space<vmem>> -> memref<64x128xf32, #tpu.memory_space<vmem>>
      %dma_wait3A_683 = arith.constant 0 : i32
      %dma_wait3A_684 = tpu.memref_slice %arg2[%multiple_of3A, %dma_wait3A_683] : memref<2049x22528xf32, #tpu.memory_space<hbm>> -> memref<64x128xf32, #tpu.memory_space<hbm>>
      %dma_wait3A_685 = arith.constant 0 : i32
      %dma_wait3A_686 = arith.constant 0 : i32
      %dma_wait3A_687 = tpu.memref_slice %arg13[%dma_wait3A_678, %dma_wait3A_685, %dma_wait3A_686] : memref<8x64x128xf32, #tpu.memory_space<vmem>> -> memref<1x64x128xf32, #tpu.memory_space<vmem>>
      %dma_wait3A_688 = tpu.memref_squeeze %dma_wait3A_687 : memref<1x64x128xf32, #tpu.memory_space<vmem>> -> memref<64x128xf32, #tpu.memory_space<vmem>>
      %dma_wait3A_689 = arith.constant 0 : i32
      %dma_wait3A_690 = tpu.memref_slice %arg2[%multiple_of3A, %dma_wait3A_689] : memref<2049x22528xf32, #tpu.memory_space<hbm>> -> memref<64x128xf32, #tpu.memory_space<hbm>>
      tpu.wait_dma2 semaphore(%arg20 : memref<!tpu.dma_semaphore, #tpu.memory_space<semaphore_mem>>) src(%dma_wait3A_690 : memref<64x128xf32, #tpu.memory_space<hbm>>) dst(%dma_wait3A_688 : memref<64x128xf32, #tpu.memory_space<vmem>>)
      %broadcast_in_dim3A_691 = vector.broadcast %add3A_677 : i32 to vector<16xi32>
      %gather3A_692 = tpu.vector_load_idx %arg10[%broadcast_in_dim3A_691] : memref<64xi32, #tpu.memory_space<vmem>>[vector<16xi32>], vector<16xi32>,
      %slice3A_693 = vector.extract_strided_slice %gather3A_692 {offsets = [0], sizes = [1], strides = [1]} : vector<16xi32> to vector<1xi32>
      %squeeze3A_694 = vector.extract %slice3A_693[0] : i32 from vector<1xi32>
      %broadcast_in_dim3A_695 = vector.broadcast %squeeze3A_694 : i32 to vector<16xi32>
      %broadcast_in_dim3A_696 = vector.broadcast %add3A_677 : i32 to vector<16xi32>
      %gather3A_697 = tpu.vector_load_idx %arg11[%broadcast_in_dim3A_696] : memref<64xf32, #tpu.memory_space<vmem>>[vector<16xi32>], vector<16xf32>,
      %slice3A_698 = vector.extract_strided_slice %gather3A_697 {offsets = [0], sizes = [1], strides = [1]} : vector<16xf32> to vector<1xf32>
      %squeeze3A_699 = vector.extract %slice3A_698[0] : f32 from vector<1xf32>
      %broadcast_in_dim3A_700 = vector.broadcast %add3A_677 : i32 to vector<16xi32>
      %gather3A_701 = tpu.vector_load_idx %arg12[%broadcast_in_dim3A_700] : memref<64xf32, #tpu.memory_space<vmem>>[vector<16xi32>], vector<16xf32>,
      %slice3A_702 = vector.extract_strided_slice %gather3A_701 {offsets = [0], sizes = [1], strides = [1]} : vector<16xf32> to vector<1xf32>
      %squeeze3A_703 = vector.extract %slice3A_702[0] : f32 from vector<1xf32>
      %iota3A_704 = tpu.iota {dimensions = array<i32: 0>} : vector<16xi32>
      %add3A_705 = arith.constant 0 : i32
      %add3A_706 = vector.broadcast %add3A_705 : i32 to vector<16xi32>
      %add3A_707 = arith.addi %iota3A_704, %add3A_706 : vector<16xi32>
      %gather3A_708 = arith.constant 3 : i32
      %gather3A_709 = arith.constant 0 : i32
      %gather3A_710 = arith.constant 0 : i32
      %gather3A_711 = tpu.memref_slice %arg13[%gather3A_708, %gather3A_709, %gather3A_710] : memref<8x64x128xf32, #tpu.memory_space<vmem>> -> memref<1x64x128xf32, #tpu.memory_space<vmem>>
      %gather3A_712 = tpu.memref_squeeze %gather3A_711 : memref<1x64x128xf32, #tpu.memory_space<vmem>> -> memref<64x128xf32, #tpu.memory_space<vmem>>
      %gather3A_713 = tpu.vector_load_idx %gather3A_712[%add3A_707, %broadcast_in_dim3A_695] : memref<64x128xf32, #tpu.memory_space<vmem>>[vector<16xi32>, vector<16xi32>], vector<16xf32>,
      %get3A_714 = arith.constant 0 : index
      %get3A_715 = tpu.vector_load %arg14[%get3A_714] {strides = array<i32>} : memref<64xf32, #tpu.memory_space<vmem>>, vector<16xf32>,
      %mul3A_716 = vector.broadcast %squeeze3A_699 : f32 to vector<16xf32>
      %mul3A_717 = arith.mulf %gather3A_713, %mul3A_716 : vector<16xf32>
      %add3A_718 = arith.addf %get3A_715, %mul3A_717 : vector<16xf32>
      %swap3A_719 = arith.constant 0 : index
      %swap3A_720 = tpu.vector_load %arg14[%swap3A_719] {strides = array<i32>} : memref<64xf32, #tpu.memory_space<vmem>>, vector<16xf32>,
      tpu.vector_store %arg14[%swap3A_719], %add3A_718 {strides = array<i32>} : memref<64xf32, #tpu.memory_space<vmem>>, vector<16xf32>,
      %get3A_721 = arith.constant 0 : index
      %get3A_722 = tpu.vector_load %arg15[%get3A_721] {strides = array<i32>} : memref<64xf32, #tpu.memory_space<vmem>>, vector<16xf32>,
      %mul3A_723 = vector.broadcast %squeeze3A_703 : f32 to vector<16xf32>
      %mul3A_724 = arith.mulf %gather3A_713, %mul3A_723 : vector<16xf32>
      %add3A_725 = arith.addf %get3A_722, %mul3A_724 : vector<16xf32>
      %swap3A_726 = arith.constant 0 : index
      %swap3A_727 = tpu.vector_load %arg15[%swap3A_726] {strides = array<i32>} : memref<64xf32, #tpu.memory_space<vmem>>, vector<16xf32>,
      tpu.vector_store %arg15[%swap3A_726], %add3A_725 {strides = array<i32>} : memref<64xf32, #tpu.memory_space<vmem>>, vector<16xf32>,
      %iota3A_728 = tpu.iota {dimensions = array<i32: 0>} : vector<16xi32>
      %add3A_729 = arith.constant 16 : i32
      %add3A_730 = vector.broadcast %add3A_729 : i32 to vector<16xi32>
      %add3A_731 = arith.addi %iota3A_728, %add3A_730 : vector<16xi32>
      %gather3A_732 = arith.constant 3 : i32
      %gather3A_733 = arith.constant 0 : i32
      %gather3A_734 = arith.constant 0 : i32
      %gather3A_735 = tpu.memref_slice %arg13[%gather3A_732, %gather3A_733, %gather3A_734] : memref<8x64x128xf32, #tpu.memory_space<vmem>> -> memref<1x64x128xf32, #tpu.memory_space<vmem>>
      %gather3A_736 = tpu.memref_squeeze %gather3A_735 : memref<1x64x128xf32, #tpu.memory_space<vmem>> -> memref<64x128xf32, #tpu.memory_space<vmem>>
      %gather3A_737 = tpu.vector_load_idx %gather3A_736[%add3A_731, %broadcast_in_dim3A_695] : memref<64x128xf32, #tpu.memory_space<vmem>>[vector<16xi32>, vector<16xi32>], vector<16xf32>,
      %get3A_738 = arith.constant 16 : index
      %get3A_739 = tpu.vector_load %arg14[%get3A_738] {strides = array<i32>} : memref<64xf32, #tpu.memory_space<vmem>>, vector<16xf32>,
      %mul3A_740 = vector.broadcast %squeeze3A_699 : f32 to vector<16xf32>
      %mul3A_741 = arith.mulf %gather3A_737, %mul3A_740 : vector<16xf32>
      %add3A_742 = arith.addf %get3A_739, %mul3A_741 : vector<16xf32>
      %swap3A_743 = arith.constant 16 : index
      %swap3A_744 = tpu.vector_load %arg14[%swap3A_743] {strides = array<i32>} : memref<64xf32, #tpu.memory_space<vmem>>, vector<16xf32>,
      tpu.vector_store %arg14[%swap3A_743], %add3A_742 {strides = array<i32>} : memref<64xf32, #tpu.memory_space<vmem>>, vector<16xf32>,
      %get3A_745 = arith.constant 16 : index
      %get3A_746 = tpu.vector_load %arg15[%get3A_745] {strides = array<i32>} : memref<64xf32, #tpu.memory_space<vmem>>, vector<16xf32>,
      %mul3A_747 = vector.broadcast %squeeze3A_703 : f32 to vector<16xf32>
      %mul3A_748 = arith.mulf %gather3A_737, %mul3A_747 : vector<16xf32>
      %add3A_749 = arith.addf %get3A_746, %mul3A_748 : vector<16xf32>
      %swap3A_750 = arith.constant 16 : index
      %swap3A_751 = tpu.vector_load %arg15[%swap3A_750] {strides = array<i32>} : memref<64xf32, #tpu.memory_space<vmem>>, vector<16xf32>,
      tpu.vector_store %arg15[%swap3A_750], %add3A_749 {strides = array<i32>} : memref<64xf32, #tpu.memory_space<vmem>>, vector<16xf32>,
      %iota3A_752 = tpu.iota {dimensions = array<i32: 0>} : vector<16xi32>
      %add3A_753 = arith.constant 32 : i32
      %add3A_754 = vector.broadcast %add3A_753 : i32 to vector<16xi32>
      %add3A_755 = arith.addi %iota3A_752, %add3A_754 : vector<16xi32>
      %gather3A_756 = arith.constant 3 : i32
      %gather3A_757 = arith.constant 0 : i32
      %gather3A_758 = arith.constant 0 : i32
      %gather3A_759 = tpu.memref_slice %arg13[%gather3A_756, %gather3A_757, %gather3A_758] : memref<8x64x128xf32, #tpu.memory_space<vmem>> -> memref<1x64x128xf32, #tpu.memory_space<vmem>>
      %gather3A_760 = tpu.memref_squeeze %gather3A_759 : memref<1x64x128xf32, #tpu.memory_space<vmem>> -> memref<64x128xf32, #tpu.memory_space<vmem>>
      %gather3A_761 = tpu.vector_load_idx %gather3A_760[%add3A_755, %broadcast_in_dim3A_695] : memref<64x128xf32, #tpu.memory_space<vmem>>[vector<16xi32>, vector<16xi32>], vector<16xf32>,
      %get3A_762 = arith.constant 32 : index
      %get3A_763 = tpu.vector_load %arg14[%get3A_762] {strides = array<i32>} : memref<64xf32, #tpu.memory_space<vmem>>, vector<16xf32>,
      %mul3A_764 = vector.broadcast %squeeze3A_699 : f32 to vector<16xf32>
      %mul3A_765 = arith.mulf %gather3A_761, %mul3A_764 : vector<16xf32>
      %add3A_766 = arith.addf %get3A_763, %mul3A_765 : vector<16xf32>
      %swap3A_767 = arith.constant 32 : index
      %swap3A_768 = tpu.vector_load %arg14[%swap3A_767] {strides = array<i32>} : memref<64xf32, #tpu.memory_space<vmem>>, vector<16xf32>,
      tpu.vector_store %arg14[%swap3A_767], %add3A_766 {strides = array<i32>} : memref<64xf32, #tpu.memory_space<vmem>>, vector<16xf32>,
      %get3A_769 = arith.constant 32 : index
      %get3A_770 = tpu.vector_load %arg15[%get3A_769] {strides = array<i32>} : memref<64xf32, #tpu.memory_space<vmem>>, vector<16xf32>,
      %mul3A_771 = vector.broadcast %squeeze3A_703 : f32 to vector<16xf32>
      %mul3A_772 = arith.mulf %gather3A_761, %mul3A_771 : vector<16xf32>
      %add3A_773 = arith.addf %get3A_770, %mul3A_772 : vector<16xf32>
      %swap3A_774 = arith.constant 32 : index
      %swap3A_775 = tpu.vector_load %arg15[%swap3A_774] {strides = array<i32>} : memref<64xf32, #tpu.memory_space<vmem>>, vector<16xf32>,
      tpu.vector_store %arg15[%swap3A_774], %add3A_773 {strides = array<i32>} : memref<64xf32, #tpu.memory_space<vmem>>, vector<16xf32>,
      %iota3A_776 = tpu.iota {dimensions = array<i32: 0>} : vector<16xi32>
      %add3A_777 = arith.constant 48 : i32
      %add3A_778 = vector.broadcast %add3A_777 : i32 to vector<16xi32>
      %add3A_779 = arith.addi %iota3A_776, %add3A_778 : vector<16xi32>
      %gather3A_780 = arith.constant 3 : i32
      %gather3A_781 = arith.constant 0 : i32
      %gather3A_782 = arith.constant 0 : i32
      %gather3A_783 = tpu.memref_slice %arg13[%gather3A_780, %gather3A_781, %gather3A_782] : memref<8x64x128xf32, #tpu.memory_space<vmem>> -> memref<1x64x128xf32, #tpu.memory_space<vmem>>
      %gather3A_784 = tpu.memref_squeeze %gather3A_783 : memref<1x64x128xf32, #tpu.memory_space<vmem>> -> memref<64x128xf32, #tpu.memory_space<vmem>>
      %gather3A_785 = tpu.vector_load_idx %gather3A_784[%add3A_779, %broadcast_in_dim3A_695] : memref<64x128xf32, #tpu.memory_space<vmem>>[vector<16xi32>, vector<16xi32>], vector<16xf32>,
      %get3A_786 = arith.constant 48 : index
      %get3A_787 = tpu.vector_load %arg14[%get3A_786] {strides = array<i32>} : memref<64xf32, #tpu.memory_space<vmem>>, vector<16xf32>,
      %mul3A_788 = vector.broadcast %squeeze3A_699 : f32 to vector<16xf32>
      %mul3A_789 = arith.mulf %gather3A_785, %mul3A_788 : vector<16xf32>
      %add3A_790 = arith.addf %get3A_787, %mul3A_789 : vector<16xf32>
      %swap3A_791 = arith.constant 48 : index
      %swap3A_792 = tpu.vector_load %arg14[%swap3A_791] {strides = array<i32>} : memref<64xf32, #tpu.memory_space<vmem>>, vector<16xf32>,
      tpu.vector_store %arg14[%swap3A_791], %add3A_790 {strides = array<i32>} : memref<64xf32, #tpu.memory_space<vmem>>, vector<16xf32>,
      %get3A_793 = arith.constant 48 : index
      %get3A_794 = tpu.vector_load %arg15[%get3A_793] {strides = array<i32>} : memref<64xf32, #tpu.memory_space<vmem>>, vector<16xf32>,
      %mul3A_795 = vector.broadcast %squeeze3A_703 : f32 to vector<16xf32>
      %mul3A_796 = arith.mulf %gather3A_785, %mul3A_795 : vector<16xf32>
      %add3A_797 = arith.addf %get3A_794, %mul3A_796 : vector<16xf32>
      %swap3A_798 = arith.constant 48 : index
      %swap3A_799 = tpu.vector_load %arg15[%swap3A_798] {strides = array<i32>} : memref<64xf32, #tpu.memory_space<vmem>>, vector<16xf32>,
      tpu.vector_store %arg15[%swap3A_798], %add3A_797 {strides = array<i32>} : memref<64xf32, #tpu.memory_space<vmem>>, vector<16xf32>,
      %add3A_800 = arith.constant 8 : i32
      %add3A_801 = arith.addi %add3A_677, %add3A_800 : i32
      %lt3A_802 = arith.constant 64 : i32
      %lt3A_803 = arith.cmpi slt, %add3A_801, %lt3A_802 : i32
      %convert_element_type3A_804 = arith.extui %lt3A_803 : i1 to i32
      %cond3A_805 = arith.constant 0 : i32
      %cond3A_806 = arith.cmpi ne, %convert_element_type3A_804, %cond3A_805 : i32
      scf.if %cond3A_806 {
        %add3A_1331 = arith.constant 8 : i32
        %add3A_1332 = arith.addi %add3A_677, %add3A_1331 : i32
        %broadcast_in_dim3A_1333 = vector.broadcast %add3A_1332 : i32 to vector<16xi32>
        %gather3A_1334 = tpu.vector_load_idx %arg9[%broadcast_in_dim3A_1333] : memref<64xi32, #tpu.memory_space<vmem>>[vector<16xi32>], vector<16xi32>,
        %slice3A_1335 = vector.extract_strided_slice %gather3A_1334 {offsets = [0], sizes = [1], strides = [1]} : vector<16xi32> to vector<1xi32>
        %squeeze3A_1336 = vector.extract %slice3A_1335[0] : i32 from vector<1xi32>
        %multiple_of3A_1337 = tpu.assume_multiple %squeeze3A_1336, 128 : i32
        %dma_start3A_1338 = arith.constant 3 : i32
        %dma_start3A_1339 = arith.constant 0 : i32
        %dma_start3A_1340 = arith.constant 0 : i32
        %dma_start3A_1341 = tpu.memref_slice %arg13[%dma_start3A_1338, %dma_start3A_1339, %dma_start3A_1340] : memref<8x64x128xf32, #tpu.memory_space<vmem>> -> memref<1x64x128xf32, #tpu.memory_space<vmem>>
        %dma_start3A_1342 = tpu.memref_squeeze %dma_start3A_1341 : memref<1x64x128xf32, #tpu.memory_space<vmem>> -> memref<64x128xf32, #tpu.memory_space<vmem>>
        %dma_start3A_1343 = tpu.memref_slice %arg2[%multiple_of3A, %multiple_of3A_1337] : memref<2049x22528xf32, #tpu.memory_space<hbm>> -> memref<64x128xf32, #tpu.memory_space<hbm>>
        %dma_start3A_1344 = arith.constant 0 : i32
        %dma_start3A_1345 = arith.constant 0 : i32
        %dma_start3A_1346 = tpu.memref_slice %arg13[%dma_start3A_1338, %dma_start3A_1344, %dma_start3A_1345] : memref<8x64x128xf32, #tpu.memory_space<vmem>> -> memref<1x64x128xf32, #tpu.memory_space<vmem>>
        %dma_start3A_1347 = tpu.memref_squeeze %dma_start3A_1346 : memref<1x64x128xf32, #tpu.memory_space<vmem>> -> memref<64x128xf32, #tpu.memory_space<vmem>>
        %dma_start3A_1348 = tpu.memref_slice %arg2[%multiple_of3A, %multiple_of3A_1337] : memref<2049x22528xf32, #tpu.memory_space<hbm>> -> memref<64x128xf32, #tpu.memory_space<hbm>>
        tpu.enqueue_dma source(%dma_start3A_1348 : memref<64x128xf32, #tpu.memory_space<hbm>>) target(%dma_start3A_1347 : memref<64x128xf32, #tpu.memory_space<vmem>>) target_semaphore(%arg20 : memref<!tpu.dma_semaphore, #tpu.memory_space<semaphore_mem>>)
      } else {
      }
      %add3A_807 = arith.constant 4 : i32
      %add3A_808 = arith.addi %mul3A_284, %add3A_807 : i32
      %dma_wait3A_809 = arith.constant 4 : i32
      %dma_wait3A_810 = arith.constant 0 : i32
      %dma_wait3A_811 = arith.constant 0 : i32
      %dma_wait3A_812 = tpu.memref_slice %arg13[%dma_wait3A_809, %dma_wait3A_810, %dma_wait3A_811] : memref<8x64x128xf32, #tpu.memory_space<vmem>> -> memref<1x64x128xf32, #tpu.memory_space<vmem>>
      %dma_wait3A_813 = tpu.memref_squeeze %dma_wait3A_812 : memref<1x64x128xf32, #tpu.memory_space<vmem>> -> memref<64x128xf32, #tpu.memory_space<vmem>>
      %dma_wait3A_814 = arith.constant 0 : i32
      %dma_wait3A_815 = tpu.memref_slice %arg2[%multiple_of3A, %dma_wait3A_814] : memref<2049x22528xf32, #tpu.memory_space<hbm>> -> memref<64x128xf32, #tpu.memory_space<hbm>>
      %dma_wait3A_816 = arith.constant 0 : i32
      %dma_wait3A_817 = arith.constant 0 : i32
      %dma_wait3A_818 = tpu.memref_slice %arg13[%dma_wait3A_809, %dma_wait3A_816, %dma_wait3A_817] : memref<8x64x128xf32, #tpu.memory_space<vmem>> -> memref<1x64x128xf32, #tpu.memory_space<vmem>>
      %dma_wait3A_819 = tpu.memref_squeeze %dma_wait3A_818 : memref<1x64x128xf32, #tpu.memory_space<vmem>> -> memref<64x128xf32, #tpu.memory_space<vmem>>
      %dma_wait3A_820 = arith.constant 0 : i32
      %dma_wait3A_821 = tpu.memref_slice %arg2[%multiple_of3A, %dma_wait3A_820] : memref<2049x22528xf32, #tpu.memory_space<hbm>> -> memref<64x128xf32, #tpu.memory_space<hbm>>
      tpu.wait_dma2 semaphore(%arg21 : memref<!tpu.dma_semaphore, #tpu.memory_space<semaphore_mem>>) src(%dma_wait3A_821 : memref<64x128xf32, #tpu.memory_space<hbm>>) dst(%dma_wait3A_819 : memref<64x128xf32, #tpu.memory_space<vmem>>)
      %broadcast_in_dim3A_822 = vector.broadcast %add3A_808 : i32 to vector<16xi32>
      %gather3A_823 = tpu.vector_load_idx %arg10[%broadcast_in_dim3A_822] : memref<64xi32, #tpu.memory_space<vmem>>[vector<16xi32>], vector<16xi32>,
      %slice3A_824 = vector.extract_strided_slice %gather3A_823 {offsets = [0], sizes = [1], strides = [1]} : vector<16xi32> to vector<1xi32>
      %squeeze3A_825 = vector.extract %slice3A_824[0] : i32 from vector<1xi32>
      %broadcast_in_dim3A_826 = vector.broadcast %squeeze3A_825 : i32 to vector<16xi32>
      %broadcast_in_dim3A_827 = vector.broadcast %add3A_808 : i32 to vector<16xi32>
      %gather3A_828 = tpu.vector_load_idx %arg11[%broadcast_in_dim3A_827] : memref<64xf32, #tpu.memory_space<vmem>>[vector<16xi32>], vector<16xf32>,
      %slice3A_829 = vector.extract_strided_slice %gather3A_828 {offsets = [0], sizes = [1], strides = [1]} : vector<16xf32> to vector<1xf32>
      %squeeze3A_830 = vector.extract %slice3A_829[0] : f32 from vector<1xf32>
      %broadcast_in_dim3A_831 = vector.broadcast %add3A_808 : i32 to vector<16xi32>
      %gather3A_832 = tpu.vector_load_idx %arg12[%broadcast_in_dim3A_831] : memref<64xf32, #tpu.memory_space<vmem>>[vector<16xi32>], vector<16xf32>,
      %slice3A_833 = vector.extract_strided_slice %gather3A_832 {offsets = [0], sizes = [1], strides = [1]} : vector<16xf32> to vector<1xf32>
      %squeeze3A_834 = vector.extract %slice3A_833[0] : f32 from vector<1xf32>
      %iota3A_835 = tpu.iota {dimensions = array<i32: 0>} : vector<16xi32>
      %add3A_836 = arith.constant 0 : i32
      %add3A_837 = vector.broadcast %add3A_836 : i32 to vector<16xi32>
      %add3A_838 = arith.addi %iota3A_835, %add3A_837 : vector<16xi32>
      %gather3A_839 = arith.constant 4 : i32
      %gather3A_840 = arith.constant 0 : i32
      %gather3A_841 = arith.constant 0 : i32
      %gather3A_842 = tpu.memref_slice %arg13[%gather3A_839, %gather3A_840, %gather3A_841] : memref<8x64x128xf32, #tpu.memory_space<vmem>> -> memref<1x64x128xf32, #tpu.memory_space<vmem>>
      %gather3A_843 = tpu.memref_squeeze %gather3A_842 : memref<1x64x128xf32, #tpu.memory_space<vmem>> -> memref<64x128xf32, #tpu.memory_space<vmem>>
      %gather3A_844 = tpu.vector_load_idx %gather3A_843[%add3A_838, %broadcast_in_dim3A_826] : memref<64x128xf32, #tpu.memory_space<vmem>>[vector<16xi32>, vector<16xi32>], vector<16xf32>,
      %get3A_845 = arith.constant 0 : index
      %get3A_846 = tpu.vector_load %arg14[%get3A_845] {strides = array<i32>} : memref<64xf32, #tpu.memory_space<vmem>>, vector<16xf32>,
      %mul3A_847 = vector.broadcast %squeeze3A_830 : f32 to vector<16xf32>
      %mul3A_848 = arith.mulf %gather3A_844, %mul3A_847 : vector<16xf32>
      %add3A_849 = arith.addf %get3A_846, %mul3A_848 : vector<16xf32>
      %swap3A_850 = arith.constant 0 : index
      %swap3A_851 = tpu.vector_load %arg14[%swap3A_850] {strides = array<i32>} : memref<64xf32, #tpu.memory_space<vmem>>, vector<16xf32>,
      tpu.vector_store %arg14[%swap3A_850], %add3A_849 {strides = array<i32>} : memref<64xf32, #tpu.memory_space<vmem>>, vector<16xf32>,
      %get3A_852 = arith.constant 0 : index
      %get3A_853 = tpu.vector_load %arg15[%get3A_852] {strides = array<i32>} : memref<64xf32, #tpu.memory_space<vmem>>, vector<16xf32>,
      %mul3A_854 = vector.broadcast %squeeze3A_834 : f32 to vector<16xf32>
      %mul3A_855 = arith.mulf %gather3A_844, %mul3A_854 : vector<16xf32>
      %add3A_856 = arith.addf %get3A_853, %mul3A_855 : vector<16xf32>
      %swap3A_857 = arith.constant 0 : index
      %swap3A_858 = tpu.vector_load %arg15[%swap3A_857] {strides = array<i32>} : memref<64xf32, #tpu.memory_space<vmem>>, vector<16xf32>,
      tpu.vector_store %arg15[%swap3A_857], %add3A_856 {strides = array<i32>} : memref<64xf32, #tpu.memory_space<vmem>>, vector<16xf32>,
      %iota3A_859 = tpu.iota {dimensions = array<i32: 0>} : vector<16xi32>
      %add3A_860 = arith.constant 16 : i32
      %add3A_861 = vector.broadcast %add3A_860 : i32 to vector<16xi32>
      %add3A_862 = arith.addi %iota3A_859, %add3A_861 : vector<16xi32>
      %gather3A_863 = arith.constant 4 : i32
      %gather3A_864 = arith.constant 0 : i32
      %gather3A_865 = arith.constant 0 : i32
      %gather3A_866 = tpu.memref_slice %arg13[%gather3A_863, %gather3A_864, %gather3A_865] : memref<8x64x128xf32, #tpu.memory_space<vmem>> -> memref<1x64x128xf32, #tpu.memory_space<vmem>>
      %gather3A_867 = tpu.memref_squeeze %gather3A_866 : memref<1x64x128xf32, #tpu.memory_space<vmem>> -> memref<64x128xf32, #tpu.memory_space<vmem>>
      %gather3A_868 = tpu.vector_load_idx %gather3A_867[%add3A_862, %broadcast_in_dim3A_826] : memref<64x128xf32, #tpu.memory_space<vmem>>[vector<16xi32>, vector<16xi32>], vector<16xf32>,
      %get3A_869 = arith.constant 16 : index
      %get3A_870 = tpu.vector_load %arg14[%get3A_869] {strides = array<i32>} : memref<64xf32, #tpu.memory_space<vmem>>, vector<16xf32>,
      %mul3A_871 = vector.broadcast %squeeze3A_830 : f32 to vector<16xf32>
      %mul3A_872 = arith.mulf %gather3A_868, %mul3A_871 : vector<16xf32>
      %add3A_873 = arith.addf %get3A_870, %mul3A_872 : vector<16xf32>
      %swap3A_874 = arith.constant 16 : index
      %swap3A_875 = tpu.vector_load %arg14[%swap3A_874] {strides = array<i32>} : memref<64xf32, #tpu.memory_space<vmem>>, vector<16xf32>,
      tpu.vector_store %arg14[%swap3A_874], %add3A_873 {strides = array<i32>} : memref<64xf32, #tpu.memory_space<vmem>>, vector<16xf32>,
      %get3A_876 = arith.constant 16 : index
      %get3A_877 = tpu.vector_load %arg15[%get3A_876] {strides = array<i32>} : memref<64xf32, #tpu.memory_space<vmem>>, vector<16xf32>,
      %mul3A_878 = vector.broadcast %squeeze3A_834 : f32 to vector<16xf32>
      %mul3A_879 = arith.mulf %gather3A_868, %mul3A_878 : vector<16xf32>
      %add3A_880 = arith.addf %get3A_877, %mul3A_879 : vector<16xf32>
      %swap3A_881 = arith.constant 16 : index
      %swap3A_882 = tpu.vector_load %arg15[%swap3A_881] {strides = array<i32>} : memref<64xf32, #tpu.memory_space<vmem>>, vector<16xf32>,
      tpu.vector_store %arg15[%swap3A_881], %add3A_880 {strides = array<i32>} : memref<64xf32, #tpu.memory_space<vmem>>, vector<16xf32>,
      %iota3A_883 = tpu.iota {dimensions = array<i32: 0>} : vector<16xi32>
      %add3A_884 = arith.constant 32 : i32
      %add3A_885 = vector.broadcast %add3A_884 : i32 to vector<16xi32>
      %add3A_886 = arith.addi %iota3A_883, %add3A_885 : vector<16xi32>
      %gather3A_887 = arith.constant 4 : i32
      %gather3A_888 = arith.constant 0 : i32
      %gather3A_889 = arith.constant 0 : i32
      %gather3A_890 = tpu.memref_slice %arg13[%gather3A_887, %gather3A_888, %gather3A_889] : memref<8x64x128xf32, #tpu.memory_space<vmem>> -> memref<1x64x128xf32, #tpu.memory_space<vmem>>
      %gather3A_891 = tpu.memref_squeeze %gather3A_890 : memref<1x64x128xf32, #tpu.memory_space<vmem>> -> memref<64x128xf32, #tpu.memory_space<vmem>>
      %gather3A_892 = tpu.vector_load_idx %gather3A_891[%add3A_886, %broadcast_in_dim3A_826] : memref<64x128xf32, #tpu.memory_space<vmem>>[vector<16xi32>, vector<16xi32>], vector<16xf32>,
      %get3A_893 = arith.constant 32 : index
      %get3A_894 = tpu.vector_load %arg14[%get3A_893] {strides = array<i32>} : memref<64xf32, #tpu.memory_space<vmem>>, vector<16xf32>,
      %mul3A_895 = vector.broadcast %squeeze3A_830 : f32 to vector<16xf32>
      %mul3A_896 = arith.mulf %gather3A_892, %mul3A_895 : vector<16xf32>
      %add3A_897 = arith.addf %get3A_894, %mul3A_896 : vector<16xf32>
      %swap3A_898 = arith.constant 32 : index
      %swap3A_899 = tpu.vector_load %arg14[%swap3A_898] {strides = array<i32>} : memref<64xf32, #tpu.memory_space<vmem>>, vector<16xf32>,
      tpu.vector_store %arg14[%swap3A_898], %add3A_897 {strides = array<i32>} : memref<64xf32, #tpu.memory_space<vmem>>, vector<16xf32>,
      %get3A_900 = arith.constant 32 : index
      %get3A_901 = tpu.vector_load %arg15[%get3A_900] {strides = array<i32>} : memref<64xf32, #tpu.memory_space<vmem>>, vector<16xf32>,
      %mul3A_902 = vector.broadcast %squeeze3A_834 : f32 to vector<16xf32>
      %mul3A_903 = arith.mulf %gather3A_892, %mul3A_902 : vector<16xf32>
      %add3A_904 = arith.addf %get3A_901, %mul3A_903 : vector<16xf32>
      %swap3A_905 = arith.constant 32 : index
      %swap3A_906 = tpu.vector_load %arg15[%swap3A_905] {strides = array<i32>} : memref<64xf32, #tpu.memory_space<vmem>>, vector<16xf32>,
      tpu.vector_store %arg15[%swap3A_905], %add3A_904 {strides = array<i32>} : memref<64xf32, #tpu.memory_space<vmem>>, vector<16xf32>,
      %iota3A_907 = tpu.iota {dimensions = array<i32: 0>} : vector<16xi32>
      %add3A_908 = arith.constant 48 : i32
      %add3A_909 = vector.broadcast %add3A_908 : i32 to vector<16xi32>
      %add3A_910 = arith.addi %iota3A_907, %add3A_909 : vector<16xi32>
      %gather3A_911 = arith.constant 4 : i32
      %gather3A_912 = arith.constant 0 : i32
      %gather3A_913 = arith.constant 0 : i32
      %gather3A_914 = tpu.memref_slice %arg13[%gather3A_911, %gather3A_912, %gather3A_913] : memref<8x64x128xf32, #tpu.memory_space<vmem>> -> memref<1x64x128xf32, #tpu.memory_space<vmem>>
      %gather3A_915 = tpu.memref_squeeze %gather3A_914 : memref<1x64x128xf32, #tpu.memory_space<vmem>> -> memref<64x128xf32, #tpu.memory_space<vmem>>
      %gather3A_916 = tpu.vector_load_idx %gather3A_915[%add3A_910, %broadcast_in_dim3A_826] : memref<64x128xf32, #tpu.memory_space<vmem>>[vector<16xi32>, vector<16xi32>], vector<16xf32>,
      %get3A_917 = arith.constant 48 : index
      %get3A_918 = tpu.vector_load %arg14[%get3A_917] {strides = array<i32>} : memref<64xf32, #tpu.memory_space<vmem>>, vector<16xf32>,
      %mul3A_919 = vector.broadcast %squeeze3A_830 : f32 to vector<16xf32>
      %mul3A_920 = arith.mulf %gather3A_916, %mul3A_919 : vector<16xf32>
      %add3A_921 = arith.addf %get3A_918, %mul3A_920 : vector<16xf32>
      %swap3A_922 = arith.constant 48 : index
      %swap3A_923 = tpu.vector_load %arg14[%swap3A_922] {strides = array<i32>} : memref<64xf32, #tpu.memory_space<vmem>>, vector<16xf32>,
      tpu.vector_store %arg14[%swap3A_922], %add3A_921 {strides = array<i32>} : memref<64xf32, #tpu.memory_space<vmem>>, vector<16xf32>,
      %get3A_924 = arith.constant 48 : index
      %get3A_925 = tpu.vector_load %arg15[%get3A_924] {strides = array<i32>} : memref<64xf32, #tpu.memory_space<vmem>>, vector<16xf32>,
      %mul3A_926 = vector.broadcast %squeeze3A_834 : f32 to vector<16xf32>
      %mul3A_927 = arith.mulf %gather3A_916, %mul3A_926 : vector<16xf32>
      %add3A_928 = arith.addf %get3A_925, %mul3A_927 : vector<16xf32>
      %swap3A_929 = arith.constant 48 : index
      %swap3A_930 = tpu.vector_load %arg15[%swap3A_929] {strides = array<i32>} : memref<64xf32, #tpu.memory_space<vmem>>, vector<16xf32>,
      tpu.vector_store %arg15[%swap3A_929], %add3A_928 {strides = array<i32>} : memref<64xf32, #tpu.memory_space<vmem>>, vector<16xf32>,
      %add3A_931 = arith.constant 8 : i32
      %add3A_932 = arith.addi %add3A_808, %add3A_931 : i32
      %lt3A_933 = arith.constant 64 : i32
      %lt3A_934 = arith.cmpi slt, %add3A_932, %lt3A_933 : i32
      %convert_element_type3A_935 = arith.extui %lt3A_934 : i1 to i32
      %cond3A_936 = arith.constant 0 : i32
      %cond3A_937 = arith.cmpi ne, %convert_element_type3A_935, %cond3A_936 : i32
      scf.if %cond3A_937 {
        %add3A_1331 = arith.constant 8 : i32
        %add3A_1332 = arith.addi %add3A_808, %add3A_1331 : i32
        %broadcast_in_dim3A_1333 = vector.broadcast %add3A_1332 : i32 to vector<16xi32>
        %gather3A_1334 = tpu.vector_load_idx %arg9[%broadcast_in_dim3A_1333] : memref<64xi32, #tpu.memory_space<vmem>>[vector<16xi32>], vector<16xi32>,
        %slice3A_1335 = vector.extract_strided_slice %gather3A_1334 {offsets = [0], sizes = [1], strides = [1]} : vector<16xi32> to vector<1xi32>
        %squeeze3A_1336 = vector.extract %slice3A_1335[0] : i32 from vector<1xi32>
        %multiple_of3A_1337 = tpu.assume_multiple %squeeze3A_1336, 128 : i32
        %dma_start3A_1338 = arith.constant 4 : i32
        %dma_start3A_1339 = arith.constant 0 : i32
        %dma_start3A_1340 = arith.constant 0 : i32
        %dma_start3A_1341 = tpu.memref_slice %arg13[%dma_start3A_1338, %dma_start3A_1339, %dma_start3A_1340] : memref<8x64x128xf32, #tpu.memory_space<vmem>> -> memref<1x64x128xf32, #tpu.memory_space<vmem>>
        %dma_start3A_1342 = tpu.memref_squeeze %dma_start3A_1341 : memref<1x64x128xf32, #tpu.memory_space<vmem>> -> memref<64x128xf32, #tpu.memory_space<vmem>>
        %dma_start3A_1343 = tpu.memref_slice %arg2[%multiple_of3A, %multiple_of3A_1337] : memref<2049x22528xf32, #tpu.memory_space<hbm>> -> memref<64x128xf32, #tpu.memory_space<hbm>>
        %dma_start3A_1344 = arith.constant 0 : i32
        %dma_start3A_1345 = arith.constant 0 : i32
        %dma_start3A_1346 = tpu.memref_slice %arg13[%dma_start3A_1338, %dma_start3A_1344, %dma_start3A_1345] : memref<8x64x128xf32, #tpu.memory_space<vmem>> -> memref<1x64x128xf32, #tpu.memory_space<vmem>>
        %dma_start3A_1347 = tpu.memref_squeeze %dma_start3A_1346 : memref<1x64x128xf32, #tpu.memory_space<vmem>> -> memref<64x128xf32, #tpu.memory_space<vmem>>
        %dma_start3A_1348 = tpu.memref_slice %arg2[%multiple_of3A, %multiple_of3A_1337] : memref<2049x22528xf32, #tpu.memory_space<hbm>> -> memref<64x128xf32, #tpu.memory_space<hbm>>
        tpu.enqueue_dma source(%dma_start3A_1348 : memref<64x128xf32, #tpu.memory_space<hbm>>) target(%dma_start3A_1347 : memref<64x128xf32, #tpu.memory_space<vmem>>) target_semaphore(%arg21 : memref<!tpu.dma_semaphore, #tpu.memory_space<semaphore_mem>>)
      } else {
      }
      %add3A_938 = arith.constant 5 : i32
      %add3A_939 = arith.addi %mul3A_284, %add3A_938 : i32
      %dma_wait3A_940 = arith.constant 5 : i32
      %dma_wait3A_941 = arith.constant 0 : i32
      %dma_wait3A_942 = arith.constant 0 : i32
      %dma_wait3A_943 = tpu.memref_slice %arg13[%dma_wait3A_940, %dma_wait3A_941, %dma_wait3A_942] : memref<8x64x128xf32, #tpu.memory_space<vmem>> -> memref<1x64x128xf32, #tpu.memory_space<vmem>>
      %dma_wait3A_944 = tpu.memref_squeeze %dma_wait3A_943 : memref<1x64x128xf32, #tpu.memory_space<vmem>> -> memref<64x128xf32, #tpu.memory_space<vmem>>
      %dma_wait3A_945 = arith.constant 0 : i32
      %dma_wait3A_946 = tpu.memref_slice %arg2[%multiple_of3A, %dma_wait3A_945] : memref<2049x22528xf32, #tpu.memory_space<hbm>> -> memref<64x128xf32, #tpu.memory_space<hbm>>
      %dma_wait3A_947 = arith.constant 0 : i32
      %dma_wait3A_948 = arith.constant 0 : i32
      %dma_wait3A_949 = tpu.memref_slice %arg13[%dma_wait3A_940, %dma_wait3A_947, %dma_wait3A_948] : memref<8x64x128xf32, #tpu.memory_space<vmem>> -> memref<1x64x128xf32, #tpu.memory_space<vmem>>
      %dma_wait3A_950 = tpu.memref_squeeze %dma_wait3A_949 : memref<1x64x128xf32, #tpu.memory_space<vmem>> -> memref<64x128xf32, #tpu.memory_space<vmem>>
      %dma_wait3A_951 = arith.constant 0 : i32
      %dma_wait3A_952 = tpu.memref_slice %arg2[%multiple_of3A, %dma_wait3A_951] : memref<2049x22528xf32, #tpu.memory_space<hbm>> -> memref<64x128xf32, #tpu.memory_space<hbm>>
      tpu.wait_dma2 semaphore(%arg22 : memref<!tpu.dma_semaphore, #tpu.memory_space<semaphore_mem>>) src(%dma_wait3A_952 : memref<64x128xf32, #tpu.memory_space<hbm>>) dst(%dma_wait3A_950 : memref<64x128xf32, #tpu.memory_space<vmem>>)
      %broadcast_in_dim3A_953 = vector.broadcast %add3A_939 : i32 to vector<16xi32>
      %gather3A_954 = tpu.vector_load_idx %arg10[%broadcast_in_dim3A_953] : memref<64xi32, #tpu.memory_space<vmem>>[vector<16xi32>], vector<16xi32>,
      %slice3A_955 = vector.extract_strided_slice %gather3A_954 {offsets = [0], sizes = [1], strides = [1]} : vector<16xi32> to vector<1xi32>
      %squeeze3A_956 = vector.extract %slice3A_955[0] : i32 from vector<1xi32>
      %broadcast_in_dim3A_957 = vector.broadcast %squeeze3A_956 : i32 to vector<16xi32>
      %broadcast_in_dim3A_958 = vector.broadcast %add3A_939 : i32 to vector<16xi32>
      %gather3A_959 = tpu.vector_load_idx %arg11[%broadcast_in_dim3A_958] : memref<64xf32, #tpu.memory_space<vmem>>[vector<16xi32>], vector<16xf32>,
      %slice3A_960 = vector.extract_strided_slice %gather3A_959 {offsets = [0], sizes = [1], strides = [1]} : vector<16xf32> to vector<1xf32>
      %squeeze3A_961 = vector.extract %slice3A_960[0] : f32 from vector<1xf32>
      %broadcast_in_dim3A_962 = vector.broadcast %add3A_939 : i32 to vector<16xi32>
      %gather3A_963 = tpu.vector_load_idx %arg12[%broadcast_in_dim3A_962] : memref<64xf32, #tpu.memory_space<vmem>>[vector<16xi32>], vector<16xf32>,
      %slice3A_964 = vector.extract_strided_slice %gather3A_963 {offsets = [0], sizes = [1], strides = [1]} : vector<16xf32> to vector<1xf32>
      %squeeze3A_965 = vector.extract %slice3A_964[0] : f32 from vector<1xf32>
      %iota3A_966 = tpu.iota {dimensions = array<i32: 0>} : vector<16xi32>
      %add3A_967 = arith.constant 0 : i32
      %add3A_968 = vector.broadcast %add3A_967 : i32 to vector<16xi32>
      %add3A_969 = arith.addi %iota3A_966, %add3A_968 : vector<16xi32>
      %gather3A_970 = arith.constant 5 : i32
      %gather3A_971 = arith.constant 0 : i32
      %gather3A_972 = arith.constant 0 : i32
      %gather3A_973 = tpu.memref_slice %arg13[%gather3A_970, %gather3A_971, %gather3A_972] : memref<8x64x128xf32, #tpu.memory_space<vmem>> -> memref<1x64x128xf32, #tpu.memory_space<vmem>>
      %gather3A_974 = tpu.memref_squeeze %gather3A_973 : memref<1x64x128xf32, #tpu.memory_space<vmem>> -> memref<64x128xf32, #tpu.memory_space<vmem>>
      %gather3A_975 = tpu.vector_load_idx %gather3A_974[%add3A_969, %broadcast_in_dim3A_957] : memref<64x128xf32, #tpu.memory_space<vmem>>[vector<16xi32>, vector<16xi32>], vector<16xf32>,
      %get3A_976 = arith.constant 0 : index
      %get3A_977 = tpu.vector_load %arg14[%get3A_976] {strides = array<i32>} : memref<64xf32, #tpu.memory_space<vmem>>, vector<16xf32>,
      %mul3A_978 = vector.broadcast %squeeze3A_961 : f32 to vector<16xf32>
      %mul3A_979 = arith.mulf %gather3A_975, %mul3A_978 : vector<16xf32>
      %add3A_980 = arith.addf %get3A_977, %mul3A_979 : vector<16xf32>
      %swap3A_981 = arith.constant 0 : index
      %swap3A_982 = tpu.vector_load %arg14[%swap3A_981] {strides = array<i32>} : memref<64xf32, #tpu.memory_space<vmem>>, vector<16xf32>,
      tpu.vector_store %arg14[%swap3A_981], %add3A_980 {strides = array<i32>} : memref<64xf32, #tpu.memory_space<vmem>>, vector<16xf32>,
      %get3A_983 = arith.constant 0 : index
      %get3A_984 = tpu.vector_load %arg15[%get3A_983] {strides = array<i32>} : memref<64xf32, #tpu.memory_space<vmem>>, vector<16xf32>,
      %mul3A_985 = vector.broadcast %squeeze3A_965 : f32 to vector<16xf32>
      %mul3A_986 = arith.mulf %gather3A_975, %mul3A_985 : vector<16xf32>
      %add3A_987 = arith.addf %get3A_984, %mul3A_986 : vector<16xf32>
      %swap3A_988 = arith.constant 0 : index
      %swap3A_989 = tpu.vector_load %arg15[%swap3A_988] {strides = array<i32>} : memref<64xf32, #tpu.memory_space<vmem>>, vector<16xf32>,
      tpu.vector_store %arg15[%swap3A_988], %add3A_987 {strides = array<i32>} : memref<64xf32, #tpu.memory_space<vmem>>, vector<16xf32>,
      %iota3A_990 = tpu.iota {dimensions = array<i32: 0>} : vector<16xi32>
      %add3A_991 = arith.constant 16 : i32
      %add3A_992 = vector.broadcast %add3A_991 : i32 to vector<16xi32>
      %add3A_993 = arith.addi %iota3A_990, %add3A_992 : vector<16xi32>
      %gather3A_994 = arith.constant 5 : i32
      %gather3A_995 = arith.constant 0 : i32
      %gather3A_996 = arith.constant 0 : i32
      %gather3A_997 = tpu.memref_slice %arg13[%gather3A_994, %gather3A_995, %gather3A_996] : memref<8x64x128xf32, #tpu.memory_space<vmem>> -> memref<1x64x128xf32, #tpu.memory_space<vmem>>
      %gather3A_998 = tpu.memref_squeeze %gather3A_997 : memref<1x64x128xf32, #tpu.memory_space<vmem>> -> memref<64x128xf32, #tpu.memory_space<vmem>>
      %gather3A_999 = tpu.vector_load_idx %gather3A_998[%add3A_993, %broadcast_in_dim3A_957] : memref<64x128xf32, #tpu.memory_space<vmem>>[vector<16xi32>, vector<16xi32>], vector<16xf32>,
      %get3A_1000 = arith.constant 16 : index
      %get3A_1001 = tpu.vector_load %arg14[%get3A_1000] {strides = array<i32>} : memref<64xf32, #tpu.memory_space<vmem>>, vector<16xf32>,
      %mul3A_1002 = vector.broadcast %squeeze3A_961 : f32 to vector<16xf32>
      %mul3A_1003 = arith.mulf %gather3A_999, %mul3A_1002 : vector<16xf32>
      %add3A_1004 = arith.addf %get3A_1001, %mul3A_1003 : vector<16xf32>
      %swap3A_1005 = arith.constant 16 : index
      %swap3A_1006 = tpu.vector_load %arg14[%swap3A_1005] {strides = array<i32>} : memref<64xf32, #tpu.memory_space<vmem>>, vector<16xf32>,
      tpu.vector_store %arg14[%swap3A_1005], %add3A_1004 {strides = array<i32>} : memref<64xf32, #tpu.memory_space<vmem>>, vector<16xf32>,
      %get3A_1007 = arith.constant 16 : index
      %get3A_1008 = tpu.vector_load %arg15[%get3A_1007] {strides = array<i32>} : memref<64xf32, #tpu.memory_space<vmem>>, vector<16xf32>,
      %mul3A_1009 = vector.broadcast %squeeze3A_965 : f32 to vector<16xf32>
      %mul3A_1010 = arith.mulf %gather3A_999, %mul3A_1009 : vector<16xf32>
      %add3A_1011 = arith.addf %get3A_1008, %mul3A_1010 : vector<16xf32>
      %swap3A_1012 = arith.constant 16 : index
      %swap3A_1013 = tpu.vector_load %arg15[%swap3A_1012] {strides = array<i32>} : memref<64xf32, #tpu.memory_space<vmem>>, vector<16xf32>,
      tpu.vector_store %arg15[%swap3A_1012], %add3A_1011 {strides = array<i32>} : memref<64xf32, #tpu.memory_space<vmem>>, vector<16xf32>,
      %iota3A_1014 = tpu.iota {dimensions = array<i32: 0>} : vector<16xi32>
      %add3A_1015 = arith.constant 32 : i32
      %add3A_1016 = vector.broadcast %add3A_1015 : i32 to vector<16xi32>
      %add3A_1017 = arith.addi %iota3A_1014, %add3A_1016 : vector<16xi32>
      %gather3A_1018 = arith.constant 5 : i32
      %gather3A_1019 = arith.constant 0 : i32
      %gather3A_1020 = arith.constant 0 : i32
      %gather3A_1021 = tpu.memref_slice %arg13[%gather3A_1018, %gather3A_1019, %gather3A_1020] : memref<8x64x128xf32, #tpu.memory_space<vmem>> -> memref<1x64x128xf32, #tpu.memory_space<vmem>>
      %gather3A_1022 = tpu.memref_squeeze %gather3A_1021 : memref<1x64x128xf32, #tpu.memory_space<vmem>> -> memref<64x128xf32, #tpu.memory_space<vmem>>
      %gather3A_1023 = tpu.vector_load_idx %gather3A_1022[%add3A_1017, %broadcast_in_dim3A_957] : memref<64x128xf32, #tpu.memory_space<vmem>>[vector<16xi32>, vector<16xi32>], vector<16xf32>,
      %get3A_1024 = arith.constant 32 : index
      %get3A_1025 = tpu.vector_load %arg14[%get3A_1024] {strides = array<i32>} : memref<64xf32, #tpu.memory_space<vmem>>, vector<16xf32>,
      %mul3A_1026 = vector.broadcast %squeeze3A_961 : f32 to vector<16xf32>
      %mul3A_1027 = arith.mulf %gather3A_1023, %mul3A_1026 : vector<16xf32>
      %add3A_1028 = arith.addf %get3A_1025, %mul3A_1027 : vector<16xf32>
      %swap3A_1029 = arith.constant 32 : index
      %swap3A_1030 = tpu.vector_load %arg14[%swap3A_1029] {strides = array<i32>} : memref<64xf32, #tpu.memory_space<vmem>>, vector<16xf32>,
      tpu.vector_store %arg14[%swap3A_1029], %add3A_1028 {strides = array<i32>} : memref<64xf32, #tpu.memory_space<vmem>>, vector<16xf32>,
      %get3A_1031 = arith.constant 32 : index
      %get3A_1032 = tpu.vector_load %arg15[%get3A_1031] {strides = array<i32>} : memref<64xf32, #tpu.memory_space<vmem>>, vector<16xf32>,
      %mul3A_1033 = vector.broadcast %squeeze3A_965 : f32 to vector<16xf32>
      %mul3A_1034 = arith.mulf %gather3A_1023, %mul3A_1033 : vector<16xf32>
      %add3A_1035 = arith.addf %get3A_1032, %mul3A_1034 : vector<16xf32>
      %swap3A_1036 = arith.constant 32 : index
      %swap3A_1037 = tpu.vector_load %arg15[%swap3A_1036] {strides = array<i32>} : memref<64xf32, #tpu.memory_space<vmem>>, vector<16xf32>,
      tpu.vector_store %arg15[%swap3A_1036], %add3A_1035 {strides = array<i32>} : memref<64xf32, #tpu.memory_space<vmem>>, vector<16xf32>,
      %iota3A_1038 = tpu.iota {dimensions = array<i32: 0>} : vector<16xi32>
      %add3A_1039 = arith.constant 48 : i32
      %add3A_1040 = vector.broadcast %add3A_1039 : i32 to vector<16xi32>
      %add3A_1041 = arith.addi %iota3A_1038, %add3A_1040 : vector<16xi32>
      %gather3A_1042 = arith.constant 5 : i32
      %gather3A_1043 = arith.constant 0 : i32
      %gather3A_1044 = arith.constant 0 : i32
      %gather3A_1045 = tpu.memref_slice %arg13[%gather3A_1042, %gather3A_1043, %gather3A_1044] : memref<8x64x128xf32, #tpu.memory_space<vmem>> -> memref<1x64x128xf32, #tpu.memory_space<vmem>>
      %gather3A_1046 = tpu.memref_squeeze %gather3A_1045 : memref<1x64x128xf32, #tpu.memory_space<vmem>> -> memref<64x128xf32, #tpu.memory_space<vmem>>
      %gather3A_1047 = tpu.vector_load_idx %gather3A_1046[%add3A_1041, %broadcast_in_dim3A_957] : memref<64x128xf32, #tpu.memory_space<vmem>>[vector<16xi32>, vector<16xi32>], vector<16xf32>,
      %get3A_1048 = arith.constant 48 : index
      %get3A_1049 = tpu.vector_load %arg14[%get3A_1048] {strides = array<i32>} : memref<64xf32, #tpu.memory_space<vmem>>, vector<16xf32>,
      %mul3A_1050 = vector.broadcast %squeeze3A_961 : f32 to vector<16xf32>
      %mul3A_1051 = arith.mulf %gather3A_1047, %mul3A_1050 : vector<16xf32>
      %add3A_1052 = arith.addf %get3A_1049, %mul3A_1051 : vector<16xf32>
      %swap3A_1053 = arith.constant 48 : index
      %swap3A_1054 = tpu.vector_load %arg14[%swap3A_1053] {strides = array<i32>} : memref<64xf32, #tpu.memory_space<vmem>>, vector<16xf32>,
      tpu.vector_store %arg14[%swap3A_1053], %add3A_1052 {strides = array<i32>} : memref<64xf32, #tpu.memory_space<vmem>>, vector<16xf32>,
      %get3A_1055 = arith.constant 48 : index
      %get3A_1056 = tpu.vector_load %arg15[%get3A_1055] {strides = array<i32>} : memref<64xf32, #tpu.memory_space<vmem>>, vector<16xf32>,
      %mul3A_1057 = vector.broadcast %squeeze3A_965 : f32 to vector<16xf32>
      %mul3A_1058 = arith.mulf %gather3A_1047, %mul3A_1057 : vector<16xf32>
      %add3A_1059 = arith.addf %get3A_1056, %mul3A_1058 : vector<16xf32>
      %swap3A_1060 = arith.constant 48 : index
      %swap3A_1061 = tpu.vector_load %arg15[%swap3A_1060] {strides = array<i32>} : memref<64xf32, #tpu.memory_space<vmem>>, vector<16xf32>,
      tpu.vector_store %arg15[%swap3A_1060], %add3A_1059 {strides = array<i32>} : memref<64xf32, #tpu.memory_space<vmem>>, vector<16xf32>,
      %add3A_1062 = arith.constant 8 : i32
      %add3A_1063 = arith.addi %add3A_939, %add3A_1062 : i32
      %lt3A_1064 = arith.constant 64 : i32
      %lt3A_1065 = arith.cmpi slt, %add3A_1063, %lt3A_1064 : i32
      %convert_element_type3A_1066 = arith.extui %lt3A_1065 : i1 to i32
      %cond3A_1067 = arith.constant 0 : i32
      %cond3A_1068 = arith.cmpi ne, %convert_element_type3A_1066, %cond3A_1067 : i32
      scf.if %cond3A_1068 {
        %add3A_1331 = arith.constant 8 : i32
        %add3A_1332 = arith.addi %add3A_939, %add3A_1331 : i32
        %broadcast_in_dim3A_1333 = vector.broadcast %add3A_1332 : i32 to vector<16xi32>
        %gather3A_1334 = tpu.vector_load_idx %arg9[%broadcast_in_dim3A_1333] : memref<64xi32, #tpu.memory_space<vmem>>[vector<16xi32>], vector<16xi32>,
        %slice3A_1335 = vector.extract_strided_slice %gather3A_1334 {offsets = [0], sizes = [1], strides = [1]} : vector<16xi32> to vector<1xi32>
        %squeeze3A_1336 = vector.extract %slice3A_1335[0] : i32 from vector<1xi32>
        %multiple_of3A_1337 = tpu.assume_multiple %squeeze3A_1336, 128 : i32
        %dma_start3A_1338 = arith.constant 5 : i32
        %dma_start3A_1339 = arith.constant 0 : i32
        %dma_start3A_1340 = arith.constant 0 : i32
        %dma_start3A_1341 = tpu.memref_slice %arg13[%dma_start3A_1338, %dma_start3A_1339, %dma_start3A_1340] : memref<8x64x128xf32, #tpu.memory_space<vmem>> -> memref<1x64x128xf32, #tpu.memory_space<vmem>>
        %dma_start3A_1342 = tpu.memref_squeeze %dma_start3A_1341 : memref<1x64x128xf32, #tpu.memory_space<vmem>> -> memref<64x128xf32, #tpu.memory_space<vmem>>
        %dma_start3A_1343 = tpu.memref_slice %arg2[%multiple_of3A, %multiple_of3A_1337] : memref<2049x22528xf32, #tpu.memory_space<hbm>> -> memref<64x128xf32, #tpu.memory_space<hbm>>
        %dma_start3A_1344 = arith.constant 0 : i32
        %dma_start3A_1345 = arith.constant 0 : i32
        %dma_start3A_1346 = tpu.memref_slice %arg13[%dma_start3A_1338, %dma_start3A_1344, %dma_start3A_1345] : memref<8x64x128xf32, #tpu.memory_space<vmem>> -> memref<1x64x128xf32, #tpu.memory_space<vmem>>
        %dma_start3A_1347 = tpu.memref_squeeze %dma_start3A_1346 : memref<1x64x128xf32, #tpu.memory_space<vmem>> -> memref<64x128xf32, #tpu.memory_space<vmem>>
        %dma_start3A_1348 = tpu.memref_slice %arg2[%multiple_of3A, %multiple_of3A_1337] : memref<2049x22528xf32, #tpu.memory_space<hbm>> -> memref<64x128xf32, #tpu.memory_space<hbm>>
        tpu.enqueue_dma source(%dma_start3A_1348 : memref<64x128xf32, #tpu.memory_space<hbm>>) target(%dma_start3A_1347 : memref<64x128xf32, #tpu.memory_space<vmem>>) target_semaphore(%arg22 : memref<!tpu.dma_semaphore, #tpu.memory_space<semaphore_mem>>)
      } else {
      }
      %add3A_1069 = arith.constant 6 : i32
      %add3A_1070 = arith.addi %mul3A_284, %add3A_1069 : i32
      %dma_wait3A_1071 = arith.constant 6 : i32
      %dma_wait3A_1072 = arith.constant 0 : i32
      %dma_wait3A_1073 = arith.constant 0 : i32
      %dma_wait3A_1074 = tpu.memref_slice %arg13[%dma_wait3A_1071, %dma_wait3A_1072, %dma_wait3A_1073] : memref<8x64x128xf32, #tpu.memory_space<vmem>> -> memref<1x64x128xf32, #tpu.memory_space<vmem>>
      %dma_wait3A_1075 = tpu.memref_squeeze %dma_wait3A_1074 : memref<1x64x128xf32, #tpu.memory_space<vmem>> -> memref<64x128xf32, #tpu.memory_space<vmem>>
      %dma_wait3A_1076 = arith.constant 0 : i32
      %dma_wait3A_1077 = tpu.memref_slice %arg2[%multiple_of3A, %dma_wait3A_1076] : memref<2049x22528xf32, #tpu.memory_space<hbm>> -> memref<64x128xf32, #tpu.memory_space<hbm>>
      %dma_wait3A_1078 = arith.constant 0 : i32
      %dma_wait3A_1079 = arith.constant 0 : i32
      %dma_wait3A_1080 = tpu.memref_slice %arg13[%dma_wait3A_1071, %dma_wait3A_1078, %dma_wait3A_1079] : memref<8x64x128xf32, #tpu.memory_space<vmem>> -> memref<1x64x128xf32, #tpu.memory_space<vmem>>
      %dma_wait3A_1081 = tpu.memref_squeeze %dma_wait3A_1080 : memref<1x64x128xf32, #tpu.memory_space<vmem>> -> memref<64x128xf32, #tpu.memory_space<vmem>>
      %dma_wait3A_1082 = arith.constant 0 : i32
      %dma_wait3A_1083 = tpu.memref_slice %arg2[%multiple_of3A, %dma_wait3A_1082] : memref<2049x22528xf32, #tpu.memory_space<hbm>> -> memref<64x128xf32, #tpu.memory_space<hbm>>
      tpu.wait_dma2 semaphore(%arg23 : memref<!tpu.dma_semaphore, #tpu.memory_space<semaphore_mem>>) src(%dma_wait3A_1083 : memref<64x128xf32, #tpu.memory_space<hbm>>) dst(%dma_wait3A_1081 : memref<64x128xf32, #tpu.memory_space<vmem>>)
      %broadcast_in_dim3A_1084 = vector.broadcast %add3A_1070 : i32 to vector<16xi32>
      %gather3A_1085 = tpu.vector_load_idx %arg10[%broadcast_in_dim3A_1084] : memref<64xi32, #tpu.memory_space<vmem>>[vector<16xi32>], vector<16xi32>,
      %slice3A_1086 = vector.extract_strided_slice %gather3A_1085 {offsets = [0], sizes = [1], strides = [1]} : vector<16xi32> to vector<1xi32>
      %squeeze3A_1087 = vector.extract %slice3A_1086[0] : i32 from vector<1xi32>
      %broadcast_in_dim3A_1088 = vector.broadcast %squeeze3A_1087 : i32 to vector<16xi32>
      %broadcast_in_dim3A_1089 = vector.broadcast %add3A_1070 : i32 to vector<16xi32>
      %gather3A_1090 = tpu.vector_load_idx %arg11[%broadcast_in_dim3A_1089] : memref<64xf32, #tpu.memory_space<vmem>>[vector<16xi32>], vector<16xf32>,
      %slice3A_1091 = vector.extract_strided_slice %gather3A_1090 {offsets = [0], sizes = [1], strides = [1]} : vector<16xf32> to vector<1xf32>
      %squeeze3A_1092 = vector.extract %slice3A_1091[0] : f32 from vector<1xf32>
      %broadcast_in_dim3A_1093 = vector.broadcast %add3A_1070 : i32 to vector<16xi32>
      %gather3A_1094 = tpu.vector_load_idx %arg12[%broadcast_in_dim3A_1093] : memref<64xf32, #tpu.memory_space<vmem>>[vector<16xi32>], vector<16xf32>,
      %slice3A_1095 = vector.extract_strided_slice %gather3A_1094 {offsets = [0], sizes = [1], strides = [1]} : vector<16xf32> to vector<1xf32>
      %squeeze3A_1096 = vector.extract %slice3A_1095[0] : f32 from vector<1xf32>
      %iota3A_1097 = tpu.iota {dimensions = array<i32: 0>} : vector<16xi32>
      %add3A_1098 = arith.constant 0 : i32
      %add3A_1099 = vector.broadcast %add3A_1098 : i32 to vector<16xi32>
      %add3A_1100 = arith.addi %iota3A_1097, %add3A_1099 : vector<16xi32>
      %gather3A_1101 = arith.constant 6 : i32
      %gather3A_1102 = arith.constant 0 : i32
      %gather3A_1103 = arith.constant 0 : i32
      %gather3A_1104 = tpu.memref_slice %arg13[%gather3A_1101, %gather3A_1102, %gather3A_1103] : memref<8x64x128xf32, #tpu.memory_space<vmem>> -> memref<1x64x128xf32, #tpu.memory_space<vmem>>
      %gather3A_1105 = tpu.memref_squeeze %gather3A_1104 : memref<1x64x128xf32, #tpu.memory_space<vmem>> -> memref<64x128xf32, #tpu.memory_space<vmem>>
      %gather3A_1106 = tpu.vector_load_idx %gather3A_1105[%add3A_1100, %broadcast_in_dim3A_1088] : memref<64x128xf32, #tpu.memory_space<vmem>>[vector<16xi32>, vector<16xi32>], vector<16xf32>,
      %get3A_1107 = arith.constant 0 : index
      %get3A_1108 = tpu.vector_load %arg14[%get3A_1107] {strides = array<i32>} : memref<64xf32, #tpu.memory_space<vmem>>, vector<16xf32>,
      %mul3A_1109 = vector.broadcast %squeeze3A_1092 : f32 to vector<16xf32>
      %mul3A_1110 = arith.mulf %gather3A_1106, %mul3A_1109 : vector<16xf32>
      %add3A_1111 = arith.addf %get3A_1108, %mul3A_1110 : vector<16xf32>
      %swap3A_1112 = arith.constant 0 : index
      %swap3A_1113 = tpu.vector_load %arg14[%swap3A_1112] {strides = array<i32>} : memref<64xf32, #tpu.memory_space<vmem>>, vector<16xf32>,
      tpu.vector_store %arg14[%swap3A_1112], %add3A_1111 {strides = array<i32>} : memref<64xf32, #tpu.memory_space<vmem>>, vector<16xf32>,
      %get3A_1114 = arith.constant 0 : index
      %get3A_1115 = tpu.vector_load %arg15[%get3A_1114] {strides = array<i32>} : memref<64xf32, #tpu.memory_space<vmem>>, vector<16xf32>,
      %mul3A_1116 = vector.broadcast %squeeze3A_1096 : f32 to vector<16xf32>
      %mul3A_1117 = arith.mulf %gather3A_1106, %mul3A_1116 : vector<16xf32>
      %add3A_1118 = arith.addf %get3A_1115, %mul3A_1117 : vector<16xf32>
      %swap3A_1119 = arith.constant 0 : index
      %swap3A_1120 = tpu.vector_load %arg15[%swap3A_1119] {strides = array<i32>} : memref<64xf32, #tpu.memory_space<vmem>>, vector<16xf32>,
      tpu.vector_store %arg15[%swap3A_1119], %add3A_1118 {strides = array<i32>} : memref<64xf32, #tpu.memory_space<vmem>>, vector<16xf32>,
      %iota3A_1121 = tpu.iota {dimensions = array<i32: 0>} : vector<16xi32>
      %add3A_1122 = arith.constant 16 : i32
      %add3A_1123 = vector.broadcast %add3A_1122 : i32 to vector<16xi32>
      %add3A_1124 = arith.addi %iota3A_1121, %add3A_1123 : vector<16xi32>
      %gather3A_1125 = arith.constant 6 : i32
      %gather3A_1126 = arith.constant 0 : i32
      %gather3A_1127 = arith.constant 0 : i32
      %gather3A_1128 = tpu.memref_slice %arg13[%gather3A_1125, %gather3A_1126, %gather3A_1127] : memref<8x64x128xf32, #tpu.memory_space<vmem>> -> memref<1x64x128xf32, #tpu.memory_space<vmem>>
      %gather3A_1129 = tpu.memref_squeeze %gather3A_1128 : memref<1x64x128xf32, #tpu.memory_space<vmem>> -> memref<64x128xf32, #tpu.memory_space<vmem>>
      %gather3A_1130 = tpu.vector_load_idx %gather3A_1129[%add3A_1124, %broadcast_in_dim3A_1088] : memref<64x128xf32, #tpu.memory_space<vmem>>[vector<16xi32>, vector<16xi32>], vector<16xf32>,
      %get3A_1131 = arith.constant 16 : index
      %get3A_1132 = tpu.vector_load %arg14[%get3A_1131] {strides = array<i32>} : memref<64xf32, #tpu.memory_space<vmem>>, vector<16xf32>,
      %mul3A_1133 = vector.broadcast %squeeze3A_1092 : f32 to vector<16xf32>
      %mul3A_1134 = arith.mulf %gather3A_1130, %mul3A_1133 : vector<16xf32>
      %add3A_1135 = arith.addf %get3A_1132, %mul3A_1134 : vector<16xf32>
      %swap3A_1136 = arith.constant 16 : index
      %swap3A_1137 = tpu.vector_load %arg14[%swap3A_1136] {strides = array<i32>} : memref<64xf32, #tpu.memory_space<vmem>>, vector<16xf32>,
      tpu.vector_store %arg14[%swap3A_1136], %add3A_1135 {strides = array<i32>} : memref<64xf32, #tpu.memory_space<vmem>>, vector<16xf32>,
      %get3A_1138 = arith.constant 16 : index
      %get3A_1139 = tpu.vector_load %arg15[%get3A_1138] {strides = array<i32>} : memref<64xf32, #tpu.memory_space<vmem>>, vector<16xf32>,
      %mul3A_1140 = vector.broadcast %squeeze3A_1096 : f32 to vector<16xf32>
      %mul3A_1141 = arith.mulf %gather3A_1130, %mul3A_1140 : vector<16xf32>
      %add3A_1142 = arith.addf %get3A_1139, %mul3A_1141 : vector<16xf32>
      %swap3A_1143 = arith.constant 16 : index
      %swap3A_1144 = tpu.vector_load %arg15[%swap3A_1143] {strides = array<i32>} : memref<64xf32, #tpu.memory_space<vmem>>, vector<16xf32>,
      tpu.vector_store %arg15[%swap3A_1143], %add3A_1142 {strides = array<i32>} : memref<64xf32, #tpu.memory_space<vmem>>, vector<16xf32>,
      %iota3A_1145 = tpu.iota {dimensions = array<i32: 0>} : vector<16xi32>
      %add3A_1146 = arith.constant 32 : i32
      %add3A_1147 = vector.broadcast %add3A_1146 : i32 to vector<16xi32>
      %add3A_1148 = arith.addi %iota3A_1145, %add3A_1147 : vector<16xi32>
      %gather3A_1149 = arith.constant 6 : i32
      %gather3A_1150 = arith.constant 0 : i32
      %gather3A_1151 = arith.constant 0 : i32
      %gather3A_1152 = tpu.memref_slice %arg13[%gather3A_1149, %gather3A_1150, %gather3A_1151] : memref<8x64x128xf32, #tpu.memory_space<vmem>> -> memref<1x64x128xf32, #tpu.memory_space<vmem>>
      %gather3A_1153 = tpu.memref_squeeze %gather3A_1152 : memref<1x64x128xf32, #tpu.memory_space<vmem>> -> memref<64x128xf32, #tpu.memory_space<vmem>>
      %gather3A_1154 = tpu.vector_load_idx %gather3A_1153[%add3A_1148, %broadcast_in_dim3A_1088] : memref<64x128xf32, #tpu.memory_space<vmem>>[vector<16xi32>, vector<16xi32>], vector<16xf32>,
      %get3A_1155 = arith.constant 32 : index
      %get3A_1156 = tpu.vector_load %arg14[%get3A_1155] {strides = array<i32>} : memref<64xf32, #tpu.memory_space<vmem>>, vector<16xf32>,
      %mul3A_1157 = vector.broadcast %squeeze3A_1092 : f32 to vector<16xf32>
      %mul3A_1158 = arith.mulf %gather3A_1154, %mul3A_1157 : vector<16xf32>
      %add3A_1159 = arith.addf %get3A_1156, %mul3A_1158 : vector<16xf32>
      %swap3A_1160 = arith.constant 32 : index
      %swap3A_1161 = tpu.vector_load %arg14[%swap3A_1160] {strides = array<i32>} : memref<64xf32, #tpu.memory_space<vmem>>, vector<16xf32>,
      tpu.vector_store %arg14[%swap3A_1160], %add3A_1159 {strides = array<i32>} : memref<64xf32, #tpu.memory_space<vmem>>, vector<16xf32>,
      %get3A_1162 = arith.constant 32 : index
      %get3A_1163 = tpu.vector_load %arg15[%get3A_1162] {strides = array<i32>} : memref<64xf32, #tpu.memory_space<vmem>>, vector<16xf32>,
      %mul3A_1164 = vector.broadcast %squeeze3A_1096 : f32 to vector<16xf32>
      %mul3A_1165 = arith.mulf %gather3A_1154, %mul3A_1164 : vector<16xf32>
      %add3A_1166 = arith.addf %get3A_1163, %mul3A_1165 : vector<16xf32>
      %swap3A_1167 = arith.constant 32 : index
      %swap3A_1168 = tpu.vector_load %arg15[%swap3A_1167] {strides = array<i32>} : memref<64xf32, #tpu.memory_space<vmem>>, vector<16xf32>,
      tpu.vector_store %arg15[%swap3A_1167], %add3A_1166 {strides = array<i32>} : memref<64xf32, #tpu.memory_space<vmem>>, vector<16xf32>,
      %iota3A_1169 = tpu.iota {dimensions = array<i32: 0>} : vector<16xi32>
      %add3A_1170 = arith.constant 48 : i32
      %add3A_1171 = vector.broadcast %add3A_1170 : i32 to vector<16xi32>
      %add3A_1172 = arith.addi %iota3A_1169, %add3A_1171 : vector<16xi32>
      %gather3A_1173 = arith.constant 6 : i32
      %gather3A_1174 = arith.constant 0 : i32
      %gather3A_1175 = arith.constant 0 : i32
      %gather3A_1176 = tpu.memref_slice %arg13[%gather3A_1173, %gather3A_1174, %gather3A_1175] : memref<8x64x128xf32, #tpu.memory_space<vmem>> -> memref<1x64x128xf32, #tpu.memory_space<vmem>>
      %gather3A_1177 = tpu.memref_squeeze %gather3A_1176 : memref<1x64x128xf32, #tpu.memory_space<vmem>> -> memref<64x128xf32, #tpu.memory_space<vmem>>
      %gather3A_1178 = tpu.vector_load_idx %gather3A_1177[%add3A_1172, %broadcast_in_dim3A_1088] : memref<64x128xf32, #tpu.memory_space<vmem>>[vector<16xi32>, vector<16xi32>], vector<16xf32>,
      %get3A_1179 = arith.constant 48 : index
      %get3A_1180 = tpu.vector_load %arg14[%get3A_1179] {strides = array<i32>} : memref<64xf32, #tpu.memory_space<vmem>>, vector<16xf32>,
      %mul3A_1181 = vector.broadcast %squeeze3A_1092 : f32 to vector<16xf32>
      %mul3A_1182 = arith.mulf %gather3A_1178, %mul3A_1181 : vector<16xf32>
      %add3A_1183 = arith.addf %get3A_1180, %mul3A_1182 : vector<16xf32>
      %swap3A_1184 = arith.constant 48 : index
      %swap3A_1185 = tpu.vector_load %arg14[%swap3A_1184] {strides = array<i32>} : memref<64xf32, #tpu.memory_space<vmem>>, vector<16xf32>,
      tpu.vector_store %arg14[%swap3A_1184], %add3A_1183 {strides = array<i32>} : memref<64xf32, #tpu.memory_space<vmem>>, vector<16xf32>,
      %get3A_1186 = arith.constant 48 : index
      %get3A_1187 = tpu.vector_load %arg15[%get3A_1186] {strides = array<i32>} : memref<64xf32, #tpu.memory_space<vmem>>, vector<16xf32>,
      %mul3A_1188 = vector.broadcast %squeeze3A_1096 : f32 to vector<16xf32>
      %mul3A_1189 = arith.mulf %gather3A_1178, %mul3A_1188 : vector<16xf32>
      %add3A_1190 = arith.addf %get3A_1187, %mul3A_1189 : vector<16xf32>
      %swap3A_1191 = arith.constant 48 : index
      %swap3A_1192 = tpu.vector_load %arg15[%swap3A_1191] {strides = array<i32>} : memref<64xf32, #tpu.memory_space<vmem>>, vector<16xf32>,
      tpu.vector_store %arg15[%swap3A_1191], %add3A_1190 {strides = array<i32>} : memref<64xf32, #tpu.memory_space<vmem>>, vector<16xf32>,
      %add3A_1193 = arith.constant 8 : i32
      %add3A_1194 = arith.addi %add3A_1070, %add3A_1193 : i32
      %lt3A_1195 = arith.constant 64 : i32
      %lt3A_1196 = arith.cmpi slt, %add3A_1194, %lt3A_1195 : i32
      %convert_element_type3A_1197 = arith.extui %lt3A_1196 : i1 to i32
      %cond3A_1198 = arith.constant 0 : i32
      %cond3A_1199 = arith.cmpi ne, %convert_element_type3A_1197, %cond3A_1198 : i32
      scf.if %cond3A_1199 {
        %add3A_1331 = arith.constant 8 : i32
        %add3A_1332 = arith.addi %add3A_1070, %add3A_1331 : i32
        %broadcast_in_dim3A_1333 = vector.broadcast %add3A_1332 : i32 to vector<16xi32>
        %gather3A_1334 = tpu.vector_load_idx %arg9[%broadcast_in_dim3A_1333] : memref<64xi32, #tpu.memory_space<vmem>>[vector<16xi32>], vector<16xi32>,
        %slice3A_1335 = vector.extract_strided_slice %gather3A_1334 {offsets = [0], sizes = [1], strides = [1]} : vector<16xi32> to vector<1xi32>
        %squeeze3A_1336 = vector.extract %slice3A_1335[0] : i32 from vector<1xi32>
        %multiple_of3A_1337 = tpu.assume_multiple %squeeze3A_1336, 128 : i32
        %dma_start3A_1338 = arith.constant 6 : i32
        %dma_start3A_1339 = arith.constant 0 : i32
        %dma_start3A_1340 = arith.constant 0 : i32
        %dma_start3A_1341 = tpu.memref_slice %arg13[%dma_start3A_1338, %dma_start3A_1339, %dma_start3A_1340] : memref<8x64x128xf32, #tpu.memory_space<vmem>> -> memref<1x64x128xf32, #tpu.memory_space<vmem>>
        %dma_start3A_1342 = tpu.memref_squeeze %dma_start3A_1341 : memref<1x64x128xf32, #tpu.memory_space<vmem>> -> memref<64x128xf32, #tpu.memory_space<vmem>>
        %dma_start3A_1343 = tpu.memref_slice %arg2[%multiple_of3A, %multiple_of3A_1337] : memref<2049x22528xf32, #tpu.memory_space<hbm>> -> memref<64x128xf32, #tpu.memory_space<hbm>>
        %dma_start3A_1344 = arith.constant 0 : i32
        %dma_start3A_1345 = arith.constant 0 : i32
        %dma_start3A_1346 = tpu.memref_slice %arg13[%dma_start3A_1338, %dma_start3A_1344, %dma_start3A_1345] : memref<8x64x128xf32, #tpu.memory_space<vmem>> -> memref<1x64x128xf32, #tpu.memory_space<vmem>>
        %dma_start3A_1347 = tpu.memref_squeeze %dma_start3A_1346 : memref<1x64x128xf32, #tpu.memory_space<vmem>> -> memref<64x128xf32, #tpu.memory_space<vmem>>
        %dma_start3A_1348 = tpu.memref_slice %arg2[%multiple_of3A, %multiple_of3A_1337] : memref<2049x22528xf32, #tpu.memory_space<hbm>> -> memref<64x128xf32, #tpu.memory_space<hbm>>
        tpu.enqueue_dma source(%dma_start3A_1348 : memref<64x128xf32, #tpu.memory_space<hbm>>) target(%dma_start3A_1347 : memref<64x128xf32, #tpu.memory_space<vmem>>) target_semaphore(%arg23 : memref<!tpu.dma_semaphore, #tpu.memory_space<semaphore_mem>>)
      } else {
      }
      %add3A_1200 = arith.constant 7 : i32
      %add3A_1201 = arith.addi %mul3A_284, %add3A_1200 : i32
      %dma_wait3A_1202 = arith.constant 7 : i32
      %dma_wait3A_1203 = arith.constant 0 : i32
      %dma_wait3A_1204 = arith.constant 0 : i32
      %dma_wait3A_1205 = tpu.memref_slice %arg13[%dma_wait3A_1202, %dma_wait3A_1203, %dma_wait3A_1204] : memref<8x64x128xf32, #tpu.memory_space<vmem>> -> memref<1x64x128xf32, #tpu.memory_space<vmem>>
      %dma_wait3A_1206 = tpu.memref_squeeze %dma_wait3A_1205 : memref<1x64x128xf32, #tpu.memory_space<vmem>> -> memref<64x128xf32, #tpu.memory_space<vmem>>
      %dma_wait3A_1207 = arith.constant 0 : i32
      %dma_wait3A_1208 = tpu.memref_slice %arg2[%multiple_of3A, %dma_wait3A_1207] : memref<2049x22528xf32, #tpu.memory_space<hbm>> -> memref<64x128xf32, #tpu.memory_space<hbm>>
      %dma_wait3A_1209 = arith.constant 0 : i32
      %dma_wait3A_1210 = arith.constant 0 : i32
      %dma_wait3A_1211 = tpu.memref_slice %arg13[%dma_wait3A_1202, %dma_wait3A_1209, %dma_wait3A_1210] : memref<8x64x128xf32, #tpu.memory_space<vmem>> -> memref<1x64x128xf32, #tpu.memory_space<vmem>>
      %dma_wait3A_1212 = tpu.memref_squeeze %dma_wait3A_1211 : memref<1x64x128xf32, #tpu.memory_space<vmem>> -> memref<64x128xf32, #tpu.memory_space<vmem>>
      %dma_wait3A_1213 = arith.constant 0 : i32
      %dma_wait3A_1214 = tpu.memref_slice %arg2[%multiple_of3A, %dma_wait3A_1213] : memref<2049x22528xf32, #tpu.memory_space<hbm>> -> memref<64x128xf32, #tpu.memory_space<hbm>>
      tpu.wait_dma2 semaphore(%arg24 : memref<!tpu.dma_semaphore, #tpu.memory_space<semaphore_mem>>) src(%dma_wait3A_1214 : memref<64x128xf32, #tpu.memory_space<hbm>>) dst(%dma_wait3A_1212 : memref<64x128xf32, #tpu.memory_space<vmem>>)
      %broadcast_in_dim3A_1215 = vector.broadcast %add3A_1201 : i32 to vector<16xi32>
      %gather3A_1216 = tpu.vector_load_idx %arg10[%broadcast_in_dim3A_1215] : memref<64xi32, #tpu.memory_space<vmem>>[vector<16xi32>], vector<16xi32>,
      %slice3A_1217 = vector.extract_strided_slice %gather3A_1216 {offsets = [0], sizes = [1], strides = [1]} : vector<16xi32> to vector<1xi32>
      %squeeze3A_1218 = vector.extract %slice3A_1217[0] : i32 from vector<1xi32>
      %broadcast_in_dim3A_1219 = vector.broadcast %squeeze3A_1218 : i32 to vector<16xi32>
      %broadcast_in_dim3A_1220 = vector.broadcast %add3A_1201 : i32 to vector<16xi32>
      %gather3A_1221 = tpu.vector_load_idx %arg11[%broadcast_in_dim3A_1220] : memref<64xf32, #tpu.memory_space<vmem>>[vector<16xi32>], vector<16xf32>,
      %slice3A_1222 = vector.extract_strided_slice %gather3A_1221 {offsets = [0], sizes = [1], strides = [1]} : vector<16xf32> to vector<1xf32>
      %squeeze3A_1223 = vector.extract %slice3A_1222[0] : f32 from vector<1xf32>
      %broadcast_in_dim3A_1224 = vector.broadcast %add3A_1201 : i32 to vector<16xi32>
      %gather3A_1225 = tpu.vector_load_idx %arg12[%broadcast_in_dim3A_1224] : memref<64xf32, #tpu.memory_space<vmem>>[vector<16xi32>], vector<16xf32>,
      %slice3A_1226 = vector.extract_strided_slice %gather3A_1225 {offsets = [0], sizes = [1], strides = [1]} : vector<16xf32> to vector<1xf32>
      %squeeze3A_1227 = vector.extract %slice3A_1226[0] : f32 from vector<1xf32>
      %iota3A_1228 = tpu.iota {dimensions = array<i32: 0>} : vector<16xi32>
      %add3A_1229 = arith.constant 0 : i32
      %add3A_1230 = vector.broadcast %add3A_1229 : i32 to vector<16xi32>
      %add3A_1231 = arith.addi %iota3A_1228, %add3A_1230 : vector<16xi32>
      %gather3A_1232 = arith.constant 7 : i32
      %gather3A_1233 = arith.constant 0 : i32
      %gather3A_1234 = arith.constant 0 : i32
      %gather3A_1235 = tpu.memref_slice %arg13[%gather3A_1232, %gather3A_1233, %gather3A_1234] : memref<8x64x128xf32, #tpu.memory_space<vmem>> -> memref<1x64x128xf32, #tpu.memory_space<vmem>>
      %gather3A_1236 = tpu.memref_squeeze %gather3A_1235 : memref<1x64x128xf32, #tpu.memory_space<vmem>> -> memref<64x128xf32, #tpu.memory_space<vmem>>
      %gather3A_1237 = tpu.vector_load_idx %gather3A_1236[%add3A_1231, %broadcast_in_dim3A_1219] : memref<64x128xf32, #tpu.memory_space<vmem>>[vector<16xi32>, vector<16xi32>], vector<16xf32>,
      %get3A_1238 = arith.constant 0 : index
      %get3A_1239 = tpu.vector_load %arg14[%get3A_1238] {strides = array<i32>} : memref<64xf32, #tpu.memory_space<vmem>>, vector<16xf32>,
      %mul3A_1240 = vector.broadcast %squeeze3A_1223 : f32 to vector<16xf32>
      %mul3A_1241 = arith.mulf %gather3A_1237, %mul3A_1240 : vector<16xf32>
      %add3A_1242 = arith.addf %get3A_1239, %mul3A_1241 : vector<16xf32>
      %swap3A_1243 = arith.constant 0 : index
      %swap3A_1244 = tpu.vector_load %arg14[%swap3A_1243] {strides = array<i32>} : memref<64xf32, #tpu.memory_space<vmem>>, vector<16xf32>,
      tpu.vector_store %arg14[%swap3A_1243], %add3A_1242 {strides = array<i32>} : memref<64xf32, #tpu.memory_space<vmem>>, vector<16xf32>,
      %get3A_1245 = arith.constant 0 : index
      %get3A_1246 = tpu.vector_load %arg15[%get3A_1245] {strides = array<i32>} : memref<64xf32, #tpu.memory_space<vmem>>, vector<16xf32>,
      %mul3A_1247 = vector.broadcast %squeeze3A_1227 : f32 to vector<16xf32>
      %mul3A_1248 = arith.mulf %gather3A_1237, %mul3A_1247 : vector<16xf32>
      %add3A_1249 = arith.addf %get3A_1246, %mul3A_1248 : vector<16xf32>
      %swap3A_1250 = arith.constant 0 : index
      %swap3A_1251 = tpu.vector_load %arg15[%swap3A_1250] {strides = array<i32>} : memref<64xf32, #tpu.memory_space<vmem>>, vector<16xf32>,
      tpu.vector_store %arg15[%swap3A_1250], %add3A_1249 {strides = array<i32>} : memref<64xf32, #tpu.memory_space<vmem>>, vector<16xf32>,
      %iota3A_1252 = tpu.iota {dimensions = array<i32: 0>} : vector<16xi32>
      %add3A_1253 = arith.constant 16 : i32
      %add3A_1254 = vector.broadcast %add3A_1253 : i32 to vector<16xi32>
      %add3A_1255 = arith.addi %iota3A_1252, %add3A_1254 : vector<16xi32>
      %gather3A_1256 = arith.constant 7 : i32
      %gather3A_1257 = arith.constant 0 : i32
      %gather3A_1258 = arith.constant 0 : i32
      %gather3A_1259 = tpu.memref_slice %arg13[%gather3A_1256, %gather3A_1257, %gather3A_1258] : memref<8x64x128xf32, #tpu.memory_space<vmem>> -> memref<1x64x128xf32, #tpu.memory_space<vmem>>
      %gather3A_1260 = tpu.memref_squeeze %gather3A_1259 : memref<1x64x128xf32, #tpu.memory_space<vmem>> -> memref<64x128xf32, #tpu.memory_space<vmem>>
      %gather3A_1261 = tpu.vector_load_idx %gather3A_1260[%add3A_1255, %broadcast_in_dim3A_1219] : memref<64x128xf32, #tpu.memory_space<vmem>>[vector<16xi32>, vector<16xi32>], vector<16xf32>,
      %get3A_1262 = arith.constant 16 : index
      %get3A_1263 = tpu.vector_load %arg14[%get3A_1262] {strides = array<i32>} : memref<64xf32, #tpu.memory_space<vmem>>, vector<16xf32>,
      %mul3A_1264 = vector.broadcast %squeeze3A_1223 : f32 to vector<16xf32>
      %mul3A_1265 = arith.mulf %gather3A_1261, %mul3A_1264 : vector<16xf32>
      %add3A_1266 = arith.addf %get3A_1263, %mul3A_1265 : vector<16xf32>
      %swap3A_1267 = arith.constant 16 : index
      %swap3A_1268 = tpu.vector_load %arg14[%swap3A_1267] {strides = array<i32>} : memref<64xf32, #tpu.memory_space<vmem>>, vector<16xf32>,
      tpu.vector_store %arg14[%swap3A_1267], %add3A_1266 {strides = array<i32>} : memref<64xf32, #tpu.memory_space<vmem>>, vector<16xf32>,
      %get3A_1269 = arith.constant 16 : index
      %get3A_1270 = tpu.vector_load %arg15[%get3A_1269] {strides = array<i32>} : memref<64xf32, #tpu.memory_space<vmem>>, vector<16xf32>,
      %mul3A_1271 = vector.broadcast %squeeze3A_1227 : f32 to vector<16xf32>
      %mul3A_1272 = arith.mulf %gather3A_1261, %mul3A_1271 : vector<16xf32>
      %add3A_1273 = arith.addf %get3A_1270, %mul3A_1272 : vector<16xf32>
      %swap3A_1274 = arith.constant 16 : index
      %swap3A_1275 = tpu.vector_load %arg15[%swap3A_1274] {strides = array<i32>} : memref<64xf32, #tpu.memory_space<vmem>>, vector<16xf32>,
      tpu.vector_store %arg15[%swap3A_1274], %add3A_1273 {strides = array<i32>} : memref<64xf32, #tpu.memory_space<vmem>>, vector<16xf32>,
      %iota3A_1276 = tpu.iota {dimensions = array<i32: 0>} : vector<16xi32>
      %add3A_1277 = arith.constant 32 : i32
      %add3A_1278 = vector.broadcast %add3A_1277 : i32 to vector<16xi32>
      %add3A_1279 = arith.addi %iota3A_1276, %add3A_1278 : vector<16xi32>
      %gather3A_1280 = arith.constant 7 : i32
      %gather3A_1281 = arith.constant 0 : i32
      %gather3A_1282 = arith.constant 0 : i32
      %gather3A_1283 = tpu.memref_slice %arg13[%gather3A_1280, %gather3A_1281, %gather3A_1282] : memref<8x64x128xf32, #tpu.memory_space<vmem>> -> memref<1x64x128xf32, #tpu.memory_space<vmem>>
      %gather3A_1284 = tpu.memref_squeeze %gather3A_1283 : memref<1x64x128xf32, #tpu.memory_space<vmem>> -> memref<64x128xf32, #tpu.memory_space<vmem>>
      %gather3A_1285 = tpu.vector_load_idx %gather3A_1284[%add3A_1279, %broadcast_in_dim3A_1219] : memref<64x128xf32, #tpu.memory_space<vmem>>[vector<16xi32>, vector<16xi32>], vector<16xf32>,
      %get3A_1286 = arith.constant 32 : index
      %get3A_1287 = tpu.vector_load %arg14[%get3A_1286] {strides = array<i32>} : memref<64xf32, #tpu.memory_space<vmem>>, vector<16xf32>,
      %mul3A_1288 = vector.broadcast %squeeze3A_1223 : f32 to vector<16xf32>
      %mul3A_1289 = arith.mulf %gather3A_1285, %mul3A_1288 : vector<16xf32>
      %add3A_1290 = arith.addf %get3A_1287, %mul3A_1289 : vector<16xf32>
      %swap3A_1291 = arith.constant 32 : index
      %swap3A_1292 = tpu.vector_load %arg14[%swap3A_1291] {strides = array<i32>} : memref<64xf32, #tpu.memory_space<vmem>>, vector<16xf32>,
      tpu.vector_store %arg14[%swap3A_1291], %add3A_1290 {strides = array<i32>} : memref<64xf32, #tpu.memory_space<vmem>>, vector<16xf32>,
      %get3A_1293 = arith.constant 32 : index
      %get3A_1294 = tpu.vector_load %arg15[%get3A_1293] {strides = array<i32>} : memref<64xf32, #tpu.memory_space<vmem>>, vector<16xf32>,
      %mul3A_1295 = vector.broadcast %squeeze3A_1227 : f32 to vector<16xf32>
      %mul3A_1296 = arith.mulf %gather3A_1285, %mul3A_1295 : vector<16xf32>
      %add3A_1297 = arith.addf %get3A_1294, %mul3A_1296 : vector<16xf32>
      %swap3A_1298 = arith.constant 32 : index
      %swap3A_1299 = tpu.vector_load %arg15[%swap3A_1298] {strides = array<i32>} : memref<64xf32, #tpu.memory_space<vmem>>, vector<16xf32>,
      tpu.vector_store %arg15[%swap3A_1298], %add3A_1297 {strides = array<i32>} : memref<64xf32, #tpu.memory_space<vmem>>, vector<16xf32>,
      %iota3A_1300 = tpu.iota {dimensions = array<i32: 0>} : vector<16xi32>
      %add3A_1301 = arith.constant 48 : i32
      %add3A_1302 = vector.broadcast %add3A_1301 : i32 to vector<16xi32>
      %add3A_1303 = arith.addi %iota3A_1300, %add3A_1302 : vector<16xi32>
      %gather3A_1304 = arith.constant 7 : i32
      %gather3A_1305 = arith.constant 0 : i32
      %gather3A_1306 = arith.constant 0 : i32
      %gather3A_1307 = tpu.memref_slice %arg13[%gather3A_1304, %gather3A_1305, %gather3A_1306] : memref<8x64x128xf32, #tpu.memory_space<vmem>> -> memref<1x64x128xf32, #tpu.memory_space<vmem>>
      %gather3A_1308 = tpu.memref_squeeze %gather3A_1307 : memref<1x64x128xf32, #tpu.memory_space<vmem>> -> memref<64x128xf32, #tpu.memory_space<vmem>>
      %gather3A_1309 = tpu.vector_load_idx %gather3A_1308[%add3A_1303, %broadcast_in_dim3A_1219] : memref<64x128xf32, #tpu.memory_space<vmem>>[vector<16xi32>, vector<16xi32>], vector<16xf32>,
      %get3A_1310 = arith.constant 48 : index
      %get3A_1311 = tpu.vector_load %arg14[%get3A_1310] {strides = array<i32>} : memref<64xf32, #tpu.memory_space<vmem>>, vector<16xf32>,
      %mul3A_1312 = vector.broadcast %squeeze3A_1223 : f32 to vector<16xf32>
      %mul3A_1313 = arith.mulf %gather3A_1309, %mul3A_1312 : vector<16xf32>
      %add3A_1314 = arith.addf %get3A_1311, %mul3A_1313 : vector<16xf32>
      %swap3A_1315 = arith.constant 48 : index
      %swap3A_1316 = tpu.vector_load %arg14[%swap3A_1315] {strides = array<i32>} : memref<64xf32, #tpu.memory_space<vmem>>, vector<16xf32>,
      tpu.vector_store %arg14[%swap3A_1315], %add3A_1314 {strides = array<i32>} : memref<64xf32, #tpu.memory_space<vmem>>, vector<16xf32>,
      %get3A_1317 = arith.constant 48 : index
      %get3A_1318 = tpu.vector_load %arg15[%get3A_1317] {strides = array<i32>} : memref<64xf32, #tpu.memory_space<vmem>>, vector<16xf32>,
      %mul3A_1319 = vector.broadcast %squeeze3A_1227 : f32 to vector<16xf32>
      %mul3A_1320 = arith.mulf %gather3A_1309, %mul3A_1319 : vector<16xf32>
      %add3A_1321 = arith.addf %get3A_1318, %mul3A_1320 : vector<16xf32>
      %swap3A_1322 = arith.constant 48 : index
      %swap3A_1323 = tpu.vector_load %arg15[%swap3A_1322] {strides = array<i32>} : memref<64xf32, #tpu.memory_space<vmem>>, vector<16xf32>,
      tpu.vector_store %arg15[%swap3A_1322], %add3A_1321 {strides = array<i32>} : memref<64xf32, #tpu.memory_space<vmem>>, vector<16xf32>,
      %add3A_1324 = arith.constant 8 : i32
      %add3A_1325 = arith.addi %add3A_1201, %add3A_1324 : i32
      %lt3A_1326 = arith.constant 64 : i32
      %lt3A_1327 = arith.cmpi slt, %add3A_1325, %lt3A_1326 : i32
      %convert_element_type3A_1328 = arith.extui %lt3A_1327 : i1 to i32
      %cond3A_1329 = arith.constant 0 : i32
      %cond3A_1330 = arith.cmpi ne, %convert_element_type3A_1328, %cond3A_1329 : i32
      scf.if %cond3A_1330 {
        %add3A_1331 = arith.constant 8 : i32
        %add3A_1332 = arith.addi %add3A_1201, %add3A_1331 : i32
        %broadcast_in_dim3A_1333 = vector.broadcast %add3A_1332 : i32 to vector<16xi32>
        %gather3A_1334 = tpu.vector_load_idx %arg9[%broadcast_in_dim3A_1333] : memref<64xi32, #tpu.memory_space<vmem>>[vector<16xi32>], vector<16xi32>,
        %slice3A_1335 = vector.extract_strided_slice %gather3A_1334 {offsets = [0], sizes = [1], strides = [1]} : vector<16xi32> to vector<1xi32>
        %squeeze3A_1336 = vector.extract %slice3A_1335[0] : i32 from vector<1xi32>
        %multiple_of3A_1337 = tpu.assume_multiple %squeeze3A_1336, 128 : i32
        %dma_start3A_1338 = arith.constant 7 : i32
        %dma_start3A_1339 = arith.constant 0 : i32
        %dma_start3A_1340 = arith.constant 0 : i32
        %dma_start3A_1341 = tpu.memref_slice %arg13[%dma_start3A_1338, %dma_start3A_1339, %dma_start3A_1340] : memref<8x64x128xf32, #tpu.memory_space<vmem>> -> memref<1x64x128xf32, #tpu.memory_space<vmem>>
        %dma_start3A_1342 = tpu.memref_squeeze %dma_start3A_1341 : memref<1x64x128xf32, #tpu.memory_space<vmem>> -> memref<64x128xf32, #tpu.memory_space<vmem>>
        %dma_start3A_1343 = tpu.memref_slice %arg2[%multiple_of3A, %multiple_of3A_1337] : memref<2049x22528xf32, #tpu.memory_space<hbm>> -> memref<64x128xf32, #tpu.memory_space<hbm>>
        %dma_start3A_1344 = arith.constant 0 : i32
        %dma_start3A_1345 = arith.constant 0 : i32
        %dma_start3A_1346 = tpu.memref_slice %arg13[%dma_start3A_1338, %dma_start3A_1344, %dma_start3A_1345] : memref<8x64x128xf32, #tpu.memory_space<vmem>> -> memref<1x64x128xf32, #tpu.memory_space<vmem>>
        %dma_start3A_1347 = tpu.memref_squeeze %dma_start3A_1346 : memref<1x64x128xf32, #tpu.memory_space<vmem>> -> memref<64x128xf32, #tpu.memory_space<vmem>>
        %dma_start3A_1348 = tpu.memref_slice %arg2[%multiple_of3A, %multiple_of3A_1337] : memref<2049x22528xf32, #tpu.memory_space<hbm>> -> memref<64x128xf32, #tpu.memory_space<hbm>>
        tpu.enqueue_dma source(%dma_start3A_1348 : memref<64x128xf32, #tpu.memory_space<hbm>>) target(%dma_start3A_1347 : memref<64x128xf32, #tpu.memory_space<vmem>>) target_semaphore(%arg24 : memref<!tpu.dma_semaphore, #tpu.memory_space<semaphore_mem>>)
      } else {
      }
    }
    %scan3A_278 = arith.constant 8 : i32
    "tpu.region"() ({
      %run_scoped3A = tpu.sem_alloc : memref<!tpu.dma_semaphore, #tpu.memory_space<semaphore_mem>>
      %dma_start3A_282 = tpu.memref_slice %arg5[%multiple_of3A] : memref<2048xf32, #tpu.memory_space<hbm>> -> memref<64xf32, #tpu.memory_space<hbm>>
      %dma_start3A_283 = tpu.memref_slice %arg5[%multiple_of3A] : memref<2048xf32, #tpu.memory_space<hbm>> -> memref<64xf32, #tpu.memory_space<hbm>>
      tpu.enqueue_dma source(%arg14 : memref<64xf32, #tpu.memory_space<vmem>>) target(%dma_start3A_283 : memref<64xf32, #tpu.memory_space<hbm>>) target_semaphore(%run_scoped3A : memref<!tpu.dma_semaphore, #tpu.memory_space<semaphore_mem>>)
      %dma_wait3A = tpu.memref_slice %arg5[%multiple_of3A] : memref<2048xf32, #tpu.memory_space<hbm>> -> memref<64xf32, #tpu.memory_space<hbm>>
      %dma_wait3A_284 = tpu.memref_slice %arg5[%multiple_of3A] : memref<2048xf32, #tpu.memory_space<hbm>> -> memref<64xf32, #tpu.memory_space<hbm>>
      tpu.wait_dma2 semaphore(%run_scoped3A : memref<!tpu.dma_semaphore, #tpu.memory_space<semaphore_mem>>) src(%arg14 : memref<64xf32, #tpu.memory_space<vmem>>) dst(%dma_wait3A_284 : memref<64xf32, #tpu.memory_space<hbm>>)
      tpu.yield
    }) : () -> ()
    "tpu.region"() ({
      %run_scoped3A = tpu.sem_alloc : memref<!tpu.dma_semaphore, #tpu.memory_space<semaphore_mem>>
      %dma_start3A_282 = tpu.memref_slice %arg6[%multiple_of3A] : memref<2048xf32, #tpu.memory_space<hbm>> -> memref<64xf32, #tpu.memory_space<hbm>>
      %dma_start3A_283 = tpu.memref_slice %arg6[%multiple_of3A] : memref<2048xf32, #tpu.memory_space<hbm>> -> memref<64xf32, #tpu.memory_space<hbm>>
      tpu.enqueue_dma source(%arg15 : memref<64xf32, #tpu.memory_space<vmem>>) target(%dma_start3A_283 : memref<64xf32, #tpu.memory_space<hbm>>) target_semaphore(%run_scoped3A : memref<!tpu.dma_semaphore, #tpu.memory_space<semaphore_mem>>)
      %dma_wait3A = tpu.memref_slice %arg6[%multiple_of3A] : memref<2048xf32, #tpu.memory_space<hbm>> -> memref<64xf32, #tpu.memory_space<hbm>>
      %dma_wait3A_284 = tpu.memref_slice %arg6[%multiple_of3A] : memref<2048xf32, #tpu.memory_space<hbm>> -> memref<64xf32, #tpu.memory_space<hbm>>
      tpu.wait_dma2 semaphore(%run_scoped3A : memref<!tpu.dma_semaphore, #tpu.memory_space<semaphore_mem>>) src(%arg15 : memref<64xf32, #tpu.memory_space<vmem>>) dst(%dma_wait3A_284 : memref<64xf32, #tpu.memory_space<hbm>>)
      tpu.yield
    }) : () -> ()
    %convert_element_type3A_279 = arith.extui %lt3A_136 : i1 to i32
    %cond3A_280 = arith.constant 0 : i32
    %cond3A_281 = arith.cmpi ne, %convert_element_type3A_279, %cond3A_280 : i32
    scf.if %cond3A_281 {
      %dma_wait3A = arith.constant 0 : i32
      %dma_wait3A_282 = arith.constant 0 : i32
      %dma_wait3A_283 = tpu.memref_slice %arg16[%dma_wait3A, %dma_wait3A_282] : memref<8x128xf32, #tpu.memory_space<vmem>> -> memref<1x128xf32, #tpu.memory_space<vmem>>
      %dma_wait3A_284 = arith.constant 2048 : i32
      %dma_wait3A_285 = arith.constant 0 : i32
      %dma_wait3A_286 = tpu.memref_slice %arg2[%dma_wait3A_284, %dma_wait3A_285] : memref<2049x22528xf32, #tpu.memory_space<hbm>> -> memref<1x128xf32, #tpu.memory_space<hbm>>
      %dma_wait3A_287 = arith.constant 0 : i32
      %dma_wait3A_288 = arith.constant 0 : i32
      %dma_wait3A_289 = tpu.memref_slice %arg16[%dma_wait3A_287, %dma_wait3A_288] : memref<8x128xf32, #tpu.memory_space<vmem>> -> memref<1x128xf32, #tpu.memory_space<vmem>>
      %dma_wait3A_290 = arith.constant 2048 : i32
      %dma_wait3A_291 = arith.constant 0 : i32
      %dma_wait3A_292 = tpu.memref_slice %arg2[%dma_wait3A_290, %dma_wait3A_291] : memref<2049x22528xf32, #tpu.memory_space<hbm>> -> memref<1x128xf32, #tpu.memory_space<hbm>>
      tpu.wait_dma2 semaphore(%arg25 : memref<!tpu.dma_semaphore, #tpu.memory_space<semaphore_mem>>) src(%dma_wait3A_292 : memref<1x128xf32, #tpu.memory_space<hbm>>) dst(%dma_wait3A_289 : memref<1x128xf32, #tpu.memory_space<vmem>>)
      %dma_wait3A_293 = arith.constant 1 : i32
      %dma_wait3A_294 = arith.constant 0 : i32
      %dma_wait3A_295 = tpu.memref_slice %arg16[%dma_wait3A_293, %dma_wait3A_294] : memref<8x128xf32, #tpu.memory_space<vmem>> -> memref<1x128xf32, #tpu.memory_space<vmem>>
      %dma_wait3A_296 = arith.constant 2048 : i32
      %dma_wait3A_297 = arith.constant 0 : i32
      %dma_wait3A_298 = tpu.memref_slice %arg2[%dma_wait3A_296, %dma_wait3A_297] : memref<2049x22528xf32, #tpu.memory_space<hbm>> -> memref<1x128xf32, #tpu.memory_space<hbm>>
      %dma_wait3A_299 = arith.constant 1 : i32
      %dma_wait3A_300 = arith.constant 0 : i32
      %dma_wait3A_301 = tpu.memref_slice %arg16[%dma_wait3A_299, %dma_wait3A_300] : memref<8x128xf32, #tpu.memory_space<vmem>> -> memref<1x128xf32, #tpu.memory_space<vmem>>
      %dma_wait3A_302 = arith.constant 2048 : i32
      %dma_wait3A_303 = arith.constant 0 : i32
      %dma_wait3A_304 = tpu.memref_slice %arg2[%dma_wait3A_302, %dma_wait3A_303] : memref<2049x22528xf32, #tpu.memory_space<hbm>> -> memref<1x128xf32, #tpu.memory_space<hbm>>
      tpu.wait_dma2 semaphore(%arg25 : memref<!tpu.dma_semaphore, #tpu.memory_space<semaphore_mem>>) src(%dma_wait3A_304 : memref<1x128xf32, #tpu.memory_space<hbm>>) dst(%dma_wait3A_301 : memref<1x128xf32, #tpu.memory_space<vmem>>)
      %dma_wait3A_305 = arith.constant 2 : i32
      %dma_wait3A_306 = arith.constant 0 : i32
      %dma_wait3A_307 = tpu.memref_slice %arg16[%dma_wait3A_305, %dma_wait3A_306] : memref<8x128xf32, #tpu.memory_space<vmem>> -> memref<1x128xf32, #tpu.memory_space<vmem>>
      %dma_wait3A_308 = arith.constant 2048 : i32
      %dma_wait3A_309 = arith.constant 0 : i32
      %dma_wait3A_310 = tpu.memref_slice %arg2[%dma_wait3A_308, %dma_wait3A_309] : memref<2049x22528xf32, #tpu.memory_space<hbm>> -> memref<1x128xf32, #tpu.memory_space<hbm>>
      %dma_wait3A_311 = arith.constant 2 : i32
      %dma_wait3A_312 = arith.constant 0 : i32
      %dma_wait3A_313 = tpu.memref_slice %arg16[%dma_wait3A_311, %dma_wait3A_312] : memref<8x128xf32, #tpu.memory_space<vmem>> -> memref<1x128xf32, #tpu.memory_space<vmem>>
      %dma_wait3A_314 = arith.constant 2048 : i32
      %dma_wait3A_315 = arith.constant 0 : i32
      %dma_wait3A_316 = tpu.memref_slice %arg2[%dma_wait3A_314, %dma_wait3A_315] : memref<2049x22528xf32, #tpu.memory_space<hbm>> -> memref<1x128xf32, #tpu.memory_space<hbm>>
      tpu.wait_dma2 semaphore(%arg25 : memref<!tpu.dma_semaphore, #tpu.memory_space<semaphore_mem>>) src(%dma_wait3A_316 : memref<1x128xf32, #tpu.memory_space<hbm>>) dst(%dma_wait3A_313 : memref<1x128xf32, #tpu.memory_space<vmem>>)
      %dma_wait3A_317 = arith.constant 3 : i32
      %dma_wait3A_318 = arith.constant 0 : i32
      %dma_wait3A_319 = tpu.memref_slice %arg16[%dma_wait3A_317, %dma_wait3A_318] : memref<8x128xf32, #tpu.memory_space<vmem>> -> memref<1x128xf32, #tpu.memory_space<vmem>>
      %dma_wait3A_320 = arith.constant 2048 : i32
      %dma_wait3A_321 = arith.constant 0 : i32
      %dma_wait3A_322 = tpu.memref_slice %arg2[%dma_wait3A_320, %dma_wait3A_321] : memref<2049x22528xf32, #tpu.memory_space<hbm>> -> memref<1x128xf32, #tpu.memory_space<hbm>>
      %dma_wait3A_323 = arith.constant 3 : i32
      %dma_wait3A_324 = arith.constant 0 : i32
      %dma_wait3A_325 = tpu.memref_slice %arg16[%dma_wait3A_323, %dma_wait3A_324] : memref<8x128xf32, #tpu.memory_space<vmem>> -> memref<1x128xf32, #tpu.memory_space<vmem>>
      %dma_wait3A_326 = arith.constant 2048 : i32
      %dma_wait3A_327 = arith.constant 0 : i32
      %dma_wait3A_328 = tpu.memref_slice %arg2[%dma_wait3A_326, %dma_wait3A_327] : memref<2049x22528xf32, #tpu.memory_space<hbm>> -> memref<1x128xf32, #tpu.memory_space<hbm>>
      tpu.wait_dma2 semaphore(%arg25 : memref<!tpu.dma_semaphore, #tpu.memory_space<semaphore_mem>>) src(%dma_wait3A_328 : memref<1x128xf32, #tpu.memory_space<hbm>>) dst(%dma_wait3A_325 : memref<1x128xf32, #tpu.memory_space<vmem>>)
      %dma_wait3A_329 = arith.constant 4 : i32
      %dma_wait3A_330 = arith.constant 0 : i32
      %dma_wait3A_331 = tpu.memref_slice %arg16[%dma_wait3A_329, %dma_wait3A_330] : memref<8x128xf32, #tpu.memory_space<vmem>> -> memref<1x128xf32, #tpu.memory_space<vmem>>
      %dma_wait3A_332 = arith.constant 2048 : i32
      %dma_wait3A_333 = arith.constant 0 : i32
      %dma_wait3A_334 = tpu.memref_slice %arg2[%dma_wait3A_332, %dma_wait3A_333] : memref<2049x22528xf32, #tpu.memory_space<hbm>> -> memref<1x128xf32, #tpu.memory_space<hbm>>
      %dma_wait3A_335 = arith.constant 4 : i32
      %dma_wait3A_336 = arith.constant 0 : i32
      %dma_wait3A_337 = tpu.memref_slice %arg16[%dma_wait3A_335, %dma_wait3A_336] : memref<8x128xf32, #tpu.memory_space<vmem>> -> memref<1x128xf32, #tpu.memory_space<vmem>>
      %dma_wait3A_338 = arith.constant 2048 : i32
      %dma_wait3A_339 = arith.constant 0 : i32
      %dma_wait3A_340 = tpu.memref_slice %arg2[%dma_wait3A_338, %dma_wait3A_339] : memref<2049x22528xf32, #tpu.memory_space<hbm>> -> memref<1x128xf32, #tpu.memory_space<hbm>>
      tpu.wait_dma2 semaphore(%arg25 : memref<!tpu.dma_semaphore, #tpu.memory_space<semaphore_mem>>) src(%dma_wait3A_340 : memref<1x128xf32, #tpu.memory_space<hbm>>) dst(%dma_wait3A_337 : memref<1x128xf32, #tpu.memory_space<vmem>>)
      %dma_wait3A_341 = arith.constant 5 : i32
      %dma_wait3A_342 = arith.constant 0 : i32
      %dma_wait3A_343 = tpu.memref_slice %arg16[%dma_wait3A_341, %dma_wait3A_342] : memref<8x128xf32, #tpu.memory_space<vmem>> -> memref<1x128xf32, #tpu.memory_space<vmem>>
      %dma_wait3A_344 = arith.constant 2048 : i32
      %dma_wait3A_345 = arith.constant 0 : i32
      %dma_wait3A_346 = tpu.memref_slice %arg2[%dma_wait3A_344, %dma_wait3A_345] : memref<2049x22528xf32, #tpu.memory_space<hbm>> -> memref<1x128xf32, #tpu.memory_space<hbm>>
      %dma_wait3A_347 = arith.constant 5 : i32
      %dma_wait3A_348 = arith.constant 0 : i32
      %dma_wait3A_349 = tpu.memref_slice %arg16[%dma_wait3A_347, %dma_wait3A_348] : memref<8x128xf32, #tpu.memory_space<vmem>> -> memref<1x128xf32, #tpu.memory_space<vmem>>
      %dma_wait3A_350 = arith.constant 2048 : i32
      %dma_wait3A_351 = arith.constant 0 : i32
      %dma_wait3A_352 = tpu.memref_slice %arg2[%dma_wait3A_350, %dma_wait3A_351] : memref<2049x22528xf32, #tpu.memory_space<hbm>> -> memref<1x128xf32, #tpu.memory_space<hbm>>
      tpu.wait_dma2 semaphore(%arg25 : memref<!tpu.dma_semaphore, #tpu.memory_space<semaphore_mem>>) src(%dma_wait3A_352 : memref<1x128xf32, #tpu.memory_space<hbm>>) dst(%dma_wait3A_349 : memref<1x128xf32, #tpu.memory_space<vmem>>)
      %dma_wait3A_353 = arith.constant 6 : i32
      %dma_wait3A_354 = arith.constant 0 : i32
      %dma_wait3A_355 = tpu.memref_slice %arg16[%dma_wait3A_353, %dma_wait3A_354] : memref<8x128xf32, #tpu.memory_space<vmem>> -> memref<1x128xf32, #tpu.memory_space<vmem>>
      %dma_wait3A_356 = arith.constant 2048 : i32
      %dma_wait3A_357 = arith.constant 0 : i32
      %dma_wait3A_358 = tpu.memref_slice %arg2[%dma_wait3A_356, %dma_wait3A_357] : memref<2049x22528xf32, #tpu.memory_space<hbm>> -> memref<1x128xf32, #tpu.memory_space<hbm>>
      %dma_wait3A_359 = arith.constant 6 : i32
      %dma_wait3A_360 = arith.constant 0 : i32
      %dma_wait3A_361 = tpu.memref_slice %arg16[%dma_wait3A_359, %dma_wait3A_360] : memref<8x128xf32, #tpu.memory_space<vmem>> -> memref<1x128xf32, #tpu.memory_space<vmem>>
      %dma_wait3A_362 = arith.constant 2048 : i32
      %dma_wait3A_363 = arith.constant 0 : i32
      %dma_wait3A_364 = tpu.memref_slice %arg2[%dma_wait3A_362, %dma_wait3A_363] : memref<2049x22528xf32, #tpu.memory_space<hbm>> -> memref<1x128xf32, #tpu.memory_space<hbm>>
      tpu.wait_dma2 semaphore(%arg25 : memref<!tpu.dma_semaphore, #tpu.memory_space<semaphore_mem>>) src(%dma_wait3A_364 : memref<1x128xf32, #tpu.memory_space<hbm>>) dst(%dma_wait3A_361 : memref<1x128xf32, #tpu.memory_space<vmem>>)
      %dma_wait3A_365 = arith.constant 7 : i32
      %dma_wait3A_366 = arith.constant 0 : i32
      %dma_wait3A_367 = tpu.memref_slice %arg16[%dma_wait3A_365, %dma_wait3A_366] : memref<8x128xf32, #tpu.memory_space<vmem>> -> memref<1x128xf32, #tpu.memory_space<vmem>>
      %dma_wait3A_368 = arith.constant 2048 : i32
      %dma_wait3A_369 = arith.constant 0 : i32
      %dma_wait3A_370 = tpu.memref_slice %arg2[%dma_wait3A_368, %dma_wait3A_369] : memref<2049x22528xf32, #tpu.memory_space<hbm>> -> memref<1x128xf32, #tpu.memory_space<hbm>>
      %dma_wait3A_371 = arith.constant 7 : i32
      %dma_wait3A_372 = arith.constant 0 : i32
      %dma_wait3A_373 = tpu.memref_slice %arg16[%dma_wait3A_371, %dma_wait3A_372] : memref<8x128xf32, #tpu.memory_space<vmem>> -> memref<1x128xf32, #tpu.memory_space<vmem>>
      %dma_wait3A_374 = arith.constant 2048 : i32
      %dma_wait3A_375 = arith.constant 0 : i32
      %dma_wait3A_376 = tpu.memref_slice %arg2[%dma_wait3A_374, %dma_wait3A_375] : memref<2049x22528xf32, #tpu.memory_space<hbm>> -> memref<1x128xf32, #tpu.memory_space<hbm>>
      tpu.wait_dma2 semaphore(%arg25 : memref<!tpu.dma_semaphore, #tpu.memory_space<semaphore_mem>>) src(%dma_wait3A_376 : memref<1x128xf32, #tpu.memory_space<hbm>>) dst(%dma_wait3A_373 : memref<1x128xf32, #tpu.memory_space<vmem>>)
      "tpu.region"() ({
        %run_scoped3A = tpu.sem_alloc : memref<!tpu.dma_semaphore, #tpu.memory_space<semaphore_mem>>
        %dma_start3A_377 = arith.constant 0 : i32
        %dma_start3A_378 = tpu.memref_slice %arg7[%mul3A_141, %dma_start3A_377] : memref<64x128xf32, #tpu.memory_space<hbm>> -> memref<8x128xf32, #tpu.memory_space<hbm>>
        %dma_start3A_379 = arith.constant 0 : i32
        %dma_start3A_380 = tpu.memref_slice %arg7[%mul3A_141, %dma_start3A_379] : memref<64x128xf32, #tpu.memory_space<hbm>> -> memref<8x128xf32, #tpu.memory_space<hbm>>
        tpu.enqueue_dma source(%arg16 : memref<8x128xf32, #tpu.memory_space<vmem>>) target(%dma_start3A_380 : memref<8x128xf32, #tpu.memory_space<hbm>>) target_semaphore(%run_scoped3A : memref<!tpu.dma_semaphore, #tpu.memory_space<semaphore_mem>>)
        %dma_wait3A_381 = arith.constant 0 : i32
        %dma_wait3A_382 = tpu.memref_slice %arg7[%mul3A_141, %dma_wait3A_381] : memref<64x128xf32, #tpu.memory_space<hbm>> -> memref<8x128xf32, #tpu.memory_space<hbm>>
        %dma_wait3A_383 = arith.constant 0 : i32
        %dma_wait3A_384 = tpu.memref_slice %arg7[%mul3A_141, %dma_wait3A_383] : memref<64x128xf32, #tpu.memory_space<hbm>> -> memref<8x128xf32, #tpu.memory_space<hbm>>
        tpu.wait_dma2 semaphore(%run_scoped3A : memref<!tpu.dma_semaphore, #tpu.memory_space<semaphore_mem>>) src(%arg16 : memref<8x128xf32, #tpu.memory_space<vmem>>) dst(%dma_wait3A_384 : memref<8x128xf32, #tpu.memory_space<hbm>>)
        tpu.yield
      }) : () -> ()
    } else {
    }
    return
  }
}

module attributes {stable_mosaic.version = 14 : i64} {
  func.func @_tail_body(%arg0: memref<1x2048xf32, #tpu.memory_space<vmem>>, %arg1: memref<1x2048xf32, #tpu.memory_space<vmem>>, %arg2: memref<64x128xf32, #tpu.memory_space<vmem>>, %arg3: memref<64x128xf32, #tpu.memory_space<vmem>>, %arg4: memref<1x2049xf32, #tpu.memory_space<vmem>>, %arg5: memref<1x1xf32, #tpu.memory_space<smem>>, %arg6: memref<32x4096xf32, #tpu.memory_space<vmem>>, %arg7: memref<1x32xf32, #tpu.memory_space<vmem>>, %arg8: memref<32x32xf32, #tpu.memory_space<vmem>>, %arg9: memref<1x32xf32, #tpu.memory_space<vmem>>, %arg10: memref<1x32xf32, #tpu.memory_space<vmem>>, %arg11: memref<1x1xf32, #tpu.memory_space<vmem>>, %arg12: memref<1x1xf32, #tpu.memory_space<vmem>>) attributes {dimension_semantics = [], scalar_prefetch = 0 : i64, scratch_operands = 0 : i64, tpu.core_type = #tpu.core_type<tc>} {
    %get3A = arith.constant 0 : index
    %get3A_0 = arith.constant 0 : index
    %get3A_1 = memref.load %arg5[%get3A, %get3A_0] : memref<1x1xf32, #tpu.memory_space<smem>>
    %get3A_2 = arith.constant 0 : index
    %get3A_3 = arith.constant 0 : index
    %get3A_4 = vector.load %arg0[%get3A_2, %get3A_3] : memref<1x2048xf32, #tpu.memory_space<vmem>>, vector<1x2048xf32>
    %get3A_5 = arith.constant 0 : index
    %get3A_6 = arith.constant 0 : index
    %get3A_7 = vector.load %arg4[%get3A_5, %get3A_6] : memref<1x2049xf32, #tpu.memory_space<vmem>>, vector<1x2048xf32>
    %add3A = arith.addf %get3A_4, %get3A_7 : vector<1x2048xf32>
    %get3A_8 = arith.constant 0 : index
    %get3A_9 = arith.constant 0 : index
    %get3A_10 = vector.load %arg1[%get3A_8, %get3A_9] : memref<1x2048xf32, #tpu.memory_space<vmem>>, vector<1x2048xf32>
    %get3A_11 = arith.constant 0 : index
    %get3A_12 = arith.constant 0 : index
    %get3A_13 = vector.load %arg4[%get3A_11, %get3A_12] : memref<1x2049xf32, #tpu.memory_space<vmem>>, vector<1x2048xf32>
    %add3A_14 = arith.addf %get3A_10, %get3A_13 : vector<1x2048xf32>
    %concatenate3A = tpu.concatenate %add3A, %add3A_14 in 1 : vector<1x2048xf32>, vector<1x2048xf32> -> vector<1x4096xf32>
    %mul3A = vector.broadcast %get3A_1 : f32 to vector<1x4096xf32>
    %mul3A_15 = arith.mulf %mul3A, %concatenate3A : vector<1x4096xf32>
    %sub3A = arith.constant 1.000000e+00 : f32
    %sub3A_16 = arith.subf %sub3A, %get3A_1 : f32
    %concatenate3A_17 = tpu.concatenate %add3A_14, %add3A in 1 : vector<1x2048xf32>, vector<1x2048xf32> -> vector<1x4096xf32>
    %mul3A_18 = vector.broadcast %sub3A_16 : f32 to vector<1x4096xf32>
    %mul3A_19 = arith.mulf %mul3A_18, %concatenate3A_17 : vector<1x4096xf32>
    %add3A_20 = arith.addf %mul3A_15, %mul3A_19 : vector<1x4096xf32>
    %jit3A = arith.constant 0.000000e+00 : f32
    %jit3A_21 = arith.constant 1.000000e+00 : f32
    %max3A = vector.broadcast %jit3A : f32 to vector<1x4096xf32>
    %max3A_22 = arith.maximumf %max3A, %add3A_20 : vector<1x4096xf32>
    %min3A = vector.broadcast %jit3A_21 : f32 to vector<1x4096xf32>
    %min3A_23 = arith.minimumf %min3A, %max3A_22 : vector<1x4096xf32>
    %get3A_24 = arith.constant 0 : index
    %get3A_25 = arith.constant 0 : index
    %get3A_26 = vector.load %arg6[%get3A_24, %get3A_25] : memref<32x4096xf32, #tpu.memory_space<vmem>>, vector<32x4096xf32>
    %dot_general3A = arith.constant dense<0.000000e+00> : vector<1x32xf32>
    %dot_general3A_27 = tpu.matmul %min3A_23, %get3A_26, %dot_general3A {dimension_numbers = #tpu.dot_dimension_numbers<[1], [1], [0], [0], [0, 0, 1, 0], [], []>, transpose_lhs_hint = false} : vector<1x4096xf32>, vector<32x4096xf32>, vector<1x32xf32> -> vector<1x32xf32>
    %get3A_28 = arith.constant 0 : index
    %get3A_29 = arith.constant 0 : index
    %get3A_30 = vector.load %arg7[%get3A_28, %get3A_29] : memref<1x32xf32, #tpu.memory_space<vmem>>, vector<1x32xf32>
    %add3A_31 = arith.addf %dot_general3A_27, %get3A_30 : vector<1x32xf32>
    %get3A_32 = arith.constant 0 : index
    %get3A_33 = arith.constant 0 : index
    %get3A_34 = vector.load %arg8[%get3A_32, %get3A_33] : memref<32x32xf32, #tpu.memory_space<vmem>>, vector<32x32xf32>
    %dot_general3A_35 = arith.constant dense<0.000000e+00> : vector<1x32xf32>
    %dot_general3A_36 = tpu.matmul %add3A_31, %get3A_34, %dot_general3A_35 {dimension_numbers = #tpu.dot_dimension_numbers<[1], [1], [0], [0], [0, 0, 1, 0], [], []>, transpose_lhs_hint = false} : vector<1x32xf32>, vector<32x32xf32>, vector<1x32xf32> -> vector<1x32xf32>
    %get3A_37 = arith.constant 0 : index
    %get3A_38 = arith.constant 0 : index
    %get3A_39 = vector.load %arg9[%get3A_37, %get3A_38] : memref<1x32xf32, #tpu.memory_space<vmem>>, vector<1x32xf32>
    %add3A_40 = arith.addf %dot_general3A_36, %get3A_39 : vector<1x32xf32>
    %jit3A_41 = arith.constant 0.000000e+00 : f32
    %jit3A_42 = arith.constant 1.000000e+00 : f32
    %max3A_43 = vector.broadcast %jit3A_41 : f32 to vector<1x32xf32>
    %max3A_44 = arith.maximumf %max3A_43, %add3A_40 : vector<1x32xf32>
    %min3A_45 = vector.broadcast %jit3A_42 : f32 to vector<1x32xf32>
    %min3A_46 = arith.minimumf %min3A_45, %max3A_44 : vector<1x32xf32>
    %get3A_47 = arith.constant 0 : index
    %get3A_48 = arith.constant 0 : index
    %get3A_49 = vector.load %arg10[%get3A_47, %get3A_48] : memref<1x32xf32, #tpu.memory_space<vmem>>, vector<1x32xf32>
    %mul3A_50 = arith.mulf %min3A_46, %get3A_49 : vector<1x32xf32>
    %reduce_sum3A = arith.constant dense<0.000000e+00> : vector<1xf32>
    %reduce_sum3A_51 = vector.multi_reduction <add>, %mul3A_50, %reduce_sum3A [1] : vector<1x32xf32> to vector<1xf32>
    %broadcast_in_dim3A = vector.shape_cast %reduce_sum3A_51 : vector<1xf32> to vector<1x1xf32>
    %get3A_52 = arith.constant 0 : index
    %get3A_53 = arith.constant 0 : index
    %get3A_54 = vector.load %arg11[%get3A_52, %get3A_53] : memref<1x1xf32, #tpu.memory_space<vmem>>, vector<1x1xf32>
    %add3A_55 = arith.addf %broadcast_in_dim3A, %get3A_54 : vector<1x1xf32>
    %get3A_56 = arith.constant 0 : index
    %get3A_57 = arith.constant 0 : index
    %get3A_58 = vector.load %arg2[%get3A_56, %get3A_57] : memref<64x128xf32, #tpu.memory_space<vmem>>, vector<64x128xf32>
    %get3A_59 = arith.constant 0 : index
    %get3A_60 = arith.constant 0 : index
    %get3A_61 = vector.load %arg3[%get3A_59, %get3A_60] : memref<64x128xf32, #tpu.memory_space<vmem>>, vector<64x128xf32>
    %mul3A_62 = arith.mulf %get3A_58, %get3A_61 : vector<64x128xf32>
    %reduce_sum3A_63 = vector.shape_cast %mul3A_62 : vector<64x128xf32> to vector<1x64x128xf32>
    %reduce_sum3A_64 = arith.constant dense<0.000000e+00> : vector<1xf32>
    %reduce_sum3A_65 = vector.multi_reduction <add>, %reduce_sum3A_63, %reduce_sum3A_64 [1, 2] : vector<1x64x128xf32> to vector<1xf32>
    %reduce_sum3A_66 = vector.shape_cast %reduce_sum3A_65 : vector<1xf32> to vector<1x1x1xf32>
    %reduce_sum3A_67 = vector.extract %reduce_sum3A_66[0, 0, 0] : f32 from vector<1x1x1xf32>
    %sub3A_68 = arith.constant 5.000000e-01 : f32
    %sub3A_69 = arith.subf %get3A_1, %sub3A_68 : f32
    %mul3A_70 = arith.mulf %reduce_sum3A_67, %sub3A_69 : f32
    %add3A_71 = vector.broadcast %mul3A_70 : f32 to vector<1x1xf32>
    %add3A_72 = arith.addf %add3A_55, %add3A_71 : vector<1x1xf32>
    %swap3A = arith.constant 0 : index
    %swap3A_73 = arith.constant 0 : index
    %swap3A_74 = vector.load %arg12[%swap3A, %swap3A_73] : memref<1x1xf32, #tpu.memory_space<vmem>>, vector<1x1xf32>
    tpu.vector_store %arg12[%swap3A, %swap3A_73], %add3A_72 {strides = array<i32>} : memref<1x1xf32, #tpu.memory_space<vmem>>, vector<1x1xf32>,
    return
  }
}

</mosaic_0001>

<sc_bundles>
// kernel: kernel.4.cloned.1.call-start
scs
__scs_entry_jumppad:
0x0: {  	(pc) =	sbr.rel $0x88, $3  }
0x1: {  	(tag) =	ssettag $0x0;
	lr =	simm.s32 $0x1  }
0x2: {  	[smem:$0x3F96] =	sst lr;
	_ =	strace $0xD0000000  }
0x3: {  	_ = 	snop  }
0x4: {  	_ = 	snop  }
0x5: {  	_ = 	snop  }
0x6: {  	_ = 	snop  }
0x7: {  	_ = 	snop  }
__scs_overlays_trampoline_lowered:
0x8: {  	[smem:$0x3FA5] =	sst s0  }
0x9: {  	[smem:$0x3FA6] =	sst s1  }
0xa: {  	[smem:$0x3FA7] =	sst s2  }
0xb: {  	[smem:$0x3FA8] =	sst s3  }
0xc: {  	[smem:$0x3FA9] =	sst s4  }
0xd: {  	[smem:$0x3FAA] =	sst s5  }
0xe: {  	[smem:$0x3FAB] =	sst s6  }
0xf: {  	[smem:$0x3FAC] =	sst s7  }
0x10: {  	[smem:$0x3FAD] =	sst s8  }
0x11: {  	[smem:$0x3FAE] =	sst s9;
	s0 =	simm.s32 @!p0 $0x0  }
0x12: {  	s1 =	sld [smem:$0x3F94];
	s0 =	simm.s32 @p0 $0x1  }
0x13: {  	[smem:$0x3FAF] =	sst s0;
	s0 =	simm.s32 @!p1 $0x0  }
0x14: {  	s2 =	sld [smem:$0x3F93];
	s0 =	simm.s32 @p1 $0x1  }
0x15: {  	[smem:$0x3FB0] =	sst s0;
	s0 =	simm.s32 @!p2 $0x0  }
0x16: {  	s3 =	sld [smem:$0x3FDB];
	s0 =	simm.s32 @p2 $0x1  }
0x17: {  	s4 =	simm.s32 $0x1BF5;
	[smem:$0x3FB2] =	sst s0  }
0x18: {  	s0 =	sld [smem:$0x3F95];
	_ =	swait.ge [sflag:s4], $0x0  }
0x19: {  	s7 =	sld [smem:$0x3F96]  }
0x1a: {  	s8 =	sadd.s32 $0xFFFFE003, lr  }
0x1b: {  	s9 =	sadd.s32 $0xFFFFFEF7, lr;
	s5 =	simm.s32 $0xFFFFFFFF;
	p2 =	slt.u32 s8, $0xFFFFF086  }
0x1c: {  	p1 =	slt.u32 s9, $0xF7A;
	s5 =	simm.s32 @!p2 $0x0  }
0x1d: {  	s5 =	simm.s32 @p1 $0x1;
	p0 =	seq.s32 s7, s2  }
0x1e: {  	s7 =	smul.u32 @!p0 $0xF7A, s2;
	p2 =	seq.s32 @!p0 s5, $0x0  }
0x1f: {  	s9 =	smul.u32 $0xF7A, s1;
	s8 =	simm.s32 @!p0 $0x1BF5;
	p2 =	por !p2, p0  }
0x20: {  	[sflag:s8] =	ssyncset.s32 @!p0 $0xFFFFF086;
	s6 =	sadd.s32 @!p0 s3, s7;
	s7 =	simm.s32 @!p0 $0x108  }
0x21: {  	s3 =	sadd.s32 s3, s9;
	s6 =	sadd.s32 @!p0 $0x88, s6;
	s7 =	simm.s32 @p2 $0x1082  }
0x22: {  	[simem:s7], [sflag:s8] =	dma.local @!p0 [hbm:s6], $0xF7A  }
0x23: {  	s9 =	sor.u32 $0xD0000000, s2;
	s6 =	simm.s32 $0x108;
	_ =	swait.ge @!p0 [sflag:s8], $0x0  }
0x24: {  	s3 =	sadd.s32 $0x88, s3;
	s6 =	simm.s32 @!p1 $0x1082;
	[sflag:s4] =	ssyncset.s32 $0xFFFFF086  }
0x25: {  	[simem:s6], [sflag:s4] =	dma.local [hbm:s3], $0xF7A  }
0x26: {  	[smem:$0x3F96] =	sst s1;
	(tag) =	ssettag s2;
	_ =	strace s9  }
0x27: {  	s1 =	sld [smem:$0x3FA6]  }
0x28: {  	s2 =	sld [smem:$0x3FA7]  }
0x29: {  	s4 =	sld [smem:$0x3FA9]  }
0x2a: {  	p0 =	seq.s32 s5, $0x0;
	s5 =	sld [smem:$0x3FAA]  }
0x2b: {  	s6 =	sld [smem:$0x3FAB]  }
0x2c: {  	s7 =	sld [smem:$0x3FAC]  }
0x2d: {  	s3 =	simm.s32 $0x108;
	s8 =	sld [smem:$0x3FAD]  }
0x2e: {  	s3 =	simm.s32 @!p0 $0x1082;
	s9 =	sld [smem:$0x3FAE]  }
0x2f: {  	lr =	sadd.s32 s0, s3;
	s0 =	sld [smem:$0x3FA5]  }
0x30: {  	s3 =	sld [smem:$0x3FA8]  }
0x31: {  	[smem:$0x3FB1] =	sst s10  }
0x32: {  	s10 =	sld [smem:$0x3FAF];
	_ =	sdelay $0x3  }
0x33: {  	p0 =	seq.s32 s10, $0x1;
	s10 =	sld [smem:$0x3FB1];
	_ =	sdelay $0x3  }
0x34: {  	[smem:$0x3FB1] =	sst s10  }
0x35: {  	s10 =	sld [smem:$0x3FB0];
	_ =	sdelay $0x3  }
0x36: {  	p1 =	seq.s32 s10, $0x1;
	s10 =	sld [smem:$0x3FB1];
	_ =	sdelay $0x3  }
0x37: {  	[smem:$0x3FB1] =	sst s10  }
0x38: {  	s10 =	sld [smem:$0x3FB2]  }
0x39: {  	_ = 	snop;
	(pc) =	sbr.ind lr, $3  }
0x3a: {  	_ = 	snop  }
0x3b: {  	_ = 	snop  }
0x3c: {  	p2 =	seq.s32 s10, $0x1;
	s10 =	sld [smem:$0x3FB1]  }
0x3d: {  	_ =	shalt  }
0x3e: {  	_ =	shalt  }
0x3f: {  	_ =	shalt  }
0x40: {  	_ =	shalt  }
0x41: {  	_ =	shalt  }
0x42: {  	_ =	shalt  }
0x43: {  	_ =	shalt  }
0x44: {  	_ =	shalt  }
0x45: {  	_ =	shalt  }
0x46: {  	_ =	shalt  }
0x47: {  	_ =	shalt  }
0x48: {  	_ =	shalt  }
0x49: {  	_ =	shalt  }
0x4a: {  	_ =	shalt  }
0x4b: {  	_ =	shalt  }
0x4c: {  	_ =	shalt  }
0x4d: {  	_ =	shalt  }
0x4e: {  	_ =	shalt  }
0x4f: {  	_ =	shalt  }
0x50: {  	_ =	shalt  }
0x51: {  	_ =	shalt  }
0x52: {  	_ =	shalt  }
0x53: {  	_ =	shalt  }
0x54: {  	_ =	shalt  }
0x55: {  	_ =	shalt  }
0x56: {  	_ =	shalt  }
0x57: {  	_ =	shalt  }
0x58: {  	_ =	shalt  }
0x59: {  	_ =	shalt  }
0x5a: {  	_ =	shalt  }
0x5b: {  	_ =	shalt  }
0x5c: {  	_ =	shalt  }
0x5d: {  	_ =	shalt  }
0x5e: {  	_ =	shalt  }
0x5f: {  	_ =	shalt  }
0x60: {  	_ =	shalt  }
0x61: {  	_ =	shalt  }
0x62: {  	_ =	shalt  }
0x63: {  	_ =	shalt  }
0x64: {  	_ =	shalt  }
0x65: {  	_ =	shalt  }
0x66: {  	_ =	shalt  }
0x67: {  	_ =	shalt  }
0x68: {  	_ =	shalt  }
0x69: {  	_ =	shalt  }
0x6a: {  	_ =	shalt  }
0x6b: {  	_ =	shalt  }
0x6c: {  	_ =	shalt  }
0x6d: {  	_ =	shalt  }
0x6e: {  	_ =	shalt  }
0x6f: {  	_ =	shalt  }
0x70: {  	_ =	shalt  }
0x71: {  	_ =	shalt  }
0x72: {  	_ =	shalt  }
0x73: {  	_ =	shalt  }
0x74: {  	_ =	shalt  }
0x75: {  	_ =	shalt  }
0x76: {  	_ =	shalt  }
0x77: {  	_ =	shalt  }
0x78: {  	_ =	shalt  }
0x79: {  	_ =	shalt  }
0x7a: {  	_ =	shalt  }
0x7b: {  	_ =	shalt  }
0x7c: {  	_ =	shalt  }
0x7d: {  	_ =	shalt  }
0x7e: {  	_ =	shalt  }
0x7f: {  	_ =	shalt  }
0x80: {  	_ =	shalt  }
0x81: {  	_ =	shalt  }
0x82: {  	_ =	shalt  }
0x83: {  	_ =	shalt  }
0x84: {  	_ =	shalt  }
0x85: {  	_ =	shalt  }
0x86: {  	_ =	shalt  }
0x87: {  	_ =	shalt  }
.Lfunc_end0:
.L_simem_size_0:
called_computation_lowered:
.L_overlay_start_0:
0x88: {  	s2 =	sld [smem:$0x3FD9]  }
0x89: {  	s3 =	sld [smem:$0x3FFE];
	_ =	sdelay $0x1  }
0x8a: {  	s1 =	srdreg.scid  }
0x8b: {  	s0 =	sand.u32 $0x1, s1  }
0x8c: {  	s17 =	sshll.u32 s0, $0xA;
	s2 =	sadd.s32 s3, s2  }
0x8d: {  	s2 =	sadd.s32 s2, s17  }
0x8e: {  	[smem:$0x3FBD] =	sst s2  }
0x8f: {  	_ = 	snop  }
0x90: {  	s2 =	sld [smem:$0x3FC9]  }
0x91: {  	s18 =	sld [smem:$0x3FC8]  }
0x92: {  	s4 =	sld [smem:$0x3FC6];
	(tm) =	ssettm $0x1  }
0x93: {  	s5 =	sld [smem:$0x3FFB];
	_ =	sdelay $0x3  }
0x94: {  	_ =	strace s5  }
0x95: {  	s5 =	sld [smem:$0x3FFC];
	_ =	sdelay $0x3  }
0x96: {  	_ =	strace s5  }
0x97: {  	s5 =	sld [smem:$0x3FFD];
	_ =	sdelay $0x3  }
0x98: {  	_ =	strace s5  }
0x99: {  	_ =	strace $0x8FFFFFFF  }
0x9a: {  	s19 =	sld [smem:$0x3FDB];
	_ =	sdelay $0x1  }
0x9b: {  	s6 =	simm.s32 $_scs_section_size  }
0x9c: {  	s7 =	simm.s32 $_size__tile_overlayer_lowered;
	s8 =	simm.s32 $_tile_overlayer_lowered  }
0x9d: {  	s22 =	simm.s32 $0x1BFF;
	s21 =	sshll.u32 s8, $0x1;
	s5 =	sadd.s32 s6, s19  }
0x9e: {  	s9 =	simm.s32 $0x0;
	s20 =	sshll.u32 s7, $0x1;
	s7 =	sadd.s32 s21, s5  }
0x9f: {  	[timem:s9], [sflag:s22] =	dma.local [hbm:s7], s20  }
0xa0: {  	_ =	swait.ge [sflag:s22], s20  }
0xa1: {  	s6 =	ssub.s32 $0x0, s20;
	[sflag:s22] =	ssyncset.done $0x0  }
0xa2: {  	[sflag:s22] =	ssyncadd.s32 s6;
	_ =	sdelay $0x1  }
0xa3: {  	s23 =	simm.s32 $0x1B8B  }
0xa4: {  	_ =	swait.ge [sflag:s23], $0x1  }
0xa5: {  	[sflag:s23] =	ssyncset.done $0x0  }
0xa6: {  	s25 =	simm.s32 $0x1B8E;
	s24 =	sld [smem:$0x3FFE];
	[sflag:s23] =	ssyncadd.s32 $0xFFFFFFFF  }
0xa7: {  	s26 =	simm.s32 $execute0_lowered;
	[smem:$0x3FD2] =	sst s25  }
0xa8: {  	s7 =	sshll.u32 s26, $0x1;
	_ =	strace $0x80000046;
	[dreg:$0x1] =	wrdreg $0xFFFFFFFF  }
0xa9: {  	s28 =	simm.s32 $_size_execute0_lowered;
	s5 =	sadd.s32 s5, s7;
	[dreg:$0x0] =	wrdreg $0x0  }
0xaa: {  	s7 =	sshll.u32 s28, $0x1;
	[dreg:$0x2] =	wrdreg s5  }
0xab: {  	[dreg:$0x3] =	wrdreg s7  }
0xac: {  	[dreg:$0x4] =	wrdreg $0xC0  }
0xad: {  	_ =	task [dreg:s9], $0x5FFFF  }
0xae: {  	[dreg:$0x1] =	wrdreg $0xFFFFFFFF  }
0xaf: {  	[dreg:$0x0] =	wrdreg $0x60  }
0xb0: {  	[dreg:$0x2] =	wrdreg s4  }
0xb1: {  	[dreg:$0x3] =	wrdreg s2  }
0xb2: {  	[dreg:$0x4] =	wrdreg s18  }
0xb3: {  	[dreg:$0x5] =	wrdreg s24  }
0xb4: {  	[dreg:$0x6] =	wrdreg $0x9  }
0xb5: {  	_ =	task.clear_ibuf [dreg:s9], $0x7FFFF;
	_ =	strace $0x90000046  }
0xb6: {  	s29 =	simm.s32 $0x9;
	_ =	strace $0x80000048  }
0xb7: {  	_ =	swait.ge [sflag:s29], $0x1  }
0xb8: {  	[sflag:s29] =	ssyncadd.s32 $0xFFFFFFFF  }
0xb9: {  	_ =	strace $0x90000048  }
0xba: {  	_ =	sfence  }
0xbb: {  	s30 =	sld [smem:$0x0];
	_ =	sdelay $0x2  }
0xbc: {  	s31 =	sshll.u32 s1, $0xD;
	s1 =	sshrl.u32 s1, $0x2  }
0xbd: {  	s3 =	sand.u32 $0x4000, s31;
	s1 =	sadd.s32 s1, s30  }
0xbe: {  	s0 =	sor.u32 s3, s0;
	s1 =	sshll.u32 s1, $0x11  }
0xbf: {  	s0 =	sor.u32 s1, s0  }
0xc0: {  	s0 =	sadd.s32 $0x8F2B, s0  }
0xc1: {  	[sflag:s0] =	ssyncadd.remote.s32 $0x1  }
0xc2: {  	_ =	sfence.sel $0xFFFF  }
0xc3: {  	[dreg:$0x0] =	wrdreg $0xFFFFFFFF;
	(pc) =	sbr.abs _section_cstart, $3  }
0xc4: {  	[dreg:$0x1] =	wrdreg $0xFFFFFFFF  }
0xc5: {  	_ =	task.clear_ibuf [dreg:s9], $0x2FFFF;
	_ =	strace $0x9FFFFFFF  }
0xc6: {  	(tm) =	ssettm $0x7FFFFFFF  }
0xc7: {  	_ =	shalt  }
tec
execute0_lowered:
.L_overlay_start_1:
0x0: {  	(tag) =	ssettag $0x1  }
0x1: {  	s1 =	rddreg [dreg:$0x0]  }
0x2: {  	s0 =	rddreg [dreg:$0x3];
	s11 =	simm.s32 $0x0;
	s2 =	srdreg.scid  }
0x3: {  	s5 =	stileid.u32;
	s13 =	simm.s32 $0x80;
	s14 =	simm.s32 $0x400  }
0x4: {  	s15 =	simm.s32 $0x2C000;
	s28 =	simm.s32 $0x6280;
	s29 =	simm.s32 $0x8280  }
0x5: {  	s30 =	simm.s32 $0xA280;
	s31 =	simm.s32 $0xC280;
	s19 =	simm.s32 $0x5  }
0x6: {  	s20 =	simm.s32 $0x6;
	s21 =	simm.s32 $0x7;
	[smem:$0x7FF] =	sst s11  }
0x7: {  	s2 =	sand.u32 $0x1, s2;
	s3 =	sshll.u32 s5, $0x3;
	p0 =	sgt.u32 s5, $0x3  }
0x8: {  	_ =	strace $0x80000047;
	s4 =	sshll.u32 s2, $0x5;
	s6 =	sshll.u32 s2, $0x7  }
0x9: {  	s2 =	ssub.s32 $0x2, s2;
	s4 =	sadd.s32 s3, s4;
	s3 =	sor.u32 s3, s6  }
0xa: {  	s7 =	sshrl.u32 s2, $0x1;
	s22 =	sshll.u32 s4, $0x4;
	s8 =	sadd.s32 s3, s0  }
0xb: {  	s2 =	ssub.s32 s2, s7;
	s23 =	sor.u32 $0x1, s4;
	s9 =	sor.u32 $0x2, s4  }
0xc: {  	v8 =	vimm.f32 $0.0e+00;
	s10 =	sor.u32 $0x3, s4;
	s12 =	sor.u32 $0x4, s4;
	s16 =	sor.u32 $0x5, s4  }
0xd: {  	v9 =	vimm.s32 $0x1;
	v10 =	vimm.s32 $0x2;
	v13 =	vlaneseq.u32;
	s17 =	sor.u32 $0x6, s4;
	s18 =	sor.u32 $0x7, s4;
	s6 =	smul.u32 $0x2C000, s3  }
0xe: {  	v11 =	vimm.s32 $0x3;
	v12 =	vimm.s32 $0x4;
	v0 =	vmov s4;
	s4 =	simm.s32 $0x1;
	s3 =	simm.s32 $0x180;
	s0 =	sadd.s32 s22, s0  }
0xf: {  	v14 =	vimm.s32 $0x5;
	v15 =	vimm.s32 $0x6;
	v13 =	vmul.u32 $0x80, v13;
	s24 =	sadd.s32 $0x2200, s8;
	s25 =	sadd.s32 $0x2400, s8;
	s26 =	smax.u32 s2, $0x1  }
0x10: {  	v16 =	vimm.s32 $0x7;
	v2 =	vmov s9;
	s9 =	simm.s32 $0xA;
	v5 =	vmov s12;
	s2 =	simm.s32 $0x100;
	s12 =	simm.s32 $0x200  }
.Ltmp0:
0x11: {  	v17 =	vor.u32 $0x800, v13;
	v6 =	vmov s16;
	v7 =	vmov s17;
	s16 =	simm.s32 $0x2;
	s17 =	simm.s32 $0x3;
	(pc) =	sbr.rel .LBB2_1-.Ltmp0, $4  }
0x12: {  	v1 =	vmov s23;
	v0 =	vbroadcast v0, $0x0;
	v3 =	vmov s18;
	s18 =	simm.s32 $0x4;
	s22 =	simm.s32 $0x8;
	[dreg:$0x5] =	wrdreg s24  }
0x13: {  	v4 =	vmov s10;
	s23 =	simm.s32 $0x0;
	[dreg:$0x6] =	wrdreg s25;
	s0 =	sadd.s32 $0x1E00, s0;
	v1 =	vbroadcast v1, $0x0;
	v2 =	vbroadcast v2, $0x0  }
0x14: {  	v18 =	vor.u32 $0x1000, v13;
	[dreg:$0x8] =	wrdreg s26;
	s24 =	simm.s32 $0x280;
	s25 =	simm.s32 $0x2280;
	v4 =	vbroadcast v4, $0x0;
	v5 =	vbroadcast v5, $0x0  }
0x15: {  	v19 =	vor.u32 $0x1800, v13;
	s26 =	simm.s32 $0x4280;
	v6 =	vbroadcast v6, $0x0;
	v7 =	vbroadcast v7, $0x0;
	[dreg:$0x7] =	wrdreg s0;
	s0 =	simm.s32 $0xE280  }
.LBB2_6:
0x16: {  	s11 =	simm.s32 $0x0  }
0x17: {  	s5 =	rddreg [dreg:$0x5];
	s7 =	simm.s32 $0x10280;
	s9 =	simm.s32 $0xA  }
0x18: {  	[hbm4b:s5+s11] =	stream.linear.scatter [tilespmem:s7], [sflag:$0xA], $0x40, $0x38;
	[tilespmem:$0x10780] =	vst v63  }
0x19: {  	_ =	swait.ge [sflag:s9], $0x40  }
0x1a: {  	[sflag:s9] =	ssyncset.done $0x0  }
0x1b: {  	s8 =	simm.s32 $0x10300;
	s7 =	rddreg [dreg:$0x6];
	[sflag:s9] =	ssyncadd.s32 $0xFFFFFFC0  }
0x1c: {  	[hbm4b:s7+s11] =	stream.linear.scatter [tilespmem:s8], [sflag:$0xA], $0x40, $0x38;
	[tilespmem:$0x10780] =	vst v63  }
0x1d: {  	_ =	swait.ge [sflag:s9], $0x40  }
0x1e: {  	[sflag:s9] =	ssyncset.done $0x0  }
0x1f: {  	s5 =	simm.s32 @!p0 $0x9;
	[sflag:s9] =	ssyncadd.s32 $0xFFFFFFC0  }
0x20: {  	_ =	swait.ge @!p0 [sflag:s5], $0x80  }
0x21: {  	[sflag:s5] =	ssyncset.done @!p0 $0x0  }
0x22: {  	[sflag:s5] =	ssyncadd.s32 @!p0 $0xFFFFFF80  }
0x23: {  	_ =	swait.ge @!p0 [sflag:s5], $0x80  }
0x24: {  	[sflag:s5] =	ssyncset.done @!p0 $0x0  }
0x25: {  	[sflag:s5] =	ssyncadd.s32 @!p0 $0xFFFFFF80  }
0x26: {  	_ =	swait.ge @!p0 [sflag:s5], $0x80  }
0x27: {  	[sflag:s5] =	ssyncset.done @!p0 $0x0  }
0x28: {  	[sflag:s5] =	ssyncadd.s32 @!p0 $0xFFFFFF80  }
0x29: {  	_ =	swait.ge @!p0 [sflag:s5], $0x80  }
0x2a: {  	[sflag:s5] =	ssyncset.done @!p0 $0x0  }
0x2b: {  	[sflag:s5] =	ssyncadd.s32 @!p0 $0xFFFFFF80  }
0x2c: {  	_ =	swait.ge @!p0 [sflag:s5], $0x80  }
0x2d: {  	[sflag:s5] =	ssyncset.done @!p0 $0x0  }
0x2e: {  	[sflag:s5] =	ssyncadd.s32 @!p0 $0xFFFFFF80  }
0x2f: {  	_ =	swait.ge @!p0 [sflag:s5], $0x80  }
0x30: {  	[sflag:s5] =	ssyncset.done @!p0 $0x0  }
0x31: {  	[sflag:s5] =	ssyncadd.s32 @!p0 $0xFFFFFF80  }
0x32: {  	_ =	swait.ge @!p0 [sflag:s5], $0x80  }
0x33: {  	[sflag:s5] =	ssyncset.done @!p0 $0x0  }
0x34: {  	[sflag:s5] =	ssyncadd.s32 @!p0 $0xFFFFFF80  }
0x35: {  	_ =	swait.ge @!p0 [sflag:s5], $0x80  }
0x36: {  	s7 =	simm.s32 @!p0 $0x10380;
	[sflag:s5] =	ssyncset.done @!p0 $0x0  }
0x37: {  	s8 =	rddreg [dreg:$0x7];
	[sflag:s5] =	ssyncadd.s32 @!p0 $0xFFFFFF80;
	s5 =	simm.s32 @!p0 $0x0  }
0x38: {  	[hbm4b:s8+s5] =	stream.linear.scatter @!p0 [tilespmem:s7], [sflag:$0xA], $0x400, $0x38;
	[tilespmem:$0x10780] =	vst v63  }
0x39: {  	s5 =	simm.s32 @!p0 $0xA  }
0x3a: {  	_ =	swait.ge @!p0 [sflag:s5], $0x400  }
0x3b: {  	s23 =	sadd.s32 $0x1, s23;
	s10 =	rddreg [dreg:$0x8]  }
0x3c: {  	p1 =	sne.s32 s23, s10  }
.Ltmp1:
0x3d: {  	_ = 	snop;
	(pc) =	sbr.rel @!p1 .LBB2_7-.Ltmp1, $3  }
0x3e: {  	_ =	sdelay $0x1  }
0x3f: {  	[sflag:s5] =	ssyncset.done @!p0 $0x0  }
0x40: {  	[sflag:s5] =	ssyncadd.s32 @!p0 $0xFFFFFC00  }
.LBB2_1:
0x41: {  	s5 =	rddreg [dreg:$0x1]  }
0x42: {  	[tilespmem:s11], [sflag:$0xA] =	stream.linear.gather [hbm4b:s5+s11], $0x20, $0x38;
	[tilespmem:$0x10780] =	vst v63  }
0x43: {  	_ =	swait.ge [sflag:s9], $0x20  }
0x44: {  	[sflag:s9] =	ssyncset.done $0x0  }
0x45: {  	[sflag:s9] =	ssyncadd.s32 $0xFFFFFFE0  }
0x46: {  	s7 =	simm.s32 $0x20;
	s10 =	rddreg [dreg:$0x2]  }
0x47: {  	[tilespmem:s7], [sflag:$0xA] =	stream.linear.gather [hbm4b:s10+s11], $0x20, $0x38;
	[tilespmem:$0x10780] =	vst v63  }
0x48: {  	_ =	swait.ge [sflag:s9], $0x20  }
0x49: {  	[sflag:s9] =	ssyncset.done $0x0  }
0x4a: {  	[sflag:s9] =	ssyncadd.s32 $0xFFFFFFE0  }
0x4b: {  	[tilespmem:$0x200] =	vst v8  }
0x4c: {  	[tilespmem:$0x210] =	vst v8  }
0x4d: {  	[tilespmem:$0x1A0] =	vst v8  }
0x4e: {  	[tilespmem:$0x1B0] =	vst v8  }
0x4f: {  	v20 =	vld [tilespmem:$0x0];
	[tilespmem:$0x10280] =	vst v8  }
0x50: {  	v21 =	vld [tilespmem:$0x10];
	[tilespmem:$0x10300] =	vst v8  }
0x51: {  	[tilespmem:$0x10290] =	vst v8  }
0x52: {  	[tilespmem:$0x10310] =	vst v8  }
0x53: {  	[tilespmem:$0x102A0] =	vst v8  }
0x54: {  	[tilespmem:$0x10320] =	vst v8  }
0x55: {  	v23 =	vld [tilespmem:$0x20];
	[tilespmem:$0x102B0] =	vst v8;
	vm0 =	vgt.s32 v20, $0x0;
	vm1 =	vgt.s32 v21, $0x0;
	vm11 =	vgt.s32 v21, $0xFFFFFFFF  }
0x56: {  	[tilespmem:$0x10330] =	vst v8;
	v22 =	vnsel vm0, $0x0, v20;
	v60 =	vnsel vm1, $0x0, v21;
	v21 =	vsel vm11, $0x3F800000, v8  }
0x57: {  	vm10 =	vgt.s32 v20, $0xFFFFFFFF;
	v20 =	vand.u32 $0x7F, v22;
	[tilespmem:$0x190] =	vst v21  }
0x58: {  	v61 =	vld [tilespmem:$0x30];
	[tilespmem:$0x100] =	vst v20;
	v20 =	vsel vm10, $0x3F800000, v8  }
0x59: {  	[tilespmem:$0x180] =	vst v20;
	v20 =	vand.u32 $0x7FFFFF80, v60  }
0x5a: {  	vm12 =	vgt.s32 v23, $0x0;
	[tilespmem:$0x90] =	vst v20;
	v20 =	vand.u32 $0x7F, v60  }
0x5b: {  	v24 =	vand.u32 $0x7FFFFF80, v22;
	[tilespmem:$0x110] =	vst v20;
	v20 =	vnsel vm12, $0x0, v23  }
0x5c: {  	[tilespmem:$0x80] =	vst v24;
	v62 =	vand.u32 $0x7FFFFF80, v20  }
0x5d: {  	vm13 =	vgt.s32 v23, $0xFFFFFFFF;
	vm14 =	vgt.s32 v61, $0x0;
	v20 =	vand.u32 $0x7F, v20;
	[tilespmem:$0xA0] =	vst v62  }
.Ltmp2:
0x5e: {  	v63 =	vnsel vm14, $0x0, v61;
	[tilespmem:$0x120] =	vst v20;
	v20 =	vsel vm13, $0x3F800000, v8;
	(pc) =	sbr.rel @p0 .LBB2_3-.Ltmp2, $4  }
0x5f: {  	[tilespmem:$0x220] =	vst v20;
	v20 =	vand.u32 $0x7FFFFF80, v63  }
0x60: {  	vm15 =	vgt.s32 v61, $0xFFFFFFFF;
	[tilespmem:$0xB0] =	vst v20;
	v20 =	vand.u32 $0x7F, v63  }
0x61: {  	[tilespmem:$0x130] =	vst v20;
	v20 =	vsel vm15, $0x3F800000, v8  }
0x62: {  	[tilespmem:$0x230] =	vst v20  }
0x63: {  	_ =	sdelay $0x3  }
0x64: {  	v20 =	vld.idx.msk [tilespmem:v0+s13+$0x0], $0xffff;
	_ =	sdelay $0x4  }
0x65: {  	(v2sf) =	vpush v20, $0x0;
	_ =	sdelay $0xe  }
0x66: {  	s7 =	spop (v2sf)  }
0x67: {  	s7 =	sshll.u32 s7, $0x3  }
0x68: {  	s7 =	sand.u32 $0xFFFFFC00, s7  }
0x69: {  	s7 =	sadd.s32 $0x2C00000, s7  }
0x6a: {  	s7 =	sshrl.u32 s7, $0x3  }
0x6b: {  	s5 =	simm.s32 $0x10380;
	s7 =	sadd.s32 s1, s7  }
0x6c: {  	[tilespmem:s5], [sflag:$0x9] =	stream.strided.gather [hbm4b:s7+s14], $0x0, s15, s14, $0x38;
	[tilespmem:$0x10780] =	vst v63  }
0x6d: {  	_ = 	snop  }
0x6e: {  	[tilespmem:s5], [sflag:$0x9] =	stream.linear.gather [hbm4b:s7+s11], $0x80, $0x38;
	[tilespmem:$0x10780] =	vst v63  }
0x6f: {  	v20 =	vld.idx.msk [tilespmem:v1+s13+$0x0], $0xffff;
	_ =	sdelay $0x4  }
0x70: {  	(v2sf) =	vpush v20, $0x0;
	_ =	sdelay $0xe  }
0x71: {  	s9 =	spop (v2sf)  }
0x72: {  	s7 =	sshll.u32 s9, $0x3  }
0x73: {  	s7 =	sand.u32 $0xFFFFFC00, s7  }
0x74: {  	s7 =	sadd.s32 $0x2C00000, s7  }
0x75: {  	s7 =	sshrl.u32 s7, $0x3  }
0x76: {  	s10 =	simm.s32 $0x10400;
	s7 =	sadd.s32 s1, s7  }
0x77: {  	[tilespmem:s10], [sflag:$0x9] =	stream.strided.gather [hbm4b:s7+s14], $0x0, s15, s14, $0x38;
	[tilespmem:$0x10780] =	vst v63  }
0x78: {  	_ = 	snop  }
0x79: {  	[tilespmem:s10], [sflag:$0x9] =	stream.linear.gather [hbm4b:s7+s11], $0x80, $0x38;
	[tilespmem:$0x10780] =	vst v63  }
0x7a: {  	v20 =	vld.idx.msk [tilespmem:v2+s13+$0x0], $0xffff;
	_ =	sdelay $0x4  }
0x7b: {  	(v2sf) =	vpush v20, $0x0;
	_ =	sdelay $0xe  }
0x7c: {  	s5 =	spop (v2sf)  }
0x7d: {  	s7 =	sshll.u32 s5, $0x3  }
0x7e: {  	s7 =	sand.u32 $0xFFFFFC00, s7  }
0x7f: {  	s7 =	sadd.s32 $0x2C00000, s7  }
0x80: {  	s7 =	sshrl.u32 s7, $0x3  }
0x81: {  	s8 =	simm.s32 $0x10480;
	s7 =	sadd.s32 s1, s7  }
0x82: {  	[tilespmem:s8], [sflag:$0x9] =	stream.strided.gather [hbm4b:s7+s14], $0x0, s15, s14, $0x38;
	[tilespmem:$0x10780] =	vst v63  }
0x83: {  	_ = 	snop  }
0x84: {  	[tilespmem:s8], [sflag:$0x9] =	stream.linear.gather [hbm4b:s7+s11], $0x80, $0x38;
	[tilespmem:$0x10780] =	vst v63  }
0x85: {  	v20 =	vld.idx.msk [tilespmem:v4+s13+$0x0], $0xffff;
	_ =	sdelay $0x4  }
0x86: {  	(v2sf) =	vpush v20, $0x0;
	_ =	sdelay $0xe  }
0x87: {  	s9 =	spop (v2sf)  }
0x88: {  	s7 =	sshll.u32 s9, $0x3  }
0x89: {  	s7 =	sand.u32 $0xFFFFFC00, s7  }
0x8a: {  	s7 =	sadd.s32 $0x2C00000, s7  }
0x8b: {  	s7 =	sshrl.u32 s7, $0x3  }
0x8c: {  	s10 =	simm.s32 $0x10500;
	s7 =	sadd.s32 s1, s7  }
0x8d: {  	[tilespmem:s10], [sflag:$0x9] =	stream.strided.gather [hbm4b:s7+s14], $0x0, s15, s14, $0x38;
	[tilespmem:$0x10780] =	vst v63  }
0x8e: {  	_ = 	snop  }
0x8f: {  	[tilespmem:s10], [sflag:$0x9] =	stream.linear.gather [hbm4b:s7+s11], $0x80, $0x38;
	[tilespmem:$0x10780] =	vst v63  }
0x90: {  	v20 =	vld.idx.msk [tilespmem:v5+s13+$0x0], $0xffff;
	_ =	sdelay $0x4  }
0x91: {  	(v2sf) =	vpush v20, $0x0;
	_ =	sdelay $0xe  }
0x92: {  	s5 =	spop (v2sf)  }
0x93: {  	s7 =	sshll.u32 s5, $0x3  }
0x94: {  	s7 =	sand.u32 $0xFFFFFC00, s7  }
0x95: {  	s7 =	sadd.s32 $0x2C00000, s7  }
0x96: {  	s7 =	sshrl.u32 s7, $0x3  }
0x97: {  	s8 =	simm.s32 $0x10580;
	s7 =	sadd.s32 s1, s7  }
0x98: {  	[tilespmem:s8], [sflag:$0x9] =	stream.strided.gather [hbm4b:s7+s14], $0x0, s15, s14, $0x38;
	[tilespmem:$0x10780] =	vst v63  }
0x99: {  	_ = 	snop  }
0x9a: {  	[tilespmem:s8], [sflag:$0x9] =	stream.linear.gather [hbm4b:s7+s11], $0x80, $0x38;
	[tilespmem:$0x10780] =	vst v63  }
0x9b: {  	v20 =	vld.idx.msk [tilespmem:v6+s13+$0x0], $0xffff;
	_ =	sdelay $0x4  }
0x9c: {  	(v2sf) =	vpush v20, $0x0;
	_ =	sdelay $0xe  }
0x9d: {  	s9 =	spop (v2sf)  }
0x9e: {  	s7 =	sshll.u32 s9, $0x3  }
0x9f: {  	s7 =	sand.u32 $0xFFFFFC00, s7  }
0xa0: {  	s7 =	sadd.s32 $0x2C00000, s7  }
0xa1: {  	s7 =	sshrl.u32 s7, $0x3  }
0xa2: {  	s10 =	simm.s32 $0x10600;
	s7 =	sadd.s32 s1, s7  }
0xa3: {  	[tilespmem:s10], [sflag:$0x9] =	stream.strided.gather [hbm4b:s7+s14], $0x0, s15, s14, $0x38;
	[tilespmem:$0x10780] =	vst v63  }
0xa4: {  	_ = 	snop  }
0xa5: {  	[tilespmem:s10], [sflag:$0x9] =	stream.linear.gather [hbm4b:s7+s11], $0x80, $0x38;
	[tilespmem:$0x10780] =	vst v63  }
0xa6: {  	v20 =	vld.idx.msk [tilespmem:v7+s13+$0x0], $0xffff;
	_ =	sdelay $0x4  }
0xa7: {  	(v2sf) =	vpush v20, $0x0;
	_ =	sdelay $0xe  }
0xa8: {  	s5 =	spop (v2sf)  }
0xa9: {  	s7 =	sshll.u32 s5, $0x3  }
0xaa: {  	s7 =	sand.u32 $0xFFFFFC00, s7  }
0xab: {  	s7 =	sadd.s32 $0x2C00000, s7  }
0xac: {  	s7 =	sshrl.u32 s7, $0x3  }
0xad: {  	s8 =	simm.s32 $0x10680;
	s7 =	sadd.s32 s1, s7  }
0xae: {  	[tilespmem:s8], [sflag:$0x9] =	stream.strided.gather [hbm4b:s7+s14], $0x0, s15, s14, $0x38;
	[tilespmem:$0x10780] =	vst v63  }
0xaf: {  	_ = 	snop  }
0xb0: {  	[tilespmem:s8], [sflag:$0x9] =	stream.linear.gather [hbm4b:s7+s11], $0x80, $0x38;
	[tilespmem:$0x10780] =	vst v63  }
0xb1: {  	v20 =	vld.idx.msk [tilespmem:v3+s13+$0x0], $0xffff;
	_ =	sdelay $0x4  }
0xb2: {  	(v2sf) =	vpush v20, $0x0;
	_ =	sdelay $0xe  }
0xb3: {  	s9 =	spop (v2sf)  }
0xb4: {  	s7 =	sshll.u32 s9, $0x3  }
0xb5: {  	s7 =	sand.u32 $0xFFFFFC00, s7  }
0xb6: {  	s7 =	sadd.s32 $0x2C00000, s7  }
0xb7: {  	s7 =	sshrl.u32 s7, $0x3  }
0xb8: {  	s10 =	simm.s32 $0x10700;
	s7 =	sadd.s32 s1, s7  }
0xb9: {  	[tilespmem:s10], [sflag:$0x9] =	stream.strided.gather [hbm4b:s7+s14], $0x0, s15, s14, $0x38;
	[tilespmem:$0x10780] =	vst v63  }
0xba: {  	_ = 	snop  }
0xbb: {  	[tilespmem:s10], [sflag:$0x9] =	stream.linear.gather [hbm4b:s7+s11], $0x80, $0x38;
	[tilespmem:$0x10780] =	vst v63  }
.LBB2_3:
0xbc: {  	v20 =	vld.msk [tilespmem:s13+$0x0], $0xffff;
	_ =	sdelay $0x4  }
0xbd: {  	(v2sf) =	vpush v20, $0x0;
	_ =	sdelay $0xe  }
0xbe: {  	s7 =	spop (v2sf)  }
0xbf: {  	s7 =	sshll.u32 s7, $0x3  }
0xc0: {  	s7 =	sand.u32 $0x7FFFFC00, s7  }
0xc1: {  	s7 =	sadd.s32 s6, s7  }
0xc2: {  	s7 =	sshrl.u32 s7, $0x3  }
0xc3: {  	s7 =	sadd.s32 s1, s7  }
0xc4: {  	[tilespmem:s24], [sflag:$0x1] =	stream.strided.gather [hbm4b:s7+s14], $0x2000, s15, s14, $0x38;
	[tilespmem:$0x10780] =	vst v63  }
0xc5: {  	v20 =	vld.idx.msk [tilespmem:v9+s13+$0x0], $0xffff;
	_ =	sdelay $0x4  }
0xc6: {  	(v2sf) =	vpush v20, $0x0;
	_ =	sdelay $0xe  }
0xc7: {  	s10 =	spop (v2sf)  }
0xc8: {  	s7 =	sshll.u32 s10, $0x3  }
0xc9: {  	s7 =	sand.u32 $0x7FFFFC00, s7  }
0xca: {  	s7 =	sadd.s32 s6, s7  }
0xcb: {  	s7 =	sshrl.u32 s7, $0x3  }
0xcc: {  	s7 =	sadd.s32 s1, s7  }
0xcd: {  	[tilespmem:s25], [sflag:$0x2] =	stream.strided.gather [hbm4b:s7+s14], $0x2000, s15, s14, $0x38;
	[tilespmem:$0x10780] =	vst v63  }
0xce: {  	v20 =	vld.idx.msk [tilespmem:v10+s13+$0x0], $0xffff;
	_ =	sdelay $0x4  }
0xcf: {  	(v2sf) =	vpush v20, $0x0;
	_ =	sdelay $0xe  }
0xd0: {  	s11 =	spop (v2sf)  }
0xd1: {  	s7 =	sshll.u32 s11, $0x3  }
0xd2: {  	s7 =	sand.u32 $0x7FFFFC00, s7  }
0xd3: {  	s7 =	sadd.s32 s6, s7  }
0xd4: {  	s7 =	sshrl.u32 s7, $0x3  }
0xd5: {  	s7 =	sadd.s32 s1, s7  }
0xd6: {  	[tilespmem:s26], [sflag:$0x3] =	stream.strided.gather [hbm4b:s7+s14], $0x2000, s15, s14, $0x38;
	[tilespmem:$0x10780] =	vst v63  }
0xd7: {  	v20 =	vld.idx.msk [tilespmem:v11+s13+$0x0], $0xffff;
	_ =	sdelay $0x4  }
0xd8: {  	(v2sf) =	vpush v20, $0x0;
	_ =	sdelay $0xe  }
0xd9: {  	s5 =	spop (v2sf)  }
0xda: {  	s7 =	sshll.u32 s5, $0x3  }
0xdb: {  	s7 =	sand.u32 $0x7FFFFC00, s7  }
0xdc: {  	s7 =	sadd.s32 s6, s7  }
0xdd: {  	s7 =	sshrl.u32 s7, $0x3  }
0xde: {  	s7 =	sadd.s32 s1, s7  }
0xdf: {  	[tilespmem:s28], [sflag:$0x4] =	stream.strided.gather [hbm4b:s7+s14], $0x2000, s15, s14, $0x38;
	[tilespmem:$0x10780] =	vst v63  }
0xe0: {  	v20 =	vld.idx.msk [tilespmem:v12+s13+$0x0], $0xffff;
	_ =	sdelay $0x4  }
0xe1: {  	(v2sf) =	vpush v20, $0x0;
	_ =	sdelay $0xe  }
0xe2: {  	s8 =	spop (v2sf)  }
0xe3: {  	s7 =	sshll.u32 s8, $0x3  }
0xe4: {  	s7 =	sand.u32 $0x7FFFFC00, s7  }
0xe5: {  	s7 =	sadd.s32 s6, s7  }
0xe6: {  	s7 =	sshrl.u32 s7, $0x3  }
0xe7: {  	s7 =	sadd.s32 s1, s7  }
0xe8: {  	[tilespmem:s29], [sflag:$0x5] =	stream.strided.gather [hbm4b:s7+s14], $0x2000, s15, s14, $0x38;
	[tilespmem:$0x10780] =	vst v63  }
0xe9: {  	v20 =	vld.idx.msk [tilespmem:v14+s13+$0x0], $0xffff;
	_ =	sdelay $0x4  }
0xea: {  	(v2sf) =	vpush v20, $0x0;
	_ =	sdelay $0xe  }
0xeb: {  	s9 =	spop (v2sf)  }
0xec: {  	s7 =	sshll.u32 s9, $0x3  }
0xed: {  	s7 =	sand.u32 $0x7FFFFC00, s7  }
0xee: {  	s7 =	sadd.s32 s6, s7  }
0xef: {  	s7 =	sshrl.u32 s7, $0x3  }
0xf0: {  	s7 =	sadd.s32 s1, s7  }
0xf1: {  	[tilespmem:s30], [sflag:$0x6] =	stream.strided.gather [hbm4b:s7+s14], $0x2000, s15, s14, $0x38;
	[tilespmem:$0x10780] =	vst v63  }
0xf2: {  	v20 =	vld.idx.msk [tilespmem:v15+s13+$0x0], $0xffff;
	_ =	sdelay $0x4  }
0xf3: {  	(v2sf) =	vpush v20, $0x0;
	_ =	sdelay $0xe  }
0xf4: {  	s10 =	spop (v2sf)  }
0xf5: {  	s7 =	sshll.u32 s10, $0x3  }
0xf6: {  	s7 =	sand.u32 $0x7FFFFC00, s7  }
0xf7: {  	s7 =	sadd.s32 s6, s7  }
0xf8: {  	s7 =	sshrl.u32 s7, $0x3  }
0xf9: {  	s7 =	sadd.s32 s1, s7  }
0xfa: {  	[tilespmem:s31], [sflag:$0x7] =	stream.strided.gather [hbm4b:s7+s14], $0x2000, s15, s14, $0x38;
	[tilespmem:$0x10780] =	vst v63  }
0xfb: {  	v20 =	vld.idx.msk [tilespmem:v16+s13+$0x0], $0xffff;
	_ =	sdelay $0x4  }
0xfc: {  	(v2sf) =	vpush v20, $0x0;
	_ =	sdelay $0xe  }
0xfd: {  	s11 =	spop (v2sf)  }
0xfe: {  	s7 =	sshll.u32 s11, $0x3  }
0xff: {  	s7 =	sand.u32 $0x7FFFFC00, s7  }
0x100: {  	s7 =	sadd.s32 s6, s7  }
0x101: {  	s7 =	sshrl.u32 s7, $0x3  }
0x102: {  	s7 =	sadd.s32 s1, s7  }
0x103: {  	[tilespmem:s0], [sflag:$0x8] =	stream.strided.gather [hbm4b:s7+s14], $0x2000, s15, s14, $0x38;
	[tilespmem:$0x10780] =	vst v63  }
0x104: {  	s7 =	simm.s32 $0x0  }
.LBB2_4:
0x105: {  	v20 =	vmov s7  }
0x106: {  	v20 =	vand.u32 $0xFFFFFFF8, v20  }
0x107: {  	v20 =	vbroadcast v20, $0x0;
	_ =	sdelay $0x2  }
0x108: {  	_ =	swait.ge [sflag:s4], $0x2000  }
0x109: {  	[sflag:s4] =	ssyncset.done $0x0  }
0x10a: {  	[sflag:s4] =	ssyncadd.s32 $0xFFFFE000  }
0x10b: {  	v21 =	vld.idx.msk [tilespmem:v20+s2+$0x0], $0xffff;
	_ =	sdelay $0x4  }
0x10c: {  	v21 =	vbroadcast v21, $0x0;
	_ =	sdelay $0x1  }
0x10d: {  	v22 =	vadd.s32 v13, v21;
	_ =	sdelay $0x2  }
0x10e: {  	v23 =	vld.idx.msk [tilespmem:v20+s3+$0x0], $0xffff  }
0x10f: {  	v20 =	vld.idx.msk [tilespmem:v20+s12+$0x0], $0xffff  }
0x110: {  	v22 =	vld.idx.msk [tilespmem:v22+s24+$0x0], $0xffff;
	_ =	sdelay $0x1  }
0x111: {  	v24 =	vld [tilespmem:$0x10280]  }
0x112: {  	v25 =	vld [tilespmem:$0x10300];
	v23 =	vbroadcast v23, $0x0  }
0x113: {  	v20 =	vbroadcast v20, $0x0  }
0x114: {  	v26 =	vmul.f32 v22, v23  }
0x115: {  	v27 =	vadd.s32 v17, v21;
	v22 =	vmul.f32 v20, v22  }
0x116: {  	v24 =	vadd.f32 v26, v24  }
0x117: {  	v22 =	vadd.f32 v25, v22  }
0x118: {  	[tilespmem:$0x10280] =	vst v24  }
0x119: {  	[tilespmem:$0x10300] =	vst v22  }
0x11a: {  	v22 =	vld.idx.msk [tilespmem:v27+s24+$0x0], $0xffff;
	_ =	sdelay $0x1  }
0x11b: {  	v43 =	vld [tilespmem:$0x10290]  }
0x11c: {  	v44 =	vld [tilespmem:$0x10310];
	_ =	sdelay $0x1  }
0x11d: {  	v45 =	vmul.f32 v22, v23  }
0x11e: {  	v46 =	vadd.s32 v18, v21;
	v22 =	vmul.f32 v22, v20  }
0x11f: {  	v24 =	vadd.f32 v45, v43  }
0x120: {  	v22 =	vadd.f32 v44, v22  }
0x121: {  	[tilespmem:$0x10290] =	vst v24  }
0x122: {  	[tilespmem:$0x10310] =	vst v22  }
0x123: {  	v22 =	vld.idx.msk [tilespmem:v46+s24+$0x0], $0xffff;
	_ =	sdelay $0x1  }
0x124: {  	v47 =	vld [tilespmem:$0x102A0]  }
0x125: {  	v48 =	vld [tilespmem:$0x10320];
	_ =	sdelay $0x1  }
0x126: {  	v49 =	vmul.f32 v22, v23  }
0x127: {  	v21 =	vadd.s32 v19, v21;
	v22 =	vmul.f32 v22, v20  }
0x128: {  	v24 =	vadd.f32 v49, v47  }
0x129: {  	v22 =	vadd.f32 v48, v22  }
0x12a: {  	[tilespmem:$0x102A0] =	vst v24  }
0x12b: {  	[tilespmem:$0x10320] =	vst v22  }
0x12c: {  	v21 =	vld.idx.msk [tilespmem:v21+s24+$0x0], $0xffff  }
0x12d: {  	p1 =	seq.s32 s7, $0x38  }
0x12e: {  	s8 =	sadd.s32 @!p1 $0x8, s7;
	v50 =	vld [tilespmem:$0x102B0]  }
0x12f: {  	v51 =	vld [tilespmem:$0x10330];
	v25 =	vmov @!p1 s8  }
0x130: {  	v25 =	vand.u32 @!p1 $0xFFFFFFF8, v25  }
0x131: {  	v25 =	vbroadcast @!p1 v25, $0x0;
	v23 =	vmul.f32 v21, v23  }
0x132: {  	v20 =	vmul.f32 v21, v20  }
0x133: {  	v52 =	vadd.f32 v23, v50  }
0x134: {  	v20 =	vadd.f32 v51, v20  }
0x135: {  	[tilespmem:$0x102B0] =	vst v52  }
0x136: {  	s8 =	simm.s32 @!p1 $0x80;
	[tilespmem:$0x10330] =	vst v20  }
0x137: {  	v20 =	vld.idx.msk @!p1 [tilespmem:v25+s8+$0x0], $0xffff;
	_ =	sdelay $0x4  }
0x138: {  	(v2sf) =	vpush @!p1 v20, $0x0;
	_ =	sdelay $0xe  }
0x139: {  	s9 =	spop @!p1 (v2sf)  }
0x13a: {  	s10 =	sadd.s32 $0x1, s7;
	s9 =	sshll.u32 @!p1 s9, $0x3  }
0x13b: {  	v20 =	vmov s10;
	s9 =	sand.u32 @!p1 $0x7FFFFC00, s9  }
0x13c: {  	v20 =	vand.u32 $0xFFFFFFF9, v20;
	s9 =	sadd.s32 @!p1 s6, s9  }
0x13d: {  	s11 =	simm.s32 @!p1 $0x280;
	v20 =	vbroadcast v20, $0x0;
	s9 =	sshrl.u32 @!p1 s9, $0x3  }
0x13e: {  	s10 =	simm.s32 @!p1 $0x2C000;
	s5 =	sadd.s32 @!p1 s1, s9;
	s9 =	simm.s32 @!p1 $0x400  }
0x13f: {  	[tilespmem:s11], [sflag:$0x1] =	stream.strided.gather @!p1 [hbm4b:s5+s9], $0x2000, s10, s9, $0x38;
	[tilespmem:$0x10780] =	vst v63  }
0x140: {  	_ =	swait.ge [sflag:s16], $0x2000  }
0x141: {  	[sflag:s16] =	ssyncset.done $0x0  }
0x142: {  	[sflag:s16] =	ssyncadd.s32 $0xFFFFE000  }
0x143: {  	v53 =	vld.idx.msk [tilespmem:v20+s2+$0x0], $0xffff;
	_ =	sdelay $0x4  }
0x144: {  	v21 =	vbroadcast v53, $0x0;
	_ =	sdelay $0x1  }
0x145: {  	v54 =	vadd.s32 v13, v21;
	_ =	sdelay $0x2  }
0x146: {  	v55 =	vld.idx.msk [tilespmem:v20+s3+$0x0], $0xffff  }
0x147: {  	v20 =	vld.idx.msk [tilespmem:v20+s12+$0x0], $0xffff  }
0x148: {  	v22 =	vld.idx.msk [tilespmem:v54+s25+$0x0], $0xffff;
	_ =	sdelay $0x1  }
0x149: {  	v56 =	vld [tilespmem:$0x10280]  }
0x14a: {  	v57 =	vld [tilespmem:$0x10300];
	v23 =	vbroadcast v55, $0x0  }
0x14b: {  	v20 =	vbroadcast v20, $0x0  }
0x14c: {  	v58 =	vmul.f32 v22, v23  }
0x14d: {  	v59 =	vadd.s32 v17, v21;
	v22 =	vmul.f32 v20, v22  }
0x14e: {  	v24 =	vadd.f32 v58, v56  }
0x14f: {  	v22 =	vadd.f32 v57, v22  }
0x150: {  	[tilespmem:$0x10280] =	vst v24  }
0x151: {  	[tilespmem:$0x10300] =	vst v22  }
0x152: {  	v22 =	vld.idx.msk [tilespmem:v59+s25+$0x0], $0xffff;
	_ =	sdelay $0x1  }
0x153: {  	v60 =	vld [tilespmem:$0x10290]  }
0x154: {  	v61 =	vld [tilespmem:$0x10310];
	_ =	sdelay $0x1  }
0x155: {  	v62 =	vmul.f32 v22, v23  }
0x156: {  	v63 =	vadd.s32 v18, v21;
	v22 =	vmul.f32 v22, v20  }
0x157: {  	v24 =	vadd.f32 v62, v60  }
0x158: {  	v22 =	vadd.f32 v61, v22  }
0x159: {  	[tilespmem:$0x10290] =	vst v24  }
0x15a: {  	[tilespmem:$0x10310] =	vst v22  }
0x15b: {  	v22 =	vld.idx.msk [tilespmem:v63+s25+$0x0], $0xffff;
	_ =	sdelay $0x1  }
0x15c: {  	v28 =	vld [tilespmem:$0x102A0]  }
0x15d: {  	v29 =	vld [tilespmem:$0x10320];
	_ =	sdelay $0x1  }
0x15e: {  	v30 =	vmul.f32 v22, v23  }
0x15f: {  	v21 =	vadd.s32 v19, v21;
	v22 =	vmul.f32 v22, v20  }
0x160: {  	v24 =	vadd.f32 v30, v28  }
0x161: {  	v22 =	vadd.f32 v29, v22  }
0x162: {  	[tilespmem:$0x102A0] =	vst v24  }
0x163: {  	[tilespmem:$0x10320] =	vst v22  }
0x164: {  	v21 =	vld.idx.msk [tilespmem:v21+s25+$0x0], $0xffff;
	_ =	sdelay $0x1  }
0x165: {  	s5 =	sadd.s32 @!p1 $0x9, s7;
	v31 =	vld [tilespmem:$0x102B0]  }
0x166: {  	v25 =	vmov @!p1 s5;
	v32 =	vld [tilespmem:$0x10330]  }
0x167: {  	v25 =	vand.u32 @!p1 $0xFFFFFFF9, v25  }
0x168: {  	v25 =	vbroadcast @!p1 v25, $0x0;
	v23 =	vmul.f32 v21, v23  }
0x169: {  	v20 =	vmul.f32 v21, v20  }
0x16a: {  	v33 =	vadd.f32 v23, v31  }
0x16b: {  	v20 =	vadd.f32 v32, v20  }
0x16c: {  	[tilespmem:$0x102B0] =	vst v33  }
0x16d: {  	[tilespmem:$0x10330] =	vst v20  }
0x16e: {  	v20 =	vld.idx.msk @!p1 [tilespmem:v25+s8+$0x0], $0xffff;
	_ =	sdelay $0x4  }
0x16f: {  	(v2sf) =	vpush @!p1 v20, $0x0;
	_ =	sdelay $0xe  }
0x170: {  	s5 =	spop @!p1 (v2sf)  }
0x171: {  	s11 =	sadd.s32 $0x2, s7;
	s5 =	sshll.u32 @!p1 s5, $0x3  }
0x172: {  	v20 =	vmov s11;
	s5 =	sand.u32 @!p1 $0x7FFFFC00, s5  }
0x173: {  	v20 =	vand.u32 $0xFFFFFFFA, v20;
	s5 =	sadd.s32 @!p1 s6, s5  }
0x174: {  	v20 =	vbroadcast v20, $0x0;
	s5 =	sshrl.u32 @!p1 s5, $0x3  }
0x175: {  	s11 =	simm.s32 @!p1 $0x2280;
	s5 =	sadd.s32 @!p1 s1, s5  }
0x176: {  	[tilespmem:s11], [sflag:$0x2] =	stream.strided.gather @!p1 [hbm4b:s5+s9], $0x2000, s10, s9, $0x38;
	[tilespmem:$0x10780] =	vst v63  }
0x177: {  	_ =	swait.ge [sflag:s17], $0x2000  }
0x178: {  	[sflag:s17] =	ssyncset.done $0x0  }
0x179: {  	[sflag:s17] =	ssyncadd.s32 $0xFFFFE000  }
0x17a: {  	v34 =	vld.idx.msk [tilespmem:v20+s2+$0x0], $0xffff;
	_ =	sdelay $0x4  }
0x17b: {  	v21 =	vbroadcast v34, $0x0;
	_ =	sdelay $0x1  }
0x17c: {  	v35 =	vadd.s32 v13, v21;
	_ =	sdelay $0x2  }
0x17d: {  	v36 =	vld.idx.msk [tilespmem:v20+s3+$0x0], $0xffff  }
0x17e: {  	v20 =	vld.idx.msk [tilespmem:v20+s12+$0x0], $0xffff  }
0x17f: {  	v22 =	vld.idx.msk [tilespmem:v35+s26+$0x0], $0xffff;
	_ =	sdelay $0x1  }
0x180: {  	v37 =	vld [tilespmem:$0x10280]  }
0x181: {  	v38 =	vld [tilespmem:$0x10300];
	v23 =	vbroadcast v36, $0x0  }
0x182: {  	v20 =	vbroadcast v20, $0x0  }
0x183: {  	v39 =	vmul.f32 v22, v23  }
0x184: {  	v40 =	vadd.s32 v17, v21;
	v22 =	vmul.f32 v20, v22  }
0x185: {  	v24 =	vadd.f32 v39, v37  }
0x186: {  	v22 =	vadd.f32 v38, v22  }
0x187: {  	[tilespmem:$0x10280] =	vst v24  }
0x188: {  	[tilespmem:$0x10300] =	vst v22  }
0x189: {  	v22 =	vld.idx.msk [tilespmem:v40+s26+$0x0], $0xffff;
	_ =	sdelay $0x1  }
0x18a: {  	v41 =	vld [tilespmem:$0x10290]  }
0x18b: {  	v42 =	vld [tilespmem:$0x10310];
	_ =	sdelay $0x1  }
0x18c: {  	v43 =	vmul.f32 v22, v23  }
0x18d: {  	v44 =	vadd.s32 v18, v21;
	v22 =	vmul.f32 v22, v20  }
0x18e: {  	v24 =	vadd.f32 v43, v41  }
0x18f: {  	v22 =	vadd.f32 v42, v22  }
0x190: {  	[tilespmem:$0x10290] =	vst v24  }
0x191: {  	[tilespmem:$0x10310] =	vst v22  }
0x192: {  	v22 =	vld.idx.msk [tilespmem:v44+s26+$0x0], $0xffff;
	_ =	sdelay $0x1  }
0x193: {  	v45 =	vld [tilespmem:$0x102A0]  }
0x194: {  	v46 =	vld [tilespmem:$0x10320];
	_ =	sdelay $0x1  }
0x195: {  	v47 =	vmul.f32 v22, v23  }
0x196: {  	v21 =	vadd.s32 v19, v21;
	v22 =	vmul.f32 v22, v20  }
0x197: {  	v24 =	vadd.f32 v47, v45  }
0x198: {  	v22 =	vadd.f32 v46, v22  }
0x199: {  	[tilespmem:$0x102A0] =	vst v24  }
0x19a: {  	[tilespmem:$0x10320] =	vst v22  }
0x19b: {  	v21 =	vld.idx.msk [tilespmem:v21+s26+$0x0], $0xffff;
	_ =	sdelay $0x1  }
0x19c: {  	s5 =	sadd.s32 @!p1 $0xA, s7;
	v48 =	vld [tilespmem:$0x102B0]  }
0x19d: {  	v25 =	vmov @!p1 s5;
	v49 =	vld [tilespmem:$0x10330]  }
0x19e: {  	v25 =	vand.u32 @!p1 $0xFFFFFFFA, v25  }
0x19f: {  	v25 =	vbroadcast @!p1 v25, $0x0;
	v23 =	vmul.f32 v21, v23  }
0x1a0: {  	v20 =	vmul.f32 v21, v20  }
0x1a1: {  	v50 =	vadd.f32 v23, v48  }
0x1a2: {  	v20 =	vadd.f32 v49, v20  }
0x1a3: {  	[tilespmem:$0x102B0] =	vst v50  }
0x1a4: {  	[tilespmem:$0x10330] =	vst v20  }
0x1a5: {  	v20 =	vld.idx.msk @!p1 [tilespmem:v25+s8+$0x0], $0xffff;
	_ =	sdelay $0x4  }
0x1a6: {  	(v2sf) =	vpush @!p1 v20, $0x0;
	_ =	sdelay $0xe  }
0x1a7: {  	s5 =	spop @!p1 (v2sf)  }
0x1a8: {  	s11 =	sadd.s32 $0x3, s7;
	s5 =	sshll.u32 @!p1 s5, $0x3  }
0x1a9: {  	v20 =	vmov s11;
	s5 =	sand.u32 @!p1 $0x7FFFFC00, s5  }
0x1aa: {  	v20 =	vand.u32 $0xFFFFFFFB, v20;
	s5 =	sadd.s32 @!p1 s6, s5  }
0x1ab: {  	v20 =	vbroadcast v20, $0x0;
	s5 =	sshrl.u32 @!p1 s5, $0x3  }
0x1ac: {  	s11 =	simm.s32 @!p1 $0x4280;
	s5 =	sadd.s32 @!p1 s1, s5  }
0x1ad: {  	[tilespmem:s11], [sflag:$0x3] =	stream.strided.gather @!p1 [hbm4b:s5+s9], $0x2000, s10, s9, $0x38;
	[tilespmem:$0x10780] =	vst v63  }
0x1ae: {  	_ =	swait.ge [sflag:s18], $0x2000  }
0x1af: {  	[sflag:s18] =	ssyncset.done $0x0  }
0x1b0: {  	[sflag:s18] =	ssyncadd.s32 $0xFFFFE000  }
0x1b1: {  	v51 =	vld.idx.msk [tilespmem:v20+s2+$0x0], $0xffff;
	_ =	sdelay $0x4  }
0x1b2: {  	v21 =	vbroadcast v51, $0x0;
	_ =	sdelay $0x1  }
0x1b3: {  	v52 =	vadd.s32 v13, v21;
	_ =	sdelay $0x2  }
0x1b4: {  	v53 =	vld.idx.msk [tilespmem:v20+s3+$0x0], $0xffff  }
0x1b5: {  	v20 =	vld.idx.msk [tilespmem:v20+s12+$0x0], $0xffff  }
0x1b6: {  	v22 =	vld.idx.msk [tilespmem:v52+s28+$0x0], $0xffff;
	_ =	sdelay $0x1  }
0x1b7: {  	v54 =	vld [tilespmem:$0x10280]  }
0x1b8: {  	v55 =	vld [tilespmem:$0x10300];
	v23 =	vbroadcast v53, $0x0  }
0x1b9: {  	v20 =	vbroadcast v20, $0x0  }
0x1ba: {  	v56 =	vmul.f32 v22, v23  }
0x1bb: {  	v57 =	vadd.s32 v17, v21;
	v22 =	vmul.f32 v20, v22  }
0x1bc: {  	v24 =	vadd.f32 v56, v54  }
0x1bd: {  	v22 =	vadd.f32 v55, v22  }
0x1be: {  	[tilespmem:$0x10280] =	vst v24  }
0x1bf: {  	[tilespmem:$0x10300] =	vst v22  }
0x1c0: {  	v22 =	vld.idx.msk [tilespmem:v57+s28+$0x0], $0xffff;
	_ =	sdelay $0x1  }
0x1c1: {  	v58 =	vld [tilespmem:$0x10290]  }
0x1c2: {  	v59 =	vld [tilespmem:$0x10310];
	_ =	sdelay $0x1  }
0x1c3: {  	v60 =	vmul.f32 v22, v23  }
0x1c4: {  	v61 =	vadd.s32 v18, v21;
	v22 =	vmul.f32 v22, v20  }
0x1c5: {  	v24 =	vadd.f32 v60, v58  }
0x1c6: {  	v22 =	vadd.f32 v59, v22  }
0x1c7: {  	[tilespmem:$0x10290] =	vst v24  }
0x1c8: {  	[tilespmem:$0x10310] =	vst v22  }
0x1c9: {  	v22 =	vld.idx.msk [tilespmem:v61+s28+$0x0], $0xffff;
	_ =	sdelay $0x1  }
0x1ca: {  	v62 =	vld [tilespmem:$0x102A0]  }
0x1cb: {  	v63 =	vld [tilespmem:$0x10320];
	_ =	sdelay $0x1  }
0x1cc: {  	v28 =	vmul.f32 v22, v23  }
0x1cd: {  	v21 =	vadd.s32 v19, v21;
	v22 =	vmul.f32 v22, v20  }
0x1ce: {  	v24 =	vadd.f32 v28, v62  }
0x1cf: {  	v22 =	vadd.f32 v63, v22  }
0x1d0: {  	[tilespmem:$0x102A0] =	vst v24  }
0x1d1: {  	[tilespmem:$0x10320] =	vst v22  }
0x1d2: {  	v21 =	vld.idx.msk [tilespmem:v21+s28+$0x0], $0xffff;
	_ =	sdelay $0x1  }
0x1d3: {  	s5 =	sadd.s32 @!p1 $0xB, s7;
	v29 =	vld [tilespmem:$0x102B0]  }
0x1d4: {  	v25 =	vmov @!p1 s5;
	v30 =	vld [tilespmem:$0x10330]  }
0x1d5: {  	v25 =	vand.u32 @!p1 $0xFFFFFFFB, v25  }
0x1d6: {  	v25 =	vbroadcast @!p1 v25, $0x0;
	v23 =	vmul.f32 v21, v23  }
0x1d7: {  	v20 =	vmul.f32 v21, v20  }
0x1d8: {  	v31 =	vadd.f32 v23, v29  }
0x1d9: {  	v20 =	vadd.f32 v30, v20  }
0x1da: {  	[tilespmem:$0x102B0] =	vst v31  }
0x1db: {  	[tilespmem:$0x10330] =	vst v20  }
0x1dc: {  	v20 =	vld.idx.msk @!p1 [tilespmem:v25+s8+$0x0], $0xffff;
	_ =	sdelay $0x4  }
0x1dd: {  	(v2sf) =	vpush @!p1 v20, $0x0;
	_ =	sdelay $0xe  }
0x1de: {  	s5 =	spop @!p1 (v2sf)  }
0x1df: {  	s11 =	sadd.s32 $0x4, s7;
	s5 =	sshll.u32 @!p1 s5, $0x3  }
0x1e0: {  	v20 =	vmov s11;
	s5 =	sand.u32 @!p1 $0x7FFFFC00, s5  }
0x1e1: {  	v20 =	vand.u32 $0xFFFFFFFC, v20;
	s5 =	sadd.s32 @!p1 s6, s5  }
0x1e2: {  	v20 =	vbroadcast v20, $0x0;
	s5 =	sshrl.u32 @!p1 s5, $0x3  }
0x1e3: {  	s11 =	simm.s32 @!p1 $0x6280;
	s5 =	sadd.s32 @!p1 s1, s5  }
0x1e4: {  	[tilespmem:s11], [sflag:$0x4] =	stream.strided.gather @!p1 [hbm4b:s5+s9], $0x2000, s10, s9, $0x38;
	[tilespmem:$0x10780] =	vst v63  }
0x1e5: {  	_ =	swait.ge [sflag:s19], $0x2000  }
0x1e6: {  	[sflag:s19] =	ssyncset.done $0x0  }
0x1e7: {  	[sflag:s19] =	ssyncadd.s32 $0xFFFFE000  }
0x1e8: {  	v32 =	vld.idx.msk [tilespmem:v20+s2+$0x0], $0xffff;
	_ =	sdelay $0x4  }
0x1e9: {  	v21 =	vbroadcast v32, $0x0;
	_ =	sdelay $0x1  }
0x1ea: {  	v33 =	vadd.s32 v13, v21;
	_ =	sdelay $0x2  }
0x1eb: {  	v34 =	vld.idx.msk [tilespmem:v20+s3+$0x0], $0xffff  }
0x1ec: {  	v20 =	vld.idx.msk [tilespmem:v20+s12+$0x0], $0xffff  }
0x1ed: {  	v22 =	vld.idx.msk [tilespmem:v33+s29+$0x0], $0xffff;
	_ =	sdelay $0x1  }
0x1ee: {  	v35 =	vld [tilespmem:$0x10280]  }
0x1ef: {  	v36 =	vld [tilespmem:$0x10300];
	v23 =	vbroadcast v34, $0x0  }
0x1f0: {  	v20 =	vbroadcast v20, $0x0  }
0x1f1: {  	v37 =	vmul.f32 v22, v23  }
0x1f2: {  	v38 =	vadd.s32 v17, v21;
	v22 =	vmul.f32 v20, v22  }
0x1f3: {  	v24 =	vadd.f32 v37, v35  }
0x1f4: {  	v22 =	vadd.f32 v36, v22  }
0x1f5: {  	[tilespmem:$0x10280] =	vst v24  }
0x1f6: {  	[tilespmem:$0x10300] =	vst v22  }
0x1f7: {  	v22 =	vld.idx.msk [tilespmem:v38+s29+$0x0], $0xffff;
	_ =	sdelay $0x1  }
0x1f8: {  	v39 =	vld [tilespmem:$0x10290]  }
0x1f9: {  	v40 =	vld [tilespmem:$0x10310];
	_ =	sdelay $0x1  }
0x1fa: {  	v41 =	vmul.f32 v22, v23  }
0x1fb: {  	v42 =	vadd.s32 v18, v21;
	v22 =	vmul.f32 v22, v20  }
0x1fc: {  	v24 =	vadd.f32 v41, v39  }
0x1fd: {  	v22 =	vadd.f32 v40, v22  }
0x1fe: {  	[tilespmem:$0x10290] =	vst v24  }
0x1ff: {  	[tilespmem:$0x10310] =	vst v22  }
0x200: {  	v22 =	vld.idx.msk [tilespmem:v42+s29+$0x0], $0xffff;
	_ =	sdelay $0x1  }
0x201: {  	v43 =	vld [tilespmem:$0x102A0]  }
0x202: {  	v44 =	vld [tilespmem:$0x10320];
	_ =	sdelay $0x1  }
0x203: {  	v45 =	vmul.f32 v22, v23  }
0x204: {  	v21 =	vadd.s32 v19, v21;
	v22 =	vmul.f32 v22, v20  }
0x205: {  	v24 =	vadd.f32 v45, v43  }
0x206: {  	v22 =	vadd.f32 v44, v22  }
0x207: {  	[tilespmem:$0x102A0] =	vst v24  }
0x208: {  	[tilespmem:$0x10320] =	vst v22  }
0x209: {  	v21 =	vld.idx.msk [tilespmem:v21+s29+$0x0], $0xffff;
	_ =	sdelay $0x1  }
0x20a: {  	s5 =	sadd.s32 @!p1 $0xC, s7;
	v46 =	vld [tilespmem:$0x102B0]  }
0x20b: {  	v25 =	vmov @!p1 s5;
	v47 =	vld [tilespmem:$0x10330]  }
0x20c: {  	v25 =	vand.u32 @!p1 $0xFFFFFFFC, v25  }
0x20d: {  	v25 =	vbroadcast @!p1 v25, $0x0;
	v23 =	vmul.f32 v21, v23  }
0x20e: {  	v20 =	vmul.f32 v21, v20  }
0x20f: {  	v48 =	vadd.f32 v23, v46  }
0x210: {  	v20 =	vadd.f32 v47, v20  }
0x211: {  	[tilespmem:$0x102B0] =	vst v48  }
0x212: {  	[tilespmem:$0x10330] =	vst v20  }
0x213: {  	v20 =	vld.idx.msk @!p1 [tilespmem:v25+s8+$0x0], $0xffff;
	_ =	sdelay $0x4  }
0x214: {  	(v2sf) =	vpush @!p1 v20, $0x0;
	_ =	sdelay $0xe  }
0x215: {  	s5 =	spop @!p1 (v2sf)  }
0x216: {  	s11 =	sadd.s32 $0x5, s7;
	s5 =	sshll.u32 @!p1 s5, $0x3  }
0x217: {  	v20 =	vmov s11;
	s5 =	sand.u32 @!p1 $0x7FFFFC00, s5  }
0x218: {  	v20 =	vand.u32 $0xFFFFFFFD, v20;
	s5 =	sadd.s32 @!p1 s6, s5  }
0x219: {  	v20 =	vbroadcast v20, $0x0;
	s5 =	sshrl.u32 @!p1 s5, $0x3  }
0x21a: {  	s11 =	simm.s32 @!p1 $0x8280;
	s5 =	sadd.s32 @!p1 s1, s5  }
0x21b: {  	[tilespmem:s11], [sflag:$0x5] =	stream.strided.gather @!p1 [hbm4b:s5+s9], $0x2000, s10, s9, $0x38;
	[tilespmem:$0x10780] =	vst v63  }
0x21c: {  	_ =	swait.ge [sflag:s20], $0x2000  }
0x21d: {  	[sflag:s20] =	ssyncset.done $0x0  }
0x21e: {  	[sflag:s20] =	ssyncadd.s32 $0xFFFFE000  }
0x21f: {  	v49 =	vld.idx.msk [tilespmem:v20+s2+$0x0], $0xffff;
	_ =	sdelay $0x4  }
0x220: {  	v21 =	vbroadcast v49, $0x0;
	_ =	sdelay $0x1  }
0x221: {  	v50 =	vadd.s32 v13, v21;
	_ =	sdelay $0x2  }
0x222: {  	v51 =	vld.idx.msk [tilespmem:v20+s3+$0x0], $0xffff  }
0x223: {  	v20 =	vld.idx.msk [tilespmem:v20+s12+$0x0], $0xffff  }
0x224: {  	v22 =	vld.idx.msk [tilespmem:v50+s30+$0x0], $0xffff;
	_ =	sdelay $0x1  }
0x225: {  	v52 =	vld [tilespmem:$0x10280]  }
0x226: {  	v53 =	vld [tilespmem:$0x10300];
	v23 =	vbroadcast v51, $0x0  }
0x227: {  	v20 =	vbroadcast v20, $0x0  }
0x228: {  	v54 =	vmul.f32 v22, v23  }
0x229: {  	v55 =	vadd.s32 v17, v21;
	v22 =	vmul.f32 v20, v22  }
0x22a: {  	v24 =	vadd.f32 v54, v52  }
0x22b: {  	v22 =	vadd.f32 v53, v22  }
0x22c: {  	[tilespmem:$0x10280] =	vst v24  }
0x22d: {  	[tilespmem:$0x10300] =	vst v22  }
0x22e: {  	v22 =	vld.idx.msk [tilespmem:v55+s30+$0x0], $0xffff;
	_ =	sdelay $0x1  }
0x22f: {  	v56 =	vld [tilespmem:$0x10290]  }
0x230: {  	v57 =	vld [tilespmem:$0x10310];
	_ =	sdelay $0x1  }
0x231: {  	v58 =	vmul.f32 v22, v23  }
0x232: {  	v59 =	vadd.s32 v18, v21;
	v22 =	vmul.f32 v22, v20  }
0x233: {  	v24 =	vadd.f32 v58, v56  }
0x234: {  	v22 =	vadd.f32 v57, v22  }
0x235: {  	[tilespmem:$0x10290] =	vst v24  }
0x236: {  	[tilespmem:$0x10310] =	vst v22  }
0x237: {  	v22 =	vld.idx.msk [tilespmem:v59+s30+$0x0], $0xffff;
	_ =	sdelay $0x1  }
0x238: {  	v60 =	vld [tilespmem:$0x102A0]  }
0x239: {  	v61 =	vld [tilespmem:$0x10320];
	_ =	sdelay $0x1  }
0x23a: {  	v62 =	vmul.f32 v22, v23  }
0x23b: {  	v21 =	vadd.s32 v19, v21;
	v22 =	vmul.f32 v22, v20  }
0x23c: {  	v24 =	vadd.f32 v62, v60  }
0x23d: {  	v22 =	vadd.f32 v61, v22  }
0x23e: {  	[tilespmem:$0x102A0] =	vst v24  }
0x23f: {  	[tilespmem:$0x10320] =	vst v22  }
0x240: {  	v21 =	vld.idx.msk [tilespmem:v21+s30+$0x0], $0xffff;
	_ =	sdelay $0x1  }
0x241: {  	s5 =	sadd.s32 @!p1 $0xD, s7;
	v63 =	vld [tilespmem:$0x102B0]  }
0x242: {  	v25 =	vmov @!p1 s5;
	v28 =	vld [tilespmem:$0x10330]  }
0x243: {  	v25 =	vand.u32 @!p1 $0xFFFFFFFD, v25  }
0x244: {  	v25 =	vbroadcast @!p1 v25, $0x0;
	v23 =	vmul.f32 v21, v23  }
0x245: {  	v20 =	vmul.f32 v21, v20  }
0x246: {  	v29 =	vadd.f32 v23, v63  }
0x247: {  	v20 =	vadd.f32 v28, v20  }
0x248: {  	[tilespmem:$0x102B0] =	vst v29  }
0x249: {  	[tilespmem:$0x10330] =	vst v20  }
0x24a: {  	v20 =	vld.idx.msk @!p1 [tilespmem:v25+s8+$0x0], $0xffff;
	_ =	sdelay $0x4  }
0x24b: {  	(v2sf) =	vpush @!p1 v20, $0x0;
	_ =	sdelay $0xe  }
0x24c: {  	s5 =	spop @!p1 (v2sf)  }
0x24d: {  	s11 =	sadd.s32 $0x6, s7;
	s5 =	sshll.u32 @!p1 s5, $0x3  }
0x24e: {  	v20 =	vmov s11;
	s5 =	sand.u32 @!p1 $0x7FFFFC00, s5  }
0x24f: {  	v20 =	vand.u32 $0xFFFFFFFE, v20;
	s5 =	sadd.s32 @!p1 s6, s5  }
0x250: {  	v20 =	vbroadcast v20, $0x0;
	s5 =	sshrl.u32 @!p1 s5, $0x3  }
0x251: {  	s11 =	simm.s32 @!p1 $0xA280;
	s5 =	sadd.s32 @!p1 s1, s5  }
0x252: {  	[tilespmem:s11], [sflag:$0x6] =	stream.strided.gather @!p1 [hbm4b:s5+s9], $0x2000, s10, s9, $0x38;
	[tilespmem:$0x10780] =	vst v63  }
0x253: {  	_ =	swait.ge [sflag:s21], $0x2000  }
0x254: {  	[sflag:s21] =	ssyncset.done $0x0  }
0x255: {  	[sflag:s21] =	ssyncadd.s32 $0xFFFFE000  }
0x256: {  	v30 =	vld.idx.msk [tilespmem:v20+s2+$0x0], $0xffff;
	_ =	sdelay $0x4  }
0x257: {  	v21 =	vbroadcast v30, $0x0;
	_ =	sdelay $0x1  }
0x258: {  	v31 =	vadd.s32 v13, v21;
	_ =	sdelay $0x2  }
0x259: {  	v32 =	vld.idx.msk [tilespmem:v20+s3+$0x0], $0xffff  }
0x25a: {  	v20 =	vld.idx.msk [tilespmem:v20+s12+$0x0], $0xffff  }
0x25b: {  	v22 =	vld.idx.msk [tilespmem:v31+s31+$0x0], $0xffff;
	_ =	sdelay $0x1  }
0x25c: {  	v33 =	vld [tilespmem:$0x10280]  }
0x25d: {  	v34 =	vld [tilespmem:$0x10300];
	v23 =	vbroadcast v32, $0x0  }
0x25e: {  	v20 =	vbroadcast v20, $0x0  }
0x25f: {  	v35 =	vmul.f32 v22, v23  }
0x260: {  	v36 =	vadd.s32 v17, v21;
	v22 =	vmul.f32 v20, v22  }
0x261: {  	v24 =	vadd.f32 v35, v33  }
0x262: {  	v22 =	vadd.f32 v34, v22  }
0x263: {  	[tilespmem:$0x10280] =	vst v24  }
0x264: {  	[tilespmem:$0x10300] =	vst v22  }
0x265: {  	v22 =	vld.idx.msk [tilespmem:v36+s31+$0x0], $0xffff;
	_ =	sdelay $0x1  }
0x266: {  	v37 =	vld [tilespmem:$0x10290]  }
0x267: {  	v38 =	vld [tilespmem:$0x10310];
	_ =	sdelay $0x1  }
0x268: {  	v39 =	vmul.f32 v22, v23  }
0x269: {  	v40 =	vadd.s32 v18, v21;
	v22 =	vmul.f32 v22, v20  }
0x26a: {  	v24 =	vadd.f32 v39, v37  }
0x26b: {  	v22 =	vadd.f32 v38, v22  }
0x26c: {  	[tilespmem:$0x10290] =	vst v24  }
0x26d: {  	[tilespmem:$0x10310] =	vst v22  }
0x26e: {  	v22 =	vld.idx.msk [tilespmem:v40+s31+$0x0], $0xffff;
	_ =	sdelay $0x1  }
0x26f: {  	v41 =	vld [tilespmem:$0x102A0]  }
0x270: {  	v42 =	vld [tilespmem:$0x10320];
	_ =	sdelay $0x1  }
0x271: {  	v43 =	vmul.f32 v22, v23  }
0x272: {  	v21 =	vadd.s32 v19, v21;
	v22 =	vmul.f32 v22, v20  }
0x273: {  	v24 =	vadd.f32 v43, v41  }
0x274: {  	v22 =	vadd.f32 v42, v22  }
0x275: {  	[tilespmem:$0x102A0] =	vst v24  }
0x276: {  	[tilespmem:$0x10320] =	vst v22  }
0x277: {  	v21 =	vld.idx.msk [tilespmem:v21+s31+$0x0], $0xffff;
	_ =	sdelay $0x1  }
0x278: {  	s5 =	sadd.s32 @!p1 $0xE, s7;
	v44 =	vld [tilespmem:$0x102B0]  }
0x279: {  	v25 =	vmov @!p1 s5;
	v45 =	vld [tilespmem:$0x10330]  }
0x27a: {  	v25 =	vand.u32 @!p1 $0xFFFFFFFE, v25  }
0x27b: {  	v25 =	vbroadcast @!p1 v25, $0x0;
	v23 =	vmul.f32 v21, v23  }
0x27c: {  	v20 =	vmul.f32 v21, v20  }
0x27d: {  	v46 =	vadd.f32 v23, v44  }
0x27e: {  	v20 =	vadd.f32 v45, v20  }
0x27f: {  	[tilespmem:$0x102B0] =	vst v46  }
0x280: {  	[tilespmem:$0x10330] =	vst v20  }
0x281: {  	v20 =	vld.idx.msk @!p1 [tilespmem:v25+s8+$0x0], $0xffff;
	_ =	sdelay $0x4  }
0x282: {  	(v2sf) =	vpush @!p1 v20, $0x0;
	_ =	sdelay $0xe  }
0x283: {  	s5 =	spop @!p1 (v2sf)  }
0x284: {  	s5 =	sshll.u32 @!p1 s5, $0x3  }
0x285: {  	s5 =	sand.u32 @!p1 $0x7FFFFC00, s5  }
0x286: {  	s5 =	sadd.s32 @!p1 s6, s5  }
0x287: {  	s11 =	sadd.s32 $0x7, s7;
	s5 =	sshrl.u32 @!p1 s5, $0x3  }
0x288: {  	s8 =	simm.s32 @!p1 $0xC280;
	v20 =	vmov s11;
	s5 =	sadd.s32 @!p1 s1, s5  }
0x289: {  	[tilespmem:s8], [sflag:$0x7] =	stream.strided.gather @!p1 [hbm4b:s5+s9], $0x2000, s10, s9, $0x38;
	[tilespmem:$0x10780] =	vst v63  }
0x28a: {  	_ =	swait.ge [sflag:s22], $0x2000  }
0x28b: {  	[sflag:s22] =	ssyncset.done $0x0  }
0x28c: {  	[sflag:s22] =	ssyncadd.s32 $0xFFFFE000  }
0x28d: {  	v47 =	vld.idx.msk [tilespmem:v20+s2+$0x0], $0xffff;
	_ =	sdelay $0x4  }
0x28e: {  	v21 =	vbroadcast v47, $0x0;
	_ =	sdelay $0x1  }
0x28f: {  	v48 =	vadd.s32 v13, v21;
	_ =	sdelay $0x2  }
0x290: {  	v49 =	vld.idx.msk [tilespmem:v20+s3+$0x0], $0xffff  }
0x291: {  	v20 =	vld.idx.msk [tilespmem:v20+s12+$0x0], $0xffff  }
0x292: {  	v22 =	vld.idx.msk [tilespmem:v48+s0+$0x0], $0xffff;
	_ =	sdelay $0x1  }
0x293: {  	v50 =	vld [tilespmem:$0x10280]  }
0x294: {  	v51 =	vld [tilespmem:$0x10300];
	v23 =	vbroadcast v49, $0x0  }
0x295: {  	v20 =	vbroadcast v20, $0x0  }
0x296: {  	v52 =	vmul.f32 v22, v23  }
0x297: {  	v53 =	vadd.s32 v17, v21;
	v22 =	vmul.f32 v20, v22  }
0x298: {  	v24 =	vadd.f32 v52, v50  }
0x299: {  	v22 =	vadd.f32 v51, v22  }
0x29a: {  	[tilespmem:$0x10280] =	vst v24  }
0x29b: {  	[tilespmem:$0x10300] =	vst v22  }
0x29c: {  	v22 =	vld.idx.msk [tilespmem:v53+s0+$0x0], $0xffff;
	_ =	sdelay $0x1  }
0x29d: {  	v54 =	vld [tilespmem:$0x10290]  }
0x29e: {  	v55 =	vld [tilespmem:$0x10310];
	_ =	sdelay $0x1  }
0x29f: {  	v56 =	vmul.f32 v22, v23  }
0x2a0: {  	v57 =	vadd.s32 v18, v21;
	v22 =	vmul.f32 v22, v20  }
0x2a1: {  	v24 =	vadd.f32 v56, v54  }
0x2a2: {  	v22 =	vadd.f32 v55, v22  }
0x2a3: {  	[tilespmem:$0x10290] =	vst v24  }
0x2a4: {  	[tilespmem:$0x10310] =	vst v22  }
0x2a5: {  	v22 =	vld.idx.msk [tilespmem:v57+s0+$0x0], $0xffff;
	_ =	sdelay $0x1  }
0x2a6: {  	v58 =	vld [tilespmem:$0x102A0]  }
0x2a7: {  	v59 =	vld [tilespmem:$0x10320];
	_ =	sdelay $0x1  }
0x2a8: {  	v60 =	vmul.f32 v22, v23  }
0x2a9: {  	v21 =	vadd.s32 v19, v21;
	v22 =	vmul.f32 v22, v20  }
0x2aa: {  	v24 =	vadd.f32 v60, v58  }
0x2ab: {  	v22 =	vadd.f32 v59, v22  }
0x2ac: {  	[tilespmem:$0x102A0] =	vst v24  }
0x2ad: {  	[tilespmem:$0x10320] =	vst v22  }
0x2ae: {  	v21 =	vld.idx.msk [tilespmem:v21+s0+$0x0], $0xffff;
	_ =	sdelay $0x1  }
0x2af: {  	v61 =	vld [tilespmem:$0x102B0]  }
0x2b0: {  	v62 =	vld [tilespmem:$0x10330];
	_ =	sdelay $0x1  }
0x2b1: {  	v23 =	vmul.f32 v21, v23  }
.Ltmp3:
0x2b2: {  	v20 =	vmul.f32 v21, v20;
	(pc) =	sbr.rel @p1 .LBB2_6-.Ltmp3, $4  }
0x2b3: {  	v63 =	vadd.f32 v23, v61  }
0x2b4: {  	v20 =	vadd.f32 v62, v20  }
0x2b5: {  	[tilespmem:$0x102B0] =	vst v63  }
0x2b6: {  	[tilespmem:$0x10330] =	vst v20  }
0x2b7: {  	s5 =	sadd.s32 $0xF, s7  }
0x2b8: {  	v20 =	vmov s5;
	_ =	sdelay $0x4  }
0x2b9: {  	v20 =	vld.idx.msk [tilespmem:v20+s13+$0x0], $0xffff;
	_ =	sdelay $0x4  }
0x2ba: {  	(v2sf) =	vpush v20, $0x0;
	_ =	sdelay $0xe  }
0x2bb: {  	s11 =	spop (v2sf)  }
0x2bc: {  	s5 =	sshll.u32 s11, $0x3  }
.Ltmp4:
0x2bd: {  	s5 =	sand.u32 $0x7FFFFC00, s5;
	(pc) =	sbr.rel .LBB2_4-.Ltmp4, $4  }
0x2be: {  	s5 =	sadd.s32 s6, s5  }
0x2bf: {  	s5 =	sshrl.u32 s5, $0x3  }
0x2c0: {  	s7 =	sadd.s32 $0x8, s7;
	s5 =	sadd.s32 s1, s5  }
0x2c1: {  	[tilespmem:s0], [sflag:$0x8] =	stream.strided.gather [hbm4b:s5+s14], $0x2000, s15, s14, $0x38;
	[tilespmem:$0x10780] =	vst v63  }
.LBB2_7:
0x2c2: {  	_ =	sfence.sel $0x180000  }
0x2c3: {  	[bflag:$0x0] =	sbarrier.arrive $0xFFFF  }
0x2c4: {  	_ =	strace $0x90000047  }
0x2c5: {  	s0 =	stileid.u32;
	[bflag:$0x2] =	sbarrier.arrive $0xFFFF  }
0x2c6: {  	p0 =	sne.s32 s0, $0x0;
	s0 =	rddreg [dreg:$0x4]  }
0x2c7: {  	s0 =	sadd.s32 @!p0 $0x100000, s0  }
0x2c8: {  	[sflag:s0] =	ssyncadd.tile.s32 @!p0 $0x1;
	_ =	shalt  }
.Lfunc_end2:
_tile_overlayer_lowered:
.L_overlay_start_2:
0x2c9: {  	(tag) =	ssettag $0x2  }
0x2ca: {  	s0 =	rddreg [dreg:$0x0];
	s2 =	stileid.u32  }
0x2cb: {  	s1 =	rddreg [dreg:$0x1];
	p0 =	sne.s32 s2, $0x0  }
0x2cc: {  	s3 =	rddreg [dreg:$0x2];
	[bflag:$0x3] =	sbarrier.arrive $0xFFFF;
	s2 =	simm.s32 @!p0 $0x1C0A  }
0x2cd: {  	[timem:s3], [sflag:s2] =	dma.local @!p0 [hbm:s0], s1  }
0x2ce: {  	s0 =	simm.s32 @!p0 $0xA  }
0x2cf: {  	_ =	swait.ge @!p0 [sflag:s0], s1  }
0x2d0: {  	s1 =	ssub.s32 @!p0 $0x0, s1;
	[sflag:s0] =	ssyncset.done @!p0 $0x0  }
0x2d1: {  	[sflag:s0] =	ssyncadd.s32 @!p0 s1  }
0x2d2: {  	[bflag:$0x3] =	sbarrier.arrive $0xFFFF  }
0x2d3: {  	_ =	shalt  }

</sc_bundles>
